<compile_context>
chip_gen: v7x
topology: tpu7x:2x2x1
jax: 0.10.2.dev20260603
libtpu: 0.0.44.dev20260713+nightly
codegen_flags: <defaults>
</compile_context>

<pallas_src>
import functools

import jax
import jax.numpy as jnp
from jax import lax
from jax.experimental import pallas as pl
from jax.experimental.pallas import tpu as pltpu
from jax.experimental.pallas import tpu_sc as plsc

N = 10000
D_IN = 128
D_H = 256
NP = 10240
NPA = 10112
E_PAD = 327680
ROWS = E_PAD // 128
CPT_DEG = ROWS // 32
STRIPE = NP // 16

_MESH = plsc.VectorSubcoreMesh(core_axis_name="c", subcore_axis_name="s",
                               num_cores=2)
_SC_PARAMS = pltpu.CompilerParams(use_tc_tiling_on_sc=False)
_HIGH = jax.lax.Precision.DEFAULT



@functools.partial(
    pl.kernel,
    out_type=jax.ShapeDtypeStruct((2, NP, 16), jnp.float32),
    mesh=_MESH,
    compiler_params=_SC_PARAMS,
    scratch_types=[
        pltpu.VMEM((CPT_DEG, 128), jnp.int32),
        pltpu.VMEM((128, 16), jnp.float32),
        pltpu.VMEM_SHARED((NP, 16), jnp.float32),
    ],
)
def _deg_sc(dst2d, zeros16, ones16, out, idx_v, stage_v, acc):
    c = lax.axis_index("c")
    s = lax.axis_index("s")
    w = c * 16 + s
    pltpu.sync_copy(zeros16, stage_v)
    for k in range(STRIPE // 128):
        pltpu.sync_copy(stage_v, acc.at[pl.ds(s * STRIPE + k * 128, 128)])
    pltpu.sync_copy(dst2d.at[pl.ds(w * CPT_DEG, CPT_DEG)], idx_v)
    plsc.subcore_barrier()
    pltpu.sync_copy(ones16, stage_v)

    def body(j, carry):
        pltpu.sync_copy(stage_v, acc.at[idx_v.at[j]], add=True)
        return carry

    lax.fori_loop(0, CPT_DEG, body, 0)
    plsc.subcore_barrier()
    pltpu.sync_copy(acc.at[pl.ds(s * STRIPE, STRIPE)],
                    out.at[c].at[pl.ds(s * STRIPE, STRIPE)])


_NBUF = 3
_DEPTH = 2
_CH = 64
_NCHP = 160
_PIECES = 2
_ASTRIPE = NPA // 16


@functools.partial(
    pl.kernel,
    out_type=jax.ShapeDtypeStruct((2, NPA, 128), jnp.float32),
    mesh=_MESH,
    compiler_params=_SC_PARAMS,
    scratch_types=[
        pltpu.VMEM((_NCHP, _CH), jnp.int32),
        pltpu.VMEM((_NCHP, _CH), jnp.int32),
        [pltpu.VMEM((_CH, 128), jnp.float32)] * _NBUF,
        [pltpu.SemaphoreType.DMA] * _NBUF,
        [pltpu.SemaphoreType.DMA] * _NBUF,
        pltpu.VMEM_SHARED((NPA, 128), jnp.float32),
    ],
)
def _agg_sc(y_st, src64, dst64, zeros_c, out, src_v, dst_v, sts, sgs,
            sss, acc):
    c = lax.axis_index("c")
    s = lax.axis_index("s")
    pltpu.sync_copy(zeros_c, sts[0])
    for k in range(9):
        pltpu.sync_copy(sts[0], acc.at[pl.ds(s * _ASTRIPE + k * _CH, _CH)])
    pltpu.sync_copy(sts[0].at[pl.ds(0, 56)],
                    acc.at[pl.ds(s * _ASTRIPE + 576, 56)])
    plsc.subcore_barrier()
    ytab = y_st.at[c]

    def wait1(buf, sem):
        pltpu.make_async_copy(zeros_c, buf, sem).wait()

    for pc in range(_PIECES):
        base = s * (_PIECES * _NCHP) + pc * _NCHP
        pltpu.sync_copy(src64.at[pl.ds(base, _NCHP)], src_v)
        pltpu.sync_copy(dst64.at[pl.ds(base, _NCHP)], dst_v)
        for b in range(_DEPTH):
            pltpu.async_copy(ytab.at[src_v.at[b]], sts[b], sgs[b])

        def body(i, carry):
            for t in range(_NBUF):
                j = i * _NBUF + t
                wait1(sts[t], sgs[t])
                pltpu.async_copy(sts[t], acc.at[dst_v.at[j]],
                                 sss[t], add=True)
                b2 = (t + _DEPTH) % _NBUF

                @pl.when(j >= _NBUF - _DEPTH)
                def _drain():
                    wait1(sts[b2], sss[b2])

                @pl.when(j + _DEPTH < _NCHP)
                def _refill():
                    pltpu.async_copy(ytab.at[src_v.at[j + _DEPTH]],
                                     sts[b2], sgs[b2])

            return carry

        _NFULL = _NCHP // _NBUF
        lax.fori_loop(0, _NFULL, body, 0)
        for j in range(_NFULL * _NBUF, _NCHP):
            t = j % _NBUF
            wait1(sts[t], sgs[t])
            pltpu.async_copy(sts[t], acc.at[dst_v.at[j]], sss[t], add=True)
            wait1(sts[(t + _DEPTH) % _NBUF], sss[(t + _DEPTH) % _NBUF])
        for k in range(_NCHP - (_NBUF - _DEPTH), _NCHP):
            wait1(sts[k % _NBUF], sss[k % _NBUF])
    plsc.subcore_barrier()
    pltpu.sync_copy(acc.at[pl.ds(s * _ASTRIPE, _ASTRIPE)],
                    out.at[c].at[pl.ds(s * _ASTRIPE, _ASTRIPE)])



_BLK = 400
_GRID = N // _BLK


def _dinv_of(d0, d1):
    deg = d0[:, :1] + d1[:, :1] + 1.0
    return lax.rsqrt(deg)


def _tc1_body(x_ref, w_ref, d0_ref, d1_ref, y_ref):
    dinv = _dinv_of(d0_ref[...], d1_ref[...])
    y = jnp.dot(x_ref[...], w_ref[...], precision=_HIGH,
                preferred_element_type=jnp.float32) * dinv
    y_ref[0] = y[:, :128]
    y_ref[1] = y[:, 128:]


def _ln_lrelu(pre, g, be):
    m = jnp.mean(pre, axis=1, keepdims=True)
    cz = pre - m
    var = jnp.mean(cz * cz, axis=1, keepdims=True)
    ln = cz * lax.rsqrt(var + 1e-5) * g + be
    return jnp.where(ln >= 0, ln, 0.2 * ln)


def _tc2_body(a_ref, y_ref, d0_ref, d1_ref, b_ref, g_ref, be_ref, w2_ref,
              out_ref):
    dinv = _dinv_of(d0_ref[...], d1_ref[...])
    agg = jnp.concatenate([a_ref[0], a_ref[1]], axis=1)
    y = jnp.concatenate([y_ref[0], y_ref[1]], axis=1)
    pre = (agg + y) * dinv + b_ref[...]
    h = _ln_lrelu(pre, g_ref[...], be_ref[...])
    xw = jnp.dot(h, w2_ref[...], precision=_HIGH,
                 preferred_element_type=jnp.float32) * dinv
    out_ref[0] = xw[:, :128]
    out_ref[1] = xw[:, 128:]


def _tc3_body(a_ref, y_ref, d0_ref, d1_ref, b_ref, g_ref, be_ref,
              wa1_ref, ba1_ref, wa2_ref, ba2_ref, h_ref, s_ref):
    dinv = _dinv_of(d0_ref[...], d1_ref[...])
    agg = jnp.concatenate([a_ref[0], a_ref[1]], axis=1)
    y = jnp.concatenate([y_ref[0], y_ref[1]], axis=1)
    pre = (agg + y) * dinv + b_ref[...]
    h = _ln_lrelu(pre, g_ref[...], be_ref[...])
    h_ref[...] = h
    t = jnp.tanh(jnp.dot(h, wa1_ref[...], precision=_HIGH,
                         preferred_element_type=jnp.float32) + ba1_ref[...])
    s_ref[...] = jnp.dot(t, wa2_ref[...], precision=_HIGH,
                         preferred_element_type=jnp.float32) + ba2_ref[...]


def _tc4_body(s_ref, h_ref, att_ref, gf_ref):
    sc = s_ref[...]
    m = jnp.max(sc)
    e = jnp.exp(sc - m)
    z = jnp.sum(e)
    att = e / z
    att_ref[...] = att
    gf_ref[...] = lax.dot_general(att, h_ref[...], (((0,), (0,)), ((), ())),
                                  precision=_HIGH,
                                  preferred_element_type=jnp.float32)


def _row_spec(width):
    return pl.BlockSpec((_BLK, width), lambda i: (i, 0))


def _full_spec(shape):
    nd = len(shape)
    return pl.BlockSpec(shape, lambda i: (0,) * nd)


def _split_spec():
    return pl.BlockSpec((2, _BLK, 128), lambda i: (0, i, 0))


def kernel(x, edge_index, W1, b1, g1, be1, W2, b2, g2, be2, Wa1, ba1, Wa2, ba2):
    e = edge_index.shape[1]
    pad = E_PAD - e
    src = edge_index[0].astype(jnp.int32)
    dst = edge_index[1].astype(jnp.int32)
    src_p = jnp.concatenate([src, jnp.zeros((pad,), jnp.int32)])
    dst_p = jnp.concatenate([dst, jnp.full((pad,), N, jnp.int32)])
    src64 = src_p.reshape(E_PAD // 64, 64)
    dst64 = dst_p.reshape(E_PAD // 64, 64)
    dst2d = dst_p.reshape(ROWS, 128)
    zeros16 = jnp.zeros((128, 16), jnp.float32)
    ones16 = jnp.ones((128, 16), jnp.float32)
    zeros_c = jnp.zeros((64, 128), jnp.float32)
    b1r, g1r, be1r = b1.reshape(1, -1), g1.reshape(1, -1), be1.reshape(1, -1)
    b2r, g2r, be2r = b2.reshape(1, -1), g2.reshape(1, -1), be2.reshape(1, -1)
    ba1r, ba2r = ba1.reshape(1, -1), ba2.reshape(1, -1)

    deg2 = _deg_sc(dst2d, zeros16, ones16)
    deg0 = deg2[0, :N]
    deg1 = deg2[1, :N]

    y1 = pl.pallas_call(
        _tc1_body,
        grid=(_GRID,),
        in_specs=[_row_spec(D_IN), _full_spec((D_IN, D_H)),
                  _row_spec(16), _row_spec(16)],
        out_specs=_split_spec(),
        out_shape=jax.ShapeDtypeStruct((2, N, 128), jnp.float32),
    )(x, W1, deg0, deg1)

    agg1 = _agg_sc(y1, src64, dst64, zeros_c)

    y2 = pl.pallas_call(
        _tc2_body,
        grid=(_GRID,),
        in_specs=[_split_spec(), _split_spec(), _row_spec(16), _row_spec(16),
                  _full_spec((1, D_H)), _full_spec((1, D_H)),
                  _full_spec((1, D_H)), _full_spec((D_H, D_H))],
        out_specs=_split_spec(),
        out_shape=jax.ShapeDtypeStruct((2, N, 128), jnp.float32),
    )(agg1, y1, deg0, deg1, b1r, g1r, be1r, W2)

    agg2 = _agg_sc(y2, src64, dst64, zeros_c)

    h2, s = pl.pallas_call(
        _tc3_body,
        grid=(_GRID,),
        in_specs=[_split_spec(), _split_spec(), _row_spec(16), _row_spec(16),
                  _full_spec((1, D_H)), _full_spec((1, D_H)),
                  _full_spec((1, D_H)), _full_spec((D_H, D_H)),
                  _full_spec((1, D_H)), _full_spec((D_H, 1)),
                  _full_spec((1, 1))],
        out_specs=[_row_spec(D_H), _row_spec(1)],
        out_shape=[jax.ShapeDtypeStruct((N, D_H), jnp.float32),
                   jax.ShapeDtypeStruct((N, 1), jnp.float32)],
    )(agg2, y2, deg0, deg1, b2r, g2r, be2r, Wa1, ba1r, Wa2, ba2r)

    att, gf = pl.pallas_call(
        _tc4_body,
        grid=(1,),
        in_specs=[_full_spec((N, 1)), _full_spec((N, D_H))],
        out_specs=[_full_spec((N, 1)), _full_spec((1, D_H))],
        out_shape=[jax.ShapeDtypeStruct((N, 1), jnp.float32),
                   jax.ShapeDtypeStruct((1, D_H), jnp.float32)],
    )(s, h2)

    return gf, att.reshape(N)

# --- scband reference (transcript-rebuilt; emitter-appended) ---
"""Pipeline reference for scband-gcn-gated-attn-51917564674534 (READ-ONLY COPY).

The authoritative reference and input builder live on the scoring server;
editing this copy changes nothing except your own understanding.
"""

import jax, jax.numpy as jnp
import numpy as np

N = 10000
E = 320000
D_IN = 128
D_H = 256


def _gcn(x, src, dst, W, b, n):
    deg = jnp.zeros((n,), x.dtype).at[dst].add(1.0)
    dinv = jnp.where(deg > 0, deg ** -0.5, 0.0)
    norm = dinv[src] * dinv[dst]
    xw = x @ W
    msg = xw[src] * norm[:, None]
    out = jax.ops.segment_sum(msg, dst, num_segments=n)
    return out + b


def _ln(x, g, b, eps=1e-5):
    m = jnp.mean(x, axis=-1, keepdims=True)
    v = jnp.var(x, axis=-1, keepdims=True)
    return (x - m) / jnp.sqrt(v + eps) * g + b


def _lrelu(x):
    return jnp.where(x >= 0, x, 0.2 * x)


def setup_inputs(seed: int = 0) -> dict:
    key = jax.random.key(seed)
    ks = jax.random.split(key, 14)
    x = jax.random.normal(ks[0], (N, D_IN), jnp.float32)
    edge_index = jax.random.randint(ks[1], (2, E), 0, N)
    W1 = jax.random.normal(ks[2], (D_IN, D_H), jnp.float32) * (1.0 / np.sqrt(D_IN))
    b1 = jnp.zeros((D_H,), jnp.float32)
    g1 = jnp.ones((D_H,), jnp.float32)
    be1 = jnp.zeros((D_H,), jnp.float32)
    W2 = jax.random.normal(ks[3], (D_H, D_H), jnp.float32) * (1.0 / np.sqrt(D_H))
    b2 = jnp.zeros((D_H,), jnp.float32)
    g2 = jnp.ones((D_H,), jnp.float32)
    be2 = jnp.zeros((D_H,), jnp.float32)
    Wa1 = jax.random.normal(ks[4], (D_H, D_H), jnp.float32) * (1.0 / np.sqrt(D_H))
    ba1 = jnp.zeros((D_H,), jnp.float32)
    Wa2 = jax.random.normal(ks[5], (D_H, 1), jnp.float32) * (1.0 / np.sqrt(D_H))
    ba2 = jnp.zeros((1,), jnp.float32)
    return {"x": x, "edge_index": edge_index, "W1": W1, "b1": b1, "g1": g1,
            "be1": be1, "W2": W2, "b2": b2, "g2": g2, "be2": be2,
            "Wa1": Wa1, "ba1": ba1, "Wa2": Wa2, "ba2": ba2}


def reference(x, edge_index, W1, b1, g1, be1, W2, b2, g2, be2, Wa1, ba1, Wa2, ba2):
    n = x.shape[0]
    loop = jnp.arange(n, dtype=edge_index.dtype)
    src = jnp.concatenate([edge_index[0], loop])
    dst = jnp.concatenate([edge_index[1], loop])
    h = _gcn(x, src, dst, W1, b1, n)
    h = _lrelu(_ln(h, g1, be1))
    # dropout is identity in eval mode
    h = _gcn(h, src, dst, W2, b2, n)
    h = _lrelu(_ln(h, g2, be2))
    att_score = (jnp.tanh(h @ Wa1 + ba1) @ Wa2 + ba2).squeeze(-1)
    att_weight = jax.nn.softmax(att_score, axis=0)
    graph_feature = jnp.sum(h * att_weight[:, None], axis=0)
    return (graph_feature[None, :], att_weight)

if __name__ == "__main__":
    import jax
    _d = setup_inputs()
    print(jax.jit(kernel)(*tuple(_d.values())))

</pallas_src>

<mosaic_0001>
#map = affine_map<(d0, d1) -> (0, 0)>
#map1 = affine_map<(d0, d1) -> (0, 0, 0)>
module attributes {stable_mosaic.version = 14 : i64} {
  func.func @_deg_sc(%arg0: i32, %arg1: i32, %arg2: memref<2560x128xi32, #tpu.memory_space<hbm>>, %arg3: memref<128x16xf32, #tpu.memory_space<hbm>>, %arg4: memref<128x16xf32, #tpu.memory_space<hbm>>, %arg5: memref<2x10240x16xf32, #tpu.memory_space<hbm>>, %arg6: memref<80x128xi32, #tpu.memory_space<vmem>>, %arg7: memref<128x16xf32, #tpu.memory_space<vmem>>, %arg8: memref<10240x16xf32, #tpu.memory_space<vmem_shared>>) attributes {dimension_semantics = [#tpu.dimension_semantics<core_parallel>, #tpu.dimension_semantics<subcore_parallel>], iteration_bounds = array<i64: 2, 16>, scalar_prefetch = 0 : i64, scratch_operands = 3 : i64, tpu.core_type = #tpu.core_type<sc_vector_subcore>, window_params = [{transform_indices = #map}, {transform_indices = #map}, {transform_indices = #map}, {transform_indices = #map1}]} {
    %mul3A = arith.constant 16 : i32
    %mul3A_0 = arith.muli %arg0, %mul3A : i32
    %add3A = arith.addi %mul3A_0, %arg1 : i32
    "tpu.region"() ({
      %run_scoped3A = tpu.sem_alloc : memref<!tpu.dma_semaphore, #tpu.memory_space<semaphore_mem>>
      tpu.enqueue_dma source(%arg3 : memref<128x16xf32, #tpu.memory_space<hbm>>) target(%arg7 : memref<128x16xf32, #tpu.memory_space<vmem>>) target_semaphore(%run_scoped3A : memref<!tpu.dma_semaphore, #tpu.memory_space<semaphore_mem>>)
      tpu.wait_dma2 semaphore(%run_scoped3A : memref<!tpu.dma_semaphore, #tpu.memory_space<semaphore_mem>>) src(%arg3 : memref<128x16xf32, #tpu.memory_space<hbm>>) dst(%arg7 : memref<128x16xf32, #tpu.memory_space<vmem>>)
      tpu.yield
    }) : () -> ()
    %mul3A_1 = arith.constant 640 : i32
    %mul3A_2 = arith.muli %arg1, %mul3A_1 : i32
    %add3A_3 = arith.constant 0 : i32
    %add3A_4 = arith.addi %mul3A_2, %add3A_3 : i32
    "tpu.region"() ({
      %run_scoped3A = tpu.sem_alloc : memref<!tpu.dma_semaphore, #tpu.memory_space<semaphore_mem>>
      %dma_start3A = arith.constant 0 : i32
      %dma_start3A_33 = tpu.memref_slice %arg8[%add3A_4, %dma_start3A] : memref<10240x16xf32, #tpu.memory_space<vmem_shared>> -> memref<128x16xf32, #tpu.memory_space<vmem_shared>>
      %dma_start3A_34 = arith.constant 0 : i32
      %dma_start3A_35 = tpu.memref_slice %arg8[%add3A_4, %dma_start3A_34] : memref<10240x16xf32, #tpu.memory_space<vmem_shared>> -> memref<128x16xf32, #tpu.memory_space<vmem_shared>>
      tpu.enqueue_dma source(%arg7 : memref<128x16xf32, #tpu.memory_space<vmem>>) target(%dma_start3A_35 : memref<128x16xf32, #tpu.memory_space<vmem_shared>>) target_semaphore(%run_scoped3A : memref<!tpu.dma_semaphore, #tpu.memory_space<semaphore_mem>>)
      %dma_wait3A = arith.constant 0 : i32
      %dma_wait3A_36 = tpu.memref_slice %arg8[%add3A_4, %dma_wait3A] : memref<10240x16xf32, #tpu.memory_space<vmem_shared>> -> memref<128x16xf32, #tpu.memory_space<vmem_shared>>
      %dma_wait3A_37 = arith.constant 0 : i32
      %dma_wait3A_38 = tpu.memref_slice %arg8[%add3A_4, %dma_wait3A_37] : memref<10240x16xf32, #tpu.memory_space<vmem_shared>> -> memref<128x16xf32, #tpu.memory_space<vmem_shared>>
      tpu.wait_dma2 semaphore(%run_scoped3A : memref<!tpu.dma_semaphore, #tpu.memory_space<semaphore_mem>>) src(%arg7 : memref<128x16xf32, #tpu.memory_space<vmem>>) dst(%dma_wait3A_38 : memref<128x16xf32, #tpu.memory_space<vmem_shared>>)
      tpu.yield
    }) : () -> ()
    %mul3A_5 = arith.constant 640 : i32
    %mul3A_6 = arith.muli %arg1, %mul3A_5 : i32
    %add3A_7 = arith.constant 128 : i32
    %add3A_8 = arith.addi %mul3A_6, %add3A_7 : i32
    "tpu.region"() ({
      %run_scoped3A = tpu.sem_alloc : memref<!tpu.dma_semaphore, #tpu.memory_space<semaphore_mem>>
      %dma_start3A = arith.constant 0 : i32
      %dma_start3A_33 = tpu.memref_slice %arg8[%add3A_8, %dma_start3A] : memref<10240x16xf32, #tpu.memory_space<vmem_shared>> -> memref<128x16xf32, #tpu.memory_space<vmem_shared>>
      %dma_start3A_34 = arith.constant 0 : i32
      %dma_start3A_35 = tpu.memref_slice %arg8[%add3A_8, %dma_start3A_34] : memref<10240x16xf32, #tpu.memory_space<vmem_shared>> -> memref<128x16xf32, #tpu.memory_space<vmem_shared>>
      tpu.enqueue_dma source(%arg7 : memref<128x16xf32, #tpu.memory_space<vmem>>) target(%dma_start3A_35 : memref<128x16xf32, #tpu.memory_space<vmem_shared>>) target_semaphore(%run_scoped3A : memref<!tpu.dma_semaphore, #tpu.memory_space<semaphore_mem>>)
      %dma_wait3A = arith.constant 0 : i32
      %dma_wait3A_36 = tpu.memref_slice %arg8[%add3A_8, %dma_wait3A] : memref<10240x16xf32, #tpu.memory_space<vmem_shared>> -> memref<128x16xf32, #tpu.memory_space<vmem_shared>>
      %dma_wait3A_37 = arith.constant 0 : i32
      %dma_wait3A_38 = tpu.memref_slice %arg8[%add3A_8, %dma_wait3A_37] : memref<10240x16xf32, #tpu.memory_space<vmem_shared>> -> memref<128x16xf32, #tpu.memory_space<vmem_shared>>
      tpu.wait_dma2 semaphore(%run_scoped3A : memref<!tpu.dma_semaphore, #tpu.memory_space<semaphore_mem>>) src(%arg7 : memref<128x16xf32, #tpu.memory_space<vmem>>) dst(%dma_wait3A_38 : memref<128x16xf32, #tpu.memory_space<vmem_shared>>)
      tpu.yield
    }) : () -> ()
    %mul3A_9 = arith.constant 640 : i32
    %mul3A_10 = arith.muli %arg1, %mul3A_9 : i32
    %add3A_11 = arith.constant 256 : i32
    %add3A_12 = arith.addi %mul3A_10, %add3A_11 : i32
    "tpu.region"() ({
      %run_scoped3A = tpu.sem_alloc : memref<!tpu.dma_semaphore, #tpu.memory_space<semaphore_mem>>
      %dma_start3A = arith.constant 0 : i32
      %dma_start3A_33 = tpu.memref_slice %arg8[%add3A_12, %dma_start3A] : memref<10240x16xf32, #tpu.memory_space<vmem_shared>> -> memref<128x16xf32, #tpu.memory_space<vmem_shared>>
      %dma_start3A_34 = arith.constant 0 : i32
      %dma_start3A_35 = tpu.memref_slice %arg8[%add3A_12, %dma_start3A_34] : memref<10240x16xf32, #tpu.memory_space<vmem_shared>> -> memref<128x16xf32, #tpu.memory_space<vmem_shared>>
      tpu.enqueue_dma source(%arg7 : memref<128x16xf32, #tpu.memory_space<vmem>>) target(%dma_start3A_35 : memref<128x16xf32, #tpu.memory_space<vmem_shared>>) target_semaphore(%run_scoped3A : memref<!tpu.dma_semaphore, #tpu.memory_space<semaphore_mem>>)
      %dma_wait3A = arith.constant 0 : i32
      %dma_wait3A_36 = tpu.memref_slice %arg8[%add3A_12, %dma_wait3A] : memref<10240x16xf32, #tpu.memory_space<vmem_shared>> -> memref<128x16xf32, #tpu.memory_space<vmem_shared>>
      %dma_wait3A_37 = arith.constant 0 : i32
      %dma_wait3A_38 = tpu.memref_slice %arg8[%add3A_12, %dma_wait3A_37] : memref<10240x16xf32, #tpu.memory_space<vmem_shared>> -> memref<128x16xf32, #tpu.memory_space<vmem_shared>>
      tpu.wait_dma2 semaphore(%run_scoped3A : memref<!tpu.dma_semaphore, #tpu.memory_space<semaphore_mem>>) src(%arg7 : memref<128x16xf32, #tpu.memory_space<vmem>>) dst(%dma_wait3A_38 : memref<128x16xf32, #tpu.memory_space<vmem_shared>>)
      tpu.yield
    }) : () -> ()
    %mul3A_13 = arith.constant 640 : i32
    %mul3A_14 = arith.muli %arg1, %mul3A_13 : i32
    %add3A_15 = arith.constant 384 : i32
    %add3A_16 = arith.addi %mul3A_14, %add3A_15 : i32
    "tpu.region"() ({
      %run_scoped3A = tpu.sem_alloc : memref<!tpu.dma_semaphore, #tpu.memory_space<semaphore_mem>>
      %dma_start3A = arith.constant 0 : i32
      %dma_start3A_33 = tpu.memref_slice %arg8[%add3A_16, %dma_start3A] : memref<10240x16xf32, #tpu.memory_space<vmem_shared>> -> memref<128x16xf32, #tpu.memory_space<vmem_shared>>
      %dma_start3A_34 = arith.constant 0 : i32
      %dma_start3A_35 = tpu.memref_slice %arg8[%add3A_16, %dma_start3A_34] : memref<10240x16xf32, #tpu.memory_space<vmem_shared>> -> memref<128x16xf32, #tpu.memory_space<vmem_shared>>
      tpu.enqueue_dma source(%arg7 : memref<128x16xf32, #tpu.memory_space<vmem>>) target(%dma_start3A_35 : memref<128x16xf32, #tpu.memory_space<vmem_shared>>) target_semaphore(%run_scoped3A : memref<!tpu.dma_semaphore, #tpu.memory_space<semaphore_mem>>)
      %dma_wait3A = arith.constant 0 : i32
      %dma_wait3A_36 = tpu.memref_slice %arg8[%add3A_16, %dma_wait3A] : memref<10240x16xf32, #tpu.memory_space<vmem_shared>> -> memref<128x16xf32, #tpu.memory_space<vmem_shared>>
      %dma_wait3A_37 = arith.constant 0 : i32
      %dma_wait3A_38 = tpu.memref_slice %arg8[%add3A_16, %dma_wait3A_37] : memref<10240x16xf32, #tpu.memory_space<vmem_shared>> -> memref<128x16xf32, #tpu.memory_space<vmem_shared>>
      tpu.wait_dma2 semaphore(%run_scoped3A : memref<!tpu.dma_semaphore, #tpu.memory_space<semaphore_mem>>) src(%arg7 : memref<128x16xf32, #tpu.memory_space<vmem>>) dst(%dma_wait3A_38 : memref<128x16xf32, #tpu.memory_space<vmem_shared>>)
      tpu.yield
    }) : () -> ()
    %mul3A_17 = arith.constant 640 : i32
    %mul3A_18 = arith.muli %arg1, %mul3A_17 : i32
    %add3A_19 = arith.constant 512 : i32
    %add3A_20 = arith.addi %mul3A_18, %add3A_19 : i32
    "tpu.region"() ({
      %run_scoped3A = tpu.sem_alloc : memref<!tpu.dma_semaphore, #tpu.memory_space<semaphore_mem>>
      %dma_start3A = arith.constant 0 : i32
      %dma_start3A_33 = tpu.memref_slice %arg8[%add3A_20, %dma_start3A] : memref<10240x16xf32, #tpu.memory_space<vmem_shared>> -> memref<128x16xf32, #tpu.memory_space<vmem_shared>>
      %dma_start3A_34 = arith.constant 0 : i32
      %dma_start3A_35 = tpu.memref_slice %arg8[%add3A_20, %dma_start3A_34] : memref<10240x16xf32, #tpu.memory_space<vmem_shared>> -> memref<128x16xf32, #tpu.memory_space<vmem_shared>>
      tpu.enqueue_dma source(%arg7 : memref<128x16xf32, #tpu.memory_space<vmem>>) target(%dma_start3A_35 : memref<128x16xf32, #tpu.memory_space<vmem_shared>>) target_semaphore(%run_scoped3A : memref<!tpu.dma_semaphore, #tpu.memory_space<semaphore_mem>>)
      %dma_wait3A = arith.constant 0 : i32
      %dma_wait3A_36 = tpu.memref_slice %arg8[%add3A_20, %dma_wait3A] : memref<10240x16xf32, #tpu.memory_space<vmem_shared>> -> memref<128x16xf32, #tpu.memory_space<vmem_shared>>
      %dma_wait3A_37 = arith.constant 0 : i32
      %dma_wait3A_38 = tpu.memref_slice %arg8[%add3A_20, %dma_wait3A_37] : memref<10240x16xf32, #tpu.memory_space<vmem_shared>> -> memref<128x16xf32, #tpu.memory_space<vmem_shared>>
      tpu.wait_dma2 semaphore(%run_scoped3A : memref<!tpu.dma_semaphore, #tpu.memory_space<semaphore_mem>>) src(%arg7 : memref<128x16xf32, #tpu.memory_space<vmem>>) dst(%dma_wait3A_38 : memref<128x16xf32, #tpu.memory_space<vmem_shared>>)
      tpu.yield
    }) : () -> ()
    %mul3A_21 = arith.constant 80 : i32
    %mul3A_22 = arith.muli %add3A, %mul3A_21 : i32
    "tpu.region"() ({
      %run_scoped3A = tpu.sem_alloc : memref<!tpu.dma_semaphore, #tpu.memory_space<semaphore_mem>>
      %dma_start3A = arith.constant 0 : i32
      %dma_start3A_33 = tpu.memref_slice %arg2[%mul3A_22, %dma_start3A] : memref<2560x128xi32, #tpu.memory_space<hbm>> -> memref<80x128xi32, #tpu.memory_space<hbm>>
      %dma_start3A_34 = arith.constant 0 : i32
      %dma_start3A_35 = tpu.memref_slice %arg2[%mul3A_22, %dma_start3A_34] : memref<2560x128xi32, #tpu.memory_space<hbm>> -> memref<80x128xi32, #tpu.memory_space<hbm>>
      tpu.enqueue_dma source(%dma_start3A_35 : memref<80x128xi32, #tpu.memory_space<hbm>>) target(%arg6 : memref<80x128xi32, #tpu.memory_space<vmem>>) target_semaphore(%run_scoped3A : memref<!tpu.dma_semaphore, #tpu.memory_space<semaphore_mem>>)
      %dma_wait3A = arith.constant 0 : i32
      %dma_wait3A_36 = tpu.memref_slice %arg2[%mul3A_22, %dma_wait3A] : memref<2560x128xi32, #tpu.memory_space<hbm>> -> memref<80x128xi32, #tpu.memory_space<hbm>>
      %dma_wait3A_37 = arith.constant 0 : i32
      %dma_wait3A_38 = tpu.memref_slice %arg2[%mul3A_22, %dma_wait3A_37] : memref<2560x128xi32, #tpu.memory_space<hbm>> -> memref<80x128xi32, #tpu.memory_space<hbm>>
      tpu.wait_dma2 semaphore(%run_scoped3A : memref<!tpu.dma_semaphore, #tpu.memory_space<semaphore_mem>>) src(%dma_wait3A_38 : memref<80x128xi32, #tpu.memory_space<hbm>>) dst(%arg6 : memref<80x128xi32, #tpu.memory_space<vmem>>)
      tpu.yield
    }) : () -> ()
    %barrier3A = arith.constant 0 : index
    tpu.barrier barrier_id(%barrier3A)
    "tpu.region"() ({
      %run_scoped3A = tpu.sem_alloc : memref<!tpu.dma_semaphore, #tpu.memory_space<semaphore_mem>>
      tpu.enqueue_dma source(%arg4 : memref<128x16xf32, #tpu.memory_space<hbm>>) target(%arg7 : memref<128x16xf32, #tpu.memory_space<vmem>>) target_semaphore(%run_scoped3A : memref<!tpu.dma_semaphore, #tpu.memory_space<semaphore_mem>>)
      tpu.wait_dma2 semaphore(%run_scoped3A : memref<!tpu.dma_semaphore, #tpu.memory_space<semaphore_mem>>) src(%arg4 : memref<128x16xf32, #tpu.memory_space<hbm>>) dst(%arg7 : memref<128x16xf32, #tpu.memory_space<vmem>>)
      tpu.yield
    }) : () -> ()
    %scan3A = arith.constant 0 : i32
    %scan3A_23 = arith.constant 0 : i32
    %scan3A_24 = arith.constant 80 : i32
    %scan3A_25 = arith.addi %scan3A_23, %scan3A_24 : i32
    %scan3A_26 = arith.constant 1 : i32
    scf.for %scan3A_33 = %scan3A_23 to %scan3A_25 step %scan3A_26  : i32 {
      "tpu.region"() ({
        %run_scoped3A = tpu.sem_alloc : memref<!tpu.dma_semaphore, #tpu.memory_space<semaphore_mem>>
        %dma_start3A = arith.constant 0 : i32
        %dma_start3A_34 = tpu.memref_slice %arg6[%scan3A_33, %dma_start3A] : memref<80x128xi32, #tpu.memory_space<vmem>> -> memref<1x128xi32, #tpu.memory_space<vmem>>
        %dma_start3A_35 = tpu.memref_squeeze %dma_start3A_34 : memref<1x128xi32, #tpu.memory_space<vmem>> -> memref<128xi32, #tpu.memory_space<vmem>>
        %dma_start3A_36 = arith.constant 0 : i32
        %dma_start3A_37 = arith.constant 0 : i32
        %dma_start3A_38 = tpu.memref_slice %arg8[%dma_start3A_36, %dma_start3A_37] : memref<10240x16xf32, #tpu.memory_space<vmem_shared>> -> memref<10240x16xf32, #tpu.memory_space<vmem_shared>>
        tpu.enqueue_indirect_dma source(%arg7 : memref<128x16xf32, #tpu.memory_space<vmem>>) target(%dma_start3A_38 : memref<10240x16xf32, #tpu.memory_space<vmem_shared>>) offsets(%dma_start3A_35 : memref<128xi32, #tpu.memory_space<vmem>>) semaphore(%run_scoped3A : memref<!tpu.dma_semaphore, #tpu.memory_space<semaphore_mem>>) {add = true}
        %dma_wait3A = arith.constant 0 : i32
        %dma_wait3A_39 = tpu.memref_slice %arg6[%scan3A_33, %dma_wait3A] : memref<80x128xi32, #tpu.memory_space<vmem>> -> memref<1x128xi32, #tpu.memory_space<vmem>>
        %dma_wait3A_40 = tpu.memref_squeeze %dma_wait3A_39 : memref<1x128xi32, #tpu.memory_space<vmem>> -> memref<128xi32, #tpu.memory_space<vmem>>
        %dma_wait3A_41 = arith.constant 0 : i32
        %dma_wait3A_42 = arith.constant 0 : i32
        %dma_wait3A_43 = tpu.memref_slice %arg8[%dma_wait3A_41, %dma_wait3A_42] : memref<10240x16xf32, #tpu.memory_space<vmem_shared>> -> memref<10240x16xf32, #tpu.memory_space<vmem_shared>>
        tpu.wait_indirect_dma semaphore(%run_scoped3A : memref<!tpu.dma_semaphore, #tpu.memory_space<semaphore_mem>>) src(%arg7 : memref<128x16xf32, #tpu.memory_space<vmem>>) dst(%dma_wait3A_43 : memref<10240x16xf32, #tpu.memory_space<vmem_shared>>)
        tpu.yield
      }) : () -> ()
    }
    %scan3A_27 = arith.constant 80 : i32
    %barrier3A_28 = arith.constant 0 : index
    tpu.barrier barrier_id(%barrier3A_28)
    %mul3A_29 = arith.constant 640 : i32
    %mul3A_30 = arith.muli %arg1, %mul3A_29 : i32
    %mul3A_31 = arith.constant 640 : i32
    %mul3A_32 = arith.muli %arg1, %mul3A_31 : i32
    "tpu.region"() ({
      %run_scoped3A = tpu.sem_alloc : memref<!tpu.dma_semaphore, #tpu.memory_space<semaphore_mem>>
      %dma_start3A = arith.constant 0 : i32
      %dma_start3A_33 = arith.constant 0 : i32
      %dma_start3A_34 = tpu.memref_slice %arg5[%arg0, %dma_start3A, %dma_start3A_33] : memref<2x10240x16xf32, #tpu.memory_space<hbm>> -> memref<1x10240x16xf32, #tpu.memory_space<hbm>>
      %dma_start3A_35 = tpu.memref_squeeze %dma_start3A_34 : memref<1x10240x16xf32, #tpu.memory_space<hbm>> -> memref<10240x16xf32, #tpu.memory_space<hbm>>
      %dma_start3A_36 = arith.constant 0 : i32
      %dma_start3A_37 = tpu.memref_slice %dma_start3A_35[%mul3A_32, %dma_start3A_36] : memref<10240x16xf32, #tpu.memory_space<hbm>> -> memref<640x16xf32, #tpu.memory_space<hbm>>
      %dma_start3A_38 = arith.constant 0 : i32
      %dma_start3A_39 = tpu.memref_slice %arg8[%mul3A_30, %dma_start3A_38] : memref<10240x16xf32, #tpu.memory_space<vmem_shared>> -> memref<640x16xf32, #tpu.memory_space<vmem_shared>>
      tpu.enqueue_dma source(%dma_start3A_39 : memref<640x16xf32, #tpu.memory_space<vmem_shared>>) target(%dma_start3A_37 : memref<640x16xf32, #tpu.memory_space<hbm>>) target_semaphore(%run_scoped3A : memref<!tpu.dma_semaphore, #tpu.memory_space<semaphore_mem>>)
      %dma_wait3A = arith.constant 0 : i32
      %dma_wait3A_40 = arith.constant 0 : i32
      %dma_wait3A_41 = tpu.memref_slice %arg5[%arg0, %dma_wait3A, %dma_wait3A_40] : memref<2x10240x16xf32, #tpu.memory_space<hbm>> -> memref<1x10240x16xf32, #tpu.memory_space<hbm>>
      %dma_wait3A_42 = tpu.memref_squeeze %dma_wait3A_41 : memref<1x10240x16xf32, #tpu.memory_space<hbm>> -> memref<10240x16xf32, #tpu.memory_space<hbm>>
      %dma_wait3A_43 = arith.constant 0 : i32
      %dma_wait3A_44 = tpu.memref_slice %dma_wait3A_42[%mul3A_32, %dma_wait3A_43] : memref<10240x16xf32, #tpu.memory_space<hbm>> -> memref<640x16xf32, #tpu.memory_space<hbm>>
      %dma_wait3A_45 = arith.constant 0 : i32
      %dma_wait3A_46 = tpu.memref_slice %arg8[%mul3A_30, %dma_wait3A_45] : memref<10240x16xf32, #tpu.memory_space<vmem_shared>> -> memref<640x16xf32, #tpu.memory_space<vmem_shared>>
      tpu.wait_dma2 semaphore(%run_scoped3A : memref<!tpu.dma_semaphore, #tpu.memory_space<semaphore_mem>>) src(%dma_wait3A_46 : memref<640x16xf32, #tpu.memory_space<vmem_shared>>) dst(%dma_wait3A_44 : memref<640x16xf32, #tpu.memory_space<hbm>>)
      tpu.yield
    }) : () -> ()
    return
  }
}

#map = affine_map<(d0, d1) -> (0, 0, 0)>
#map1 = affine_map<(d0, d1) -> (0, 0)>
module attributes {stable_mosaic.version = 14 : i64} {
  func.func @_agg_sc(%arg0: i32, %arg1: i32, %arg2: memref<2x10000x128xf32, #tpu.memory_space<hbm>>, %arg3: memref<5120x64xi32, #tpu.memory_space<hbm>>, %arg4: memref<5120x64xi32, #tpu.memory_space<hbm>>, %arg5: memref<64x128xf32, #tpu.memory_space<hbm>>, %arg6: memref<2x10112x128xf32, #tpu.memory_space<hbm>>, %arg7: memref<160x64xi32, #tpu.memory_space<vmem>>, %arg8: memref<160x64xi32, #tpu.memory_space<vmem>>, %arg9: memref<64x128xf32, #tpu.memory_space<vmem>>, %arg10: memref<64x128xf32, #tpu.memory_space<vmem>>, %arg11: memref<64x128xf32, #tpu.memory_space<vmem>>, %arg12: memref<!tpu.dma_semaphore, #tpu.memory_space<semaphore_mem>>, %arg13: memref<!tpu.dma_semaphore, #tpu.memory_space<semaphore_mem>>, %arg14: memref<!tpu.dma_semaphore, #tpu.memory_space<semaphore_mem>>, %arg15: memref<!tpu.dma_semaphore, #tpu.memory_space<semaphore_mem>>, %arg16: memref<!tpu.dma_semaphore, #tpu.memory_space<semaphore_mem>>, %arg17: memref<!tpu.dma_semaphore, #tpu.memory_space<semaphore_mem>>, %arg18: memref<10112x128xf32, #tpu.memory_space<vmem_shared>>) attributes {dimension_semantics = [#tpu.dimension_semantics<core_parallel>, #tpu.dimension_semantics<subcore_parallel>], iteration_bounds = array<i64: 2, 16>, scalar_prefetch = 0 : i64, scratch_operands = 12 : i64, tpu.core_type = #tpu.core_type<sc_vector_subcore>, window_params = [{transform_indices = #map}, {transform_indices = #map1}, {transform_indices = #map1}, {transform_indices = #map1}, {transform_indices = #map}]} {
    "tpu.region"() ({
      %run_scoped3A = tpu.sem_alloc : memref<!tpu.dma_semaphore, #tpu.memory_space<semaphore_mem>>
      tpu.enqueue_dma source(%arg5 : memref<64x128xf32, #tpu.memory_space<hbm>>) target(%arg9 : memref<64x128xf32, #tpu.memory_space<vmem>>) target_semaphore(%run_scoped3A : memref<!tpu.dma_semaphore, #tpu.memory_space<semaphore_mem>>)
      tpu.wait_dma2 semaphore(%run_scoped3A : memref<!tpu.dma_semaphore, #tpu.memory_space<semaphore_mem>>) src(%arg5 : memref<64x128xf32, #tpu.memory_space<hbm>>) dst(%arg9 : memref<64x128xf32, #tpu.memory_space<vmem>>)
      tpu.yield
    }) : () -> ()
    %mul3A = arith.constant 632 : i32
    %mul3A_0 = arith.muli %arg1, %mul3A : i32
    %add3A = arith.constant 0 : i32
    %add3A_1 = arith.addi %mul3A_0, %add3A : i32
    "tpu.region"() ({
      %run_scoped3A = tpu.sem_alloc : memref<!tpu.dma_semaphore, #tpu.memory_space<semaphore_mem>>
      %dma_start3A_119 = arith.constant 0 : i32
      %dma_start3A_120 = tpu.memref_slice %arg18[%add3A_1, %dma_start3A_119] : memref<10112x128xf32, #tpu.memory_space<vmem_shared>> -> memref<64x128xf32, #tpu.memory_space<vmem_shared>>
      %dma_start3A_121 = arith.constant 0 : i32
      %dma_start3A_122 = tpu.memref_slice %arg18[%add3A_1, %dma_start3A_121] : memref<10112x128xf32, #tpu.memory_space<vmem_shared>> -> memref<64x128xf32, #tpu.memory_space<vmem_shared>>
      tpu.enqueue_dma source(%arg9 : memref<64x128xf32, #tpu.memory_space<vmem>>) target(%dma_start3A_122 : memref<64x128xf32, #tpu.memory_space<vmem_shared>>) target_semaphore(%run_scoped3A : memref<!tpu.dma_semaphore, #tpu.memory_space<semaphore_mem>>)
      %dma_wait3A = arith.constant 0 : i32
      %dma_wait3A_123 = tpu.memref_slice %arg18[%add3A_1, %dma_wait3A] : memref<10112x128xf32, #tpu.memory_space<vmem_shared>> -> memref<64x128xf32, #tpu.memory_space<vmem_shared>>
      %dma_wait3A_124 = arith.constant 0 : i32
      %dma_wait3A_125 = tpu.memref_slice %arg18[%add3A_1, %dma_wait3A_124] : memref<10112x128xf32, #tpu.memory_space<vmem_shared>> -> memref<64x128xf32, #tpu.memory_space<vmem_shared>>
      tpu.wait_dma2 semaphore(%run_scoped3A : memref<!tpu.dma_semaphore, #tpu.memory_space<semaphore_mem>>) src(%arg9 : memref<64x128xf32, #tpu.memory_space<vmem>>) dst(%dma_wait3A_125 : memref<64x128xf32, #tpu.memory_space<vmem_shared>>)
      tpu.yield
    }) : () -> ()
    %mul3A_2 = arith.constant 632 : i32
    %mul3A_3 = arith.muli %arg1, %mul3A_2 : i32
    %add3A_4 = arith.constant 64 : i32
    %add3A_5 = arith.addi %mul3A_3, %add3A_4 : i32
    "tpu.region"() ({
      %run_scoped3A = tpu.sem_alloc : memref<!tpu.dma_semaphore, #tpu.memory_space<semaphore_mem>>
      %dma_start3A_119 = arith.constant 0 : i32
      %dma_start3A_120 = tpu.memref_slice %arg18[%add3A_5, %dma_start3A_119] : memref<10112x128xf32, #tpu.memory_space<vmem_shared>> -> memref<64x128xf32, #tpu.memory_space<vmem_shared>>
      %dma_start3A_121 = arith.constant 0 : i32
      %dma_start3A_122 = tpu.memref_slice %arg18[%add3A_5, %dma_start3A_121] : memref<10112x128xf32, #tpu.memory_space<vmem_shared>> -> memref<64x128xf32, #tpu.memory_space<vmem_shared>>
      tpu.enqueue_dma source(%arg9 : memref<64x128xf32, #tpu.memory_space<vmem>>) target(%dma_start3A_122 : memref<64x128xf32, #tpu.memory_space<vmem_shared>>) target_semaphore(%run_scoped3A : memref<!tpu.dma_semaphore, #tpu.memory_space<semaphore_mem>>)
      %dma_wait3A = arith.constant 0 : i32
      %dma_wait3A_123 = tpu.memref_slice %arg18[%add3A_5, %dma_wait3A] : memref<10112x128xf32, #tpu.memory_space<vmem_shared>> -> memref<64x128xf32, #tpu.memory_space<vmem_shared>>
      %dma_wait3A_124 = arith.constant 0 : i32
      %dma_wait3A_125 = tpu.memref_slice %arg18[%add3A_5, %dma_wait3A_124] : memref<10112x128xf32, #tpu.memory_space<vmem_shared>> -> memref<64x128xf32, #tpu.memory_space<vmem_shared>>
      tpu.wait_dma2 semaphore(%run_scoped3A : memref<!tpu.dma_semaphore, #tpu.memory_space<semaphore_mem>>) src(%arg9 : memref<64x128xf32, #tpu.memory_space<vmem>>) dst(%dma_wait3A_125 : memref<64x128xf32, #tpu.memory_space<vmem_shared>>)
      tpu.yield
    }) : () -> ()
    %mul3A_6 = arith.constant 632 : i32
    %mul3A_7 = arith.muli %arg1, %mul3A_6 : i32
    %add3A_8 = arith.constant 128 : i32
    %add3A_9 = arith.addi %mul3A_7, %add3A_8 : i32
    "tpu.region"() ({
      %run_scoped3A = tpu.sem_alloc : memref<!tpu.dma_semaphore, #tpu.memory_space<semaphore_mem>>
      %dma_start3A_119 = arith.constant 0 : i32
      %dma_start3A_120 = tpu.memref_slice %arg18[%add3A_9, %dma_start3A_119] : memref<10112x128xf32, #tpu.memory_space<vmem_shared>> -> memref<64x128xf32, #tpu.memory_space<vmem_shared>>
      %dma_start3A_121 = arith.constant 0 : i32
      %dma_start3A_122 = tpu.memref_slice %arg18[%add3A_9, %dma_start3A_121] : memref<10112x128xf32, #tpu.memory_space<vmem_shared>> -> memref<64x128xf32, #tpu.memory_space<vmem_shared>>
      tpu.enqueue_dma source(%arg9 : memref<64x128xf32, #tpu.memory_space<vmem>>) target(%dma_start3A_122 : memref<64x128xf32, #tpu.memory_space<vmem_shared>>) target_semaphore(%run_scoped3A : memref<!tpu.dma_semaphore, #tpu.memory_space<semaphore_mem>>)
      %dma_wait3A = arith.constant 0 : i32
      %dma_wait3A_123 = tpu.memref_slice %arg18[%add3A_9, %dma_wait3A] : memref<10112x128xf32, #tpu.memory_space<vmem_shared>> -> memref<64x128xf32, #tpu.memory_space<vmem_shared>>
      %dma_wait3A_124 = arith.constant 0 : i32
      %dma_wait3A_125 = tpu.memref_slice %arg18[%add3A_9, %dma_wait3A_124] : memref<10112x128xf32, #tpu.memory_space<vmem_shared>> -> memref<64x128xf32, #tpu.memory_space<vmem_shared>>
      tpu.wait_dma2 semaphore(%run_scoped3A : memref<!tpu.dma_semaphore, #tpu.memory_space<semaphore_mem>>) src(%arg9 : memref<64x128xf32, #tpu.memory_space<vmem>>) dst(%dma_wait3A_125 : memref<64x128xf32, #tpu.memory_space<vmem_shared>>)
      tpu.yield
    }) : () -> ()
    %mul3A_10 = arith.constant 632 : i32
    %mul3A_11 = arith.muli %arg1, %mul3A_10 : i32
    %add3A_12 = arith.constant 192 : i32
    %add3A_13 = arith.addi %mul3A_11, %add3A_12 : i32
    "tpu.region"() ({
      %run_scoped3A = tpu.sem_alloc : memref<!tpu.dma_semaphore, #tpu.memory_space<semaphore_mem>>
      %dma_start3A_119 = arith.constant 0 : i32
      %dma_start3A_120 = tpu.memref_slice %arg18[%add3A_13, %dma_start3A_119] : memref<10112x128xf32, #tpu.memory_space<vmem_shared>> -> memref<64x128xf32, #tpu.memory_space<vmem_shared>>
      %dma_start3A_121 = arith.constant 0 : i32
      %dma_start3A_122 = tpu.memref_slice %arg18[%add3A_13, %dma_start3A_121] : memref<10112x128xf32, #tpu.memory_space<vmem_shared>> -> memref<64x128xf32, #tpu.memory_space<vmem_shared>>
      tpu.enqueue_dma source(%arg9 : memref<64x128xf32, #tpu.memory_space<vmem>>) target(%dma_start3A_122 : memref<64x128xf32, #tpu.memory_space<vmem_shared>>) target_semaphore(%run_scoped3A : memref<!tpu.dma_semaphore, #tpu.memory_space<semaphore_mem>>)
      %dma_wait3A = arith.constant 0 : i32
      %dma_wait3A_123 = tpu.memref_slice %arg18[%add3A_13, %dma_wait3A] : memref<10112x128xf32, #tpu.memory_space<vmem_shared>> -> memref<64x128xf32, #tpu.memory_space<vmem_shared>>
      %dma_wait3A_124 = arith.constant 0 : i32
      %dma_wait3A_125 = tpu.memref_slice %arg18[%add3A_13, %dma_wait3A_124] : memref<10112x128xf32, #tpu.memory_space<vmem_shared>> -> memref<64x128xf32, #tpu.memory_space<vmem_shared>>
      tpu.wait_dma2 semaphore(%run_scoped3A : memref<!tpu.dma_semaphore, #tpu.memory_space<semaphore_mem>>) src(%arg9 : memref<64x128xf32, #tpu.memory_space<vmem>>) dst(%dma_wait3A_125 : memref<64x128xf32, #tpu.memory_space<vmem_shared>>)
      tpu.yield
    }) : () -> ()
    %mul3A_14 = arith.constant 632 : i32
    %mul3A_15 = arith.muli %arg1, %mul3A_14 : i32
    %add3A_16 = arith.constant 256 : i32
    %add3A_17 = arith.addi %mul3A_15, %add3A_16 : i32
    "tpu.region"() ({
      %run_scoped3A = tpu.sem_alloc : memref<!tpu.dma_semaphore, #tpu.memory_space<semaphore_mem>>
      %dma_start3A_119 = arith.constant 0 : i32
      %dma_start3A_120 = tpu.memref_slice %arg18[%add3A_17, %dma_start3A_119] : memref<10112x128xf32, #tpu.memory_space<vmem_shared>> -> memref<64x128xf32, #tpu.memory_space<vmem_shared>>
      %dma_start3A_121 = arith.constant 0 : i32
      %dma_start3A_122 = tpu.memref_slice %arg18[%add3A_17, %dma_start3A_121] : memref<10112x128xf32, #tpu.memory_space<vmem_shared>> -> memref<64x128xf32, #tpu.memory_space<vmem_shared>>
      tpu.enqueue_dma source(%arg9 : memref<64x128xf32, #tpu.memory_space<vmem>>) target(%dma_start3A_122 : memref<64x128xf32, #tpu.memory_space<vmem_shared>>) target_semaphore(%run_scoped3A : memref<!tpu.dma_semaphore, #tpu.memory_space<semaphore_mem>>)
      %dma_wait3A = arith.constant 0 : i32
      %dma_wait3A_123 = tpu.memref_slice %arg18[%add3A_17, %dma_wait3A] : memref<10112x128xf32, #tpu.memory_space<vmem_shared>> -> memref<64x128xf32, #tpu.memory_space<vmem_shared>>
      %dma_wait3A_124 = arith.constant 0 : i32
      %dma_wait3A_125 = tpu.memref_slice %arg18[%add3A_17, %dma_wait3A_124] : memref<10112x128xf32, #tpu.memory_space<vmem_shared>> -> memref<64x128xf32, #tpu.memory_space<vmem_shared>>
      tpu.wait_dma2 semaphore(%run_scoped3A : memref<!tpu.dma_semaphore, #tpu.memory_space<semaphore_mem>>) src(%arg9 : memref<64x128xf32, #tpu.memory_space<vmem>>) dst(%dma_wait3A_125 : memref<64x128xf32, #tpu.memory_space<vmem_shared>>)
      tpu.yield
    }) : () -> ()
    %mul3A_18 = arith.constant 632 : i32
    %mul3A_19 = arith.muli %arg1, %mul3A_18 : i32
    %add3A_20 = arith.constant 320 : i32
    %add3A_21 = arith.addi %mul3A_19, %add3A_20 : i32
    "tpu.region"() ({
      %run_scoped3A = tpu.sem_alloc : memref<!tpu.dma_semaphore, #tpu.memory_space<semaphore_mem>>
      %dma_start3A_119 = arith.constant 0 : i32
      %dma_start3A_120 = tpu.memref_slice %arg18[%add3A_21, %dma_start3A_119] : memref<10112x128xf32, #tpu.memory_space<vmem_shared>> -> memref<64x128xf32, #tpu.memory_space<vmem_shared>>
      %dma_start3A_121 = arith.constant 0 : i32
      %dma_start3A_122 = tpu.memref_slice %arg18[%add3A_21, %dma_start3A_121] : memref<10112x128xf32, #tpu.memory_space<vmem_shared>> -> memref<64x128xf32, #tpu.memory_space<vmem_shared>>
      tpu.enqueue_dma source(%arg9 : memref<64x128xf32, #tpu.memory_space<vmem>>) target(%dma_start3A_122 : memref<64x128xf32, #tpu.memory_space<vmem_shared>>) target_semaphore(%run_scoped3A : memref<!tpu.dma_semaphore, #tpu.memory_space<semaphore_mem>>)
      %dma_wait3A = arith.constant 0 : i32
      %dma_wait3A_123 = tpu.memref_slice %arg18[%add3A_21, %dma_wait3A] : memref<10112x128xf32, #tpu.memory_space<vmem_shared>> -> memref<64x128xf32, #tpu.memory_space<vmem_shared>>
      %dma_wait3A_124 = arith.constant 0 : i32
      %dma_wait3A_125 = tpu.memref_slice %arg18[%add3A_21, %dma_wait3A_124] : memref<10112x128xf32, #tpu.memory_space<vmem_shared>> -> memref<64x128xf32, #tpu.memory_space<vmem_shared>>
      tpu.wait_dma2 semaphore(%run_scoped3A : memref<!tpu.dma_semaphore, #tpu.memory_space<semaphore_mem>>) src(%arg9 : memref<64x128xf32, #tpu.memory_space<vmem>>) dst(%dma_wait3A_125 : memref<64x128xf32, #tpu.memory_space<vmem_shared>>)
      tpu.yield
    }) : () -> ()
    %mul3A_22 = arith.constant 632 : i32
    %mul3A_23 = arith.muli %arg1, %mul3A_22 : i32
    %add3A_24 = arith.constant 384 : i32
    %add3A_25 = arith.addi %mul3A_23, %add3A_24 : i32
    "tpu.region"() ({
      %run_scoped3A = tpu.sem_alloc : memref<!tpu.dma_semaphore, #tpu.memory_space<semaphore_mem>>
      %dma_start3A_119 = arith.constant 0 : i32
      %dma_start3A_120 = tpu.memref_slice %arg18[%add3A_25, %dma_start3A_119] : memref<10112x128xf32, #tpu.memory_space<vmem_shared>> -> memref<64x128xf32, #tpu.memory_space<vmem_shared>>
      %dma_start3A_121 = arith.constant 0 : i32
      %dma_start3A_122 = tpu.memref_slice %arg18[%add3A_25, %dma_start3A_121] : memref<10112x128xf32, #tpu.memory_space<vmem_shared>> -> memref<64x128xf32, #tpu.memory_space<vmem_shared>>
      tpu.enqueue_dma source(%arg9 : memref<64x128xf32, #tpu.memory_space<vmem>>) target(%dma_start3A_122 : memref<64x128xf32, #tpu.memory_space<vmem_shared>>) target_semaphore(%run_scoped3A : memref<!tpu.dma_semaphore, #tpu.memory_space<semaphore_mem>>)
      %dma_wait3A = arith.constant 0 : i32
      %dma_wait3A_123 = tpu.memref_slice %arg18[%add3A_25, %dma_wait3A] : memref<10112x128xf32, #tpu.memory_space<vmem_shared>> -> memref<64x128xf32, #tpu.memory_space<vmem_shared>>
      %dma_wait3A_124 = arith.constant 0 : i32
      %dma_wait3A_125 = tpu.memref_slice %arg18[%add3A_25, %dma_wait3A_124] : memref<10112x128xf32, #tpu.memory_space<vmem_shared>> -> memref<64x128xf32, #tpu.memory_space<vmem_shared>>
      tpu.wait_dma2 semaphore(%run_scoped3A : memref<!tpu.dma_semaphore, #tpu.memory_space<semaphore_mem>>) src(%arg9 : memref<64x128xf32, #tpu.memory_space<vmem>>) dst(%dma_wait3A_125 : memref<64x128xf32, #tpu.memory_space<vmem_shared>>)
      tpu.yield
    }) : () -> ()
    %mul3A_26 = arith.constant 632 : i32
    %mul3A_27 = arith.muli %arg1, %mul3A_26 : i32
    %add3A_28 = arith.constant 448 : i32
    %add3A_29 = arith.addi %mul3A_27, %add3A_28 : i32
    "tpu.region"() ({
      %run_scoped3A = tpu.sem_alloc : memref<!tpu.dma_semaphore, #tpu.memory_space<semaphore_mem>>
      %dma_start3A_119 = arith.constant 0 : i32
      %dma_start3A_120 = tpu.memref_slice %arg18[%add3A_29, %dma_start3A_119] : memref<10112x128xf32, #tpu.memory_space<vmem_shared>> -> memref<64x128xf32, #tpu.memory_space<vmem_shared>>
      %dma_start3A_121 = arith.constant 0 : i32
      %dma_start3A_122 = tpu.memref_slice %arg18[%add3A_29, %dma_start3A_121] : memref<10112x128xf32, #tpu.memory_space<vmem_shared>> -> memref<64x128xf32, #tpu.memory_space<vmem_shared>>
      tpu.enqueue_dma source(%arg9 : memref<64x128xf32, #tpu.memory_space<vmem>>) target(%dma_start3A_122 : memref<64x128xf32, #tpu.memory_space<vmem_shared>>) target_semaphore(%run_scoped3A : memref<!tpu.dma_semaphore, #tpu.memory_space<semaphore_mem>>)
      %dma_wait3A = arith.constant 0 : i32
      %dma_wait3A_123 = tpu.memref_slice %arg18[%add3A_29, %dma_wait3A] : memref<10112x128xf32, #tpu.memory_space<vmem_shared>> -> memref<64x128xf32, #tpu.memory_space<vmem_shared>>
      %dma_wait3A_124 = arith.constant 0 : i32
      %dma_wait3A_125 = tpu.memref_slice %arg18[%add3A_29, %dma_wait3A_124] : memref<10112x128xf32, #tpu.memory_space<vmem_shared>> -> memref<64x128xf32, #tpu.memory_space<vmem_shared>>
      tpu.wait_dma2 semaphore(%run_scoped3A : memref<!tpu.dma_semaphore, #tpu.memory_space<semaphore_mem>>) src(%arg9 : memref<64x128xf32, #tpu.memory_space<vmem>>) dst(%dma_wait3A_125 : memref<64x128xf32, #tpu.memory_space<vmem_shared>>)
      tpu.yield
    }) : () -> ()
    %mul3A_30 = arith.constant 632 : i32
    %mul3A_31 = arith.muli %arg1, %mul3A_30 : i32
    %add3A_32 = arith.constant 512 : i32
    %add3A_33 = arith.addi %mul3A_31, %add3A_32 : i32
    "tpu.region"() ({
      %run_scoped3A = tpu.sem_alloc : memref<!tpu.dma_semaphore, #tpu.memory_space<semaphore_mem>>
      %dma_start3A_119 = arith.constant 0 : i32
      %dma_start3A_120 = tpu.memref_slice %arg18[%add3A_33, %dma_start3A_119] : memref<10112x128xf32, #tpu.memory_space<vmem_shared>> -> memref<64x128xf32, #tpu.memory_space<vmem_shared>>
      %dma_start3A_121 = arith.constant 0 : i32
      %dma_start3A_122 = tpu.memref_slice %arg18[%add3A_33, %dma_start3A_121] : memref<10112x128xf32, #tpu.memory_space<vmem_shared>> -> memref<64x128xf32, #tpu.memory_space<vmem_shared>>
      tpu.enqueue_dma source(%arg9 : memref<64x128xf32, #tpu.memory_space<vmem>>) target(%dma_start3A_122 : memref<64x128xf32, #tpu.memory_space<vmem_shared>>) target_semaphore(%run_scoped3A : memref<!tpu.dma_semaphore, #tpu.memory_space<semaphore_mem>>)
      %dma_wait3A = arith.constant 0 : i32
      %dma_wait3A_123 = tpu.memref_slice %arg18[%add3A_33, %dma_wait3A] : memref<10112x128xf32, #tpu.memory_space<vmem_shared>> -> memref<64x128xf32, #tpu.memory_space<vmem_shared>>
      %dma_wait3A_124 = arith.constant 0 : i32
      %dma_wait3A_125 = tpu.memref_slice %arg18[%add3A_33, %dma_wait3A_124] : memref<10112x128xf32, #tpu.memory_space<vmem_shared>> -> memref<64x128xf32, #tpu.memory_space<vmem_shared>>
      tpu.wait_dma2 semaphore(%run_scoped3A : memref<!tpu.dma_semaphore, #tpu.memory_space<semaphore_mem>>) src(%arg9 : memref<64x128xf32, #tpu.memory_space<vmem>>) dst(%dma_wait3A_125 : memref<64x128xf32, #tpu.memory_space<vmem_shared>>)
      tpu.yield
    }) : () -> ()
    %mul3A_34 = arith.constant 632 : i32
    %mul3A_35 = arith.muli %arg1, %mul3A_34 : i32
    %add3A_36 = arith.constant 576 : i32
    %add3A_37 = arith.addi %mul3A_35, %add3A_36 : i32
    "tpu.region"() ({
      %run_scoped3A = tpu.sem_alloc : memref<!tpu.dma_semaphore, #tpu.memory_space<semaphore_mem>>
      %dma_start3A_119 = arith.constant 0 : i32
      %dma_start3A_120 = arith.constant 0 : i32
      %dma_start3A_121 = tpu.memref_slice %arg9[%dma_start3A_119, %dma_start3A_120] : memref<64x128xf32, #tpu.memory_space<vmem>> -> memref<56x128xf32, #tpu.memory_space<vmem>>
      %dma_start3A_122 = arith.constant 0 : i32
      %dma_start3A_123 = tpu.memref_slice %arg18[%add3A_37, %dma_start3A_122] : memref<10112x128xf32, #tpu.memory_space<vmem_shared>> -> memref<56x128xf32, #tpu.memory_space<vmem_shared>>
      %dma_start3A_124 = arith.constant 0 : i32
      %dma_start3A_125 = tpu.memref_slice %arg18[%add3A_37, %dma_start3A_124] : memref<10112x128xf32, #tpu.memory_space<vmem_shared>> -> memref<56x128xf32, #tpu.memory_space<vmem_shared>>
      %dma_start3A_126 = arith.constant 0 : i32
      %dma_start3A_127 = arith.constant 0 : i32
      %dma_start3A_128 = tpu.memref_slice %arg9[%dma_start3A_126, %dma_start3A_127] : memref<64x128xf32, #tpu.memory_space<vmem>> -> memref<56x128xf32, #tpu.memory_space<vmem>>
      tpu.enqueue_dma source(%dma_start3A_128 : memref<56x128xf32, #tpu.memory_space<vmem>>) target(%dma_start3A_125 : memref<56x128xf32, #tpu.memory_space<vmem_shared>>) target_semaphore(%run_scoped3A : memref<!tpu.dma_semaphore, #tpu.memory_space<semaphore_mem>>)
      %dma_wait3A = arith.constant 0 : i32
      %dma_wait3A_129 = arith.constant 0 : i32
      %dma_wait3A_130 = tpu.memref_slice %arg9[%dma_wait3A, %dma_wait3A_129] : memref<64x128xf32, #tpu.memory_space<vmem>> -> memref<56x128xf32, #tpu.memory_space<vmem>>
      %dma_wait3A_131 = arith.constant 0 : i32
      %dma_wait3A_132 = tpu.memref_slice %arg18[%add3A_37, %dma_wait3A_131] : memref<10112x128xf32, #tpu.memory_space<vmem_shared>> -> memref<56x128xf32, #tpu.memory_space<vmem_shared>>
      %dma_wait3A_133 = arith.constant 0 : i32
      %dma_wait3A_134 = tpu.memref_slice %arg18[%add3A_37, %dma_wait3A_133] : memref<10112x128xf32, #tpu.memory_space<vmem_shared>> -> memref<56x128xf32, #tpu.memory_space<vmem_shared>>
      %dma_wait3A_135 = arith.constant 0 : i32
      %dma_wait3A_136 = arith.constant 0 : i32
      %dma_wait3A_137 = tpu.memref_slice %arg9[%dma_wait3A_135, %dma_wait3A_136] : memref<64x128xf32, #tpu.memory_space<vmem>> -> memref<56x128xf32, #tpu.memory_space<vmem>>
      tpu.wait_dma2 semaphore(%run_scoped3A : memref<!tpu.dma_semaphore, #tpu.memory_space<semaphore_mem>>) src(%dma_wait3A_137 : memref<56x128xf32, #tpu.memory_space<vmem>>) dst(%dma_wait3A_134 : memref<56x128xf32, #tpu.memory_space<vmem_shared>>)
      tpu.yield
    }) : () -> ()
    %barrier3A = arith.constant 0 : index
    tpu.barrier barrier_id(%barrier3A)
    %mul3A_38 = arith.constant 320 : i32
    %mul3A_39 = arith.muli %arg1, %mul3A_38 : i32
    %add3A_40 = arith.constant 0 : i32
    %add3A_41 = arith.addi %mul3A_39, %add3A_40 : i32
    "tpu.region"() ({
      %run_scoped3A = tpu.sem_alloc : memref<!tpu.dma_semaphore, #tpu.memory_space<semaphore_mem>>
      %dma_start3A_119 = arith.constant 0 : i32
      %dma_start3A_120 = tpu.memref_slice %arg3[%add3A_41, %dma_start3A_119] : memref<5120x64xi32, #tpu.memory_space<hbm>> -> memref<160x64xi32, #tpu.memory_space<hbm>>
      %dma_start3A_121 = arith.constant 0 : i32
      %dma_start3A_122 = tpu.memref_slice %arg3[%add3A_41, %dma_start3A_121] : memref<5120x64xi32, #tpu.memory_space<hbm>> -> memref<160x64xi32, #tpu.memory_space<hbm>>
      tpu.enqueue_dma source(%dma_start3A_122 : memref<160x64xi32, #tpu.memory_space<hbm>>) target(%arg7 : memref<160x64xi32, #tpu.memory_space<vmem>>) target_semaphore(%run_scoped3A : memref<!tpu.dma_semaphore, #tpu.memory_space<semaphore_mem>>)
      %dma_wait3A = arith.constant 0 : i32
      %dma_wait3A_123 = tpu.memref_slice %arg3[%add3A_41, %dma_wait3A] : memref<5120x64xi32, #tpu.memory_space<hbm>> -> memref<160x64xi32, #tpu.memory_space<hbm>>
      %dma_wait3A_124 = arith.constant 0 : i32
      %dma_wait3A_125 = tpu.memref_slice %arg3[%add3A_41, %dma_wait3A_124] : memref<5120x64xi32, #tpu.memory_space<hbm>> -> memref<160x64xi32, #tpu.memory_space<hbm>>
      tpu.wait_dma2 semaphore(%run_scoped3A : memref<!tpu.dma_semaphore, #tpu.memory_space<semaphore_mem>>) src(%dma_wait3A_125 : memref<160x64xi32, #tpu.memory_space<hbm>>) dst(%arg7 : memref<160x64xi32, #tpu.memory_space<vmem>>)
      tpu.yield
    }) : () -> ()
    "tpu.region"() ({
      %run_scoped3A = tpu.sem_alloc : memref<!tpu.dma_semaphore, #tpu.memory_space<semaphore_mem>>
      %dma_start3A_119 = arith.constant 0 : i32
      %dma_start3A_120 = tpu.memref_slice %arg4[%add3A_41, %dma_start3A_119] : memref<5120x64xi32, #tpu.memory_space<hbm>> -> memref<160x64xi32, #tpu.memory_space<hbm>>
      %dma_start3A_121 = arith.constant 0 : i32
      %dma_start3A_122 = tpu.memref_slice %arg4[%add3A_41, %dma_start3A_121] : memref<5120x64xi32, #tpu.memory_space<hbm>> -> memref<160x64xi32, #tpu.memory_space<hbm>>
      tpu.enqueue_dma source(%dma_start3A_122 : memref<160x64xi32, #tpu.memory_space<hbm>>) target(%arg8 : memref<160x64xi32, #tpu.memory_space<vmem>>) target_semaphore(%run_scoped3A : memref<!tpu.dma_semaphore, #tpu.memory_space<semaphore_mem>>)
      %dma_wait3A = arith.constant 0 : i32
      %dma_wait3A_123 = tpu.memref_slice %arg4[%add3A_41, %dma_wait3A] : memref<5120x64xi32, #tpu.memory_space<hbm>> -> memref<160x64xi32, #tpu.memory_space<hbm>>
      %dma_wait3A_124 = arith.constant 0 : i32
      %dma_wait3A_125 = tpu.memref_slice %arg4[%add3A_41, %dma_wait3A_124] : memref<5120x64xi32, #tpu.memory_space<hbm>> -> memref<160x64xi32, #tpu.memory_space<hbm>>
      tpu.wait_dma2 semaphore(%run_scoped3A : memref<!tpu.dma_semaphore, #tpu.memory_space<semaphore_mem>>) src(%dma_wait3A_125 : memref<160x64xi32, #tpu.memory_space<hbm>>) dst(%arg8 : memref<160x64xi32, #tpu.memory_space<vmem>>)
      tpu.yield
    }) : () -> ()
    %dma_start3A = arith.constant 0 : i32
    %dma_start3A_42 = arith.constant 0 : i32
    %dma_start3A_43 = tpu.memref_slice %arg7[%dma_start3A, %dma_start3A_42] : memref<160x64xi32, #tpu.memory_space<vmem>> -> memref<1x64xi32, #tpu.memory_space<vmem>>
    %dma_start3A_44 = tpu.memref_squeeze %dma_start3A_43 : memref<1x64xi32, #tpu.memory_space<vmem>> -> memref<64xi32, #tpu.memory_space<vmem>>
    %dma_start3A_45 = arith.constant 0 : i32
    %dma_start3A_46 = arith.constant 0 : i32
    %dma_start3A_47 = tpu.memref_slice %arg2[%arg0, %dma_start3A_45, %dma_start3A_46] : memref<2x10000x128xf32, #tpu.memory_space<hbm>> -> memref<1x10000x128xf32, #tpu.memory_space<hbm>>
    %dma_start3A_48 = tpu.memref_squeeze %dma_start3A_47 : memref<1x10000x128xf32, #tpu.memory_space<hbm>> -> memref<10000x128xf32, #tpu.memory_space<hbm>>
    %dma_start3A_49 = arith.constant 0 : i32
    %dma_start3A_50 = arith.constant 0 : i32
    %dma_start3A_51 = tpu.memref_slice %dma_start3A_48[%dma_start3A_49, %dma_start3A_50] : memref<10000x128xf32, #tpu.memory_space<hbm>> -> memref<10000x128xf32, #tpu.memory_space<hbm>>
    tpu.enqueue_indirect_dma source(%dma_start3A_51 : memref<10000x128xf32, #tpu.memory_space<hbm>>) target(%arg9 : memref<64x128xf32, #tpu.memory_space<vmem>>) offsets(%dma_start3A_44 : memref<64xi32, #tpu.memory_space<vmem>>) semaphore(%arg12 : memref<!tpu.dma_semaphore, #tpu.memory_space<semaphore_mem>>)
    %dma_start3A_52 = arith.constant 1 : i32
    %dma_start3A_53 = arith.constant 0 : i32
    %dma_start3A_54 = tpu.memref_slice %arg7[%dma_start3A_52, %dma_start3A_53] : memref<160x64xi32, #tpu.memory_space<vmem>> -> memref<1x64xi32, #tpu.memory_space<vmem>>
    %dma_start3A_55 = tpu.memref_squeeze %dma_start3A_54 : memref<1x64xi32, #tpu.memory_space<vmem>> -> memref<64xi32, #tpu.memory_space<vmem>>
    %dma_start3A_56 = arith.constant 0 : i32
    %dma_start3A_57 = arith.constant 0 : i32
    %dma_start3A_58 = tpu.memref_slice %arg2[%arg0, %dma_start3A_56, %dma_start3A_57] : memref<2x10000x128xf32, #tpu.memory_space<hbm>> -> memref<1x10000x128xf32, #tpu.memory_space<hbm>>
    %dma_start3A_59 = tpu.memref_squeeze %dma_start3A_58 : memref<1x10000x128xf32, #tpu.memory_space<hbm>> -> memref<10000x128xf32, #tpu.memory_space<hbm>>
    %dma_start3A_60 = arith.constant 0 : i32
    %dma_start3A_61 = arith.constant 0 : i32
    %dma_start3A_62 = tpu.memref_slice %dma_start3A_59[%dma_start3A_60, %dma_start3A_61] : memref<10000x128xf32, #tpu.memory_space<hbm>> -> memref<10000x128xf32, #tpu.memory_space<hbm>>
    tpu.enqueue_indirect_dma source(%dma_start3A_62 : memref<10000x128xf32, #tpu.memory_space<hbm>>) target(%arg10 : memref<64x128xf32, #tpu.memory_space<vmem>>) offsets(%dma_start3A_55 : memref<64xi32, #tpu.memory_space<vmem>>) semaphore(%arg13 : memref<!tpu.dma_semaphore, #tpu.memory_space<semaphore_mem>>)
    %scan3A = arith.constant 0 : i32
    %scan3A_63 = arith.constant 0 : i32
    %scan3A_64 = arith.constant 53 : i32
    %scan3A_65 = arith.addi %scan3A_63, %scan3A_64 : i32
    %scan3A_66 = arith.constant 1 : i32
    scf.for %scan3A_119 = %scan3A_63 to %scan3A_65 step %scan3A_66  : i32 {
      %mul3A_120 = arith.constant 3 : i32
      %mul3A_121 = arith.muli %scan3A_119, %mul3A_120 : i32
      %add3A_122 = arith.constant 0 : i32
      %add3A_123 = arith.addi %mul3A_121, %add3A_122 : i32
      tpu.wait_dma2 semaphore(%arg12 : memref<!tpu.dma_semaphore, #tpu.memory_space<semaphore_mem>>) src(%arg5 : memref<64x128xf32, #tpu.memory_space<hbm>>) dst(%arg9 : memref<64x128xf32, #tpu.memory_space<vmem>>)
      %dma_start3A_124 = arith.constant 0 : i32
      %dma_start3A_125 = tpu.memref_slice %arg8[%add3A_123, %dma_start3A_124] : memref<160x64xi32, #tpu.memory_space<vmem>> -> memref<1x64xi32, #tpu.memory_space<vmem>>
      %dma_start3A_126 = tpu.memref_squeeze %dma_start3A_125 : memref<1x64xi32, #tpu.memory_space<vmem>> -> memref<64xi32, #tpu.memory_space<vmem>>
      %dma_start3A_127 = arith.constant 0 : i32
      %dma_start3A_128 = arith.constant 0 : i32
      %dma_start3A_129 = tpu.memref_slice %arg18[%dma_start3A_127, %dma_start3A_128] : memref<10112x128xf32, #tpu.memory_space<vmem_shared>> -> memref<10112x128xf32, #tpu.memory_space<vmem_shared>>
      tpu.enqueue_indirect_dma source(%arg9 : memref<64x128xf32, #tpu.memory_space<vmem>>) target(%dma_start3A_129 : memref<10112x128xf32, #tpu.memory_space<vmem_shared>>) offsets(%dma_start3A_126 : memref<64xi32, #tpu.memory_space<vmem>>) semaphore(%arg15 : memref<!tpu.dma_semaphore, #tpu.memory_space<semaphore_mem>>) {add = true}
      %ge3A = arith.constant 1 : i32
      %ge3A_130 = arith.cmpi sge, %add3A_123, %ge3A : i32
      %convert_element_type3A = arith.extui %ge3A_130 : i1 to i32
      %cond3A = arith.constant 0 : i32
      %cond3A_131 = arith.cmpi ne, %convert_element_type3A, %cond3A : i32
      scf.if %cond3A_131 {
        tpu.wait_dma2 semaphore(%arg17 : memref<!tpu.dma_semaphore, #tpu.memory_space<semaphore_mem>>) src(%arg5 : memref<64x128xf32, #tpu.memory_space<hbm>>) dst(%arg11 : memref<64x128xf32, #tpu.memory_space<vmem>>)
      } else {
      }
      %add3A_132 = arith.constant 2 : i32
      %add3A_133 = arith.addi %add3A_123, %add3A_132 : i32
      %lt3A = arith.constant 160 : i32
      %lt3A_134 = arith.cmpi slt, %add3A_133, %lt3A : i32
      %convert_element_type3A_135 = arith.extui %lt3A_134 : i1 to i32
      %cond3A_136 = arith.constant 0 : i32
      %cond3A_137 = arith.cmpi ne, %convert_element_type3A_135, %cond3A_136 : i32
      scf.if %cond3A_137 {
        %add3A_182 = arith.constant 2 : i32
        %add3A_183 = arith.addi %add3A_123, %add3A_182 : i32
        %dma_start3A_184 = arith.constant 0 : i32
        %dma_start3A_185 = tpu.memref_slice %arg7[%add3A_183, %dma_start3A_184] : memref<160x64xi32, #tpu.memory_space<vmem>> -> memref<1x64xi32, #tpu.memory_space<vmem>>
        %dma_start3A_186 = tpu.memref_squeeze %dma_start3A_185 : memref<1x64xi32, #tpu.memory_space<vmem>> -> memref<64xi32, #tpu.memory_space<vmem>>
        %dma_start3A_187 = arith.constant 0 : i32
        %dma_start3A_188 = arith.constant 0 : i32
        %dma_start3A_189 = tpu.memref_slice %arg2[%arg0, %dma_start3A_187, %dma_start3A_188] : memref<2x10000x128xf32, #tpu.memory_space<hbm>> -> memref<1x10000x128xf32, #tpu.memory_space<hbm>>
        %dma_start3A_190 = tpu.memref_squeeze %dma_start3A_189 : memref<1x10000x128xf32, #tpu.memory_space<hbm>> -> memref<10000x128xf32, #tpu.memory_space<hbm>>
        %dma_start3A_191 = arith.constant 0 : i32
        %dma_start3A_192 = arith.constant 0 : i32
        %dma_start3A_193 = tpu.memref_slice %dma_start3A_190[%dma_start3A_191, %dma_start3A_192] : memref<10000x128xf32, #tpu.memory_space<hbm>> -> memref<10000x128xf32, #tpu.memory_space<hbm>>
        tpu.enqueue_indirect_dma source(%dma_start3A_193 : memref<10000x128xf32, #tpu.memory_space<hbm>>) target(%arg11 : memref<64x128xf32, #tpu.memory_space<vmem>>) offsets(%dma_start3A_186 : memref<64xi32, #tpu.memory_space<vmem>>) semaphore(%arg14 : memref<!tpu.dma_semaphore, #tpu.memory_space<semaphore_mem>>)
      } else {
      }
      %mul3A_138 = arith.constant 3 : i32
      %mul3A_139 = arith.muli %scan3A_119, %mul3A_138 : i32
      %add3A_140 = arith.constant 1 : i32
      %add3A_141 = arith.addi %mul3A_139, %add3A_140 : i32
      tpu.wait_dma2 semaphore(%arg13 : memref<!tpu.dma_semaphore, #tpu.memory_space<semaphore_mem>>) src(%arg5 : memref<64x128xf32, #tpu.memory_space<hbm>>) dst(%arg10 : memref<64x128xf32, #tpu.memory_space<vmem>>)
      %dma_start3A_142 = arith.constant 0 : i32
      %dma_start3A_143 = tpu.memref_slice %arg8[%add3A_141, %dma_start3A_142] : memref<160x64xi32, #tpu.memory_space<vmem>> -> memref<1x64xi32, #tpu.memory_space<vmem>>
      %dma_start3A_144 = tpu.memref_squeeze %dma_start3A_143 : memref<1x64xi32, #tpu.memory_space<vmem>> -> memref<64xi32, #tpu.memory_space<vmem>>
      %dma_start3A_145 = arith.constant 0 : i32
      %dma_start3A_146 = arith.constant 0 : i32
      %dma_start3A_147 = tpu.memref_slice %arg18[%dma_start3A_145, %dma_start3A_146] : memref<10112x128xf32, #tpu.memory_space<vmem_shared>> -> memref<10112x128xf32, #tpu.memory_space<vmem_shared>>
      tpu.enqueue_indirect_dma source(%arg10 : memref<64x128xf32, #tpu.memory_space<vmem>>) target(%dma_start3A_147 : memref<10112x128xf32, #tpu.memory_space<vmem_shared>>) offsets(%dma_start3A_144 : memref<64xi32, #tpu.memory_space<vmem>>) semaphore(%arg16 : memref<!tpu.dma_semaphore, #tpu.memory_space<semaphore_mem>>) {add = true}
      %ge3A_148 = arith.constant 1 : i32
      %ge3A_149 = arith.cmpi sge, %add3A_141, %ge3A_148 : i32
      %convert_element_type3A_150 = arith.extui %ge3A_149 : i1 to i32
      %cond3A_151 = arith.constant 0 : i32
      %cond3A_152 = arith.cmpi ne, %convert_element_type3A_150, %cond3A_151 : i32
      scf.if %cond3A_152 {
        tpu.wait_dma2 semaphore(%arg15 : memref<!tpu.dma_semaphore, #tpu.memory_space<semaphore_mem>>) src(%arg5 : memref<64x128xf32, #tpu.memory_space<hbm>>) dst(%arg9 : memref<64x128xf32, #tpu.memory_space<vmem>>)
      } else {
      }
      %add3A_153 = arith.constant 2 : i32
      %add3A_154 = arith.addi %add3A_141, %add3A_153 : i32
      %lt3A_155 = arith.constant 160 : i32
      %lt3A_156 = arith.cmpi slt, %add3A_154, %lt3A_155 : i32
      %convert_element_type3A_157 = arith.extui %lt3A_156 : i1 to i32
      %cond3A_158 = arith.constant 0 : i32
      %cond3A_159 = arith.cmpi ne, %convert_element_type3A_157, %cond3A_158 : i32
      scf.if %cond3A_159 {
        %add3A_182 = arith.constant 2 : i32
        %add3A_183 = arith.addi %add3A_141, %add3A_182 : i32
        %dma_start3A_184 = arith.constant 0 : i32
        %dma_start3A_185 = tpu.memref_slice %arg7[%add3A_183, %dma_start3A_184] : memref<160x64xi32, #tpu.memory_space<vmem>> -> memref<1x64xi32, #tpu.memory_space<vmem>>
        %dma_start3A_186 = tpu.memref_squeeze %dma_start3A_185 : memref<1x64xi32, #tpu.memory_space<vmem>> -> memref<64xi32, #tpu.memory_space<vmem>>
        %dma_start3A_187 = arith.constant 0 : i32
        %dma_start3A_188 = arith.constant 0 : i32
        %dma_start3A_189 = tpu.memref_slice %arg2[%arg0, %dma_start3A_187, %dma_start3A_188] : memref<2x10000x128xf32, #tpu.memory_space<hbm>> -> memref<1x10000x128xf32, #tpu.memory_space<hbm>>
        %dma_start3A_190 = tpu.memref_squeeze %dma_start3A_189 : memref<1x10000x128xf32, #tpu.memory_space<hbm>> -> memref<10000x128xf32, #tpu.memory_space<hbm>>
        %dma_start3A_191 = arith.constant 0 : i32
        %dma_start3A_192 = arith.constant 0 : i32
        %dma_start3A_193 = tpu.memref_slice %dma_start3A_190[%dma_start3A_191, %dma_start3A_192] : memref<10000x128xf32, #tpu.memory_space<hbm>> -> memref<10000x128xf32, #tpu.memory_space<hbm>>
        tpu.enqueue_indirect_dma source(%dma_start3A_193 : memref<10000x128xf32, #tpu.memory_space<hbm>>) target(%arg9 : memref<64x128xf32, #tpu.memory_space<vmem>>) offsets(%dma_start3A_186 : memref<64xi32, #tpu.memory_space<vmem>>) semaphore(%arg12 : memref<!tpu.dma_semaphore, #tpu.memory_space<semaphore_mem>>)
      } else {
      }
      %mul3A_160 = arith.constant 3 : i32
      %mul3A_161 = arith.muli %scan3A_119, %mul3A_160 : i32
      %add3A_162 = arith.constant 2 : i32
      %add3A_163 = arith.addi %mul3A_161, %add3A_162 : i32
      tpu.wait_dma2 semaphore(%arg14 : memref<!tpu.dma_semaphore, #tpu.memory_space<semaphore_mem>>) src(%arg5 : memref<64x128xf32, #tpu.memory_space<hbm>>) dst(%arg11 : memref<64x128xf32, #tpu.memory_space<vmem>>)
      %dma_start3A_164 = arith.constant 0 : i32
      %dma_start3A_165 = tpu.memref_slice %arg8[%add3A_163, %dma_start3A_164] : memref<160x64xi32, #tpu.memory_space<vmem>> -> memref<1x64xi32, #tpu.memory_space<vmem>>
      %dma_start3A_166 = tpu.memref_squeeze %dma_start3A_165 : memref<1x64xi32, #tpu.memory_space<vmem>> -> memref<64xi32, #tpu.memory_space<vmem>>
      %dma_start3A_167 = arith.constant 0 : i32
      %dma_start3A_168 = arith.constant 0 : i32
      %dma_start3A_169 = tpu.memref_slice %arg18[%dma_start3A_167, %dma_start3A_168] : memref<10112x128xf32, #tpu.memory_space<vmem_shared>> -> memref<10112x128xf32, #tpu.memory_space<vmem_shared>>
      tpu.enqueue_indirect_dma source(%arg11 : memref<64x128xf32, #tpu.memory_space<vmem>>) target(%dma_start3A_169 : memref<10112x128xf32, #tpu.memory_space<vmem_shared>>) offsets(%dma_start3A_166 : memref<64xi32, #tpu.memory_space<vmem>>) semaphore(%arg17 : memref<!tpu.dma_semaphore, #tpu.memory_space<semaphore_mem>>) {add = true}
      %ge3A_170 = arith.constant 1 : i32
      %ge3A_171 = arith.cmpi sge, %add3A_163, %ge3A_170 : i32
      %convert_element_type3A_172 = arith.extui %ge3A_171 : i1 to i32
      %cond3A_173 = arith.constant 0 : i32
      %cond3A_174 = arith.cmpi ne, %convert_element_type3A_172, %cond3A_173 : i32
      scf.if %cond3A_174 {
        tpu.wait_dma2 semaphore(%arg16 : memref<!tpu.dma_semaphore, #tpu.memory_space<semaphore_mem>>) src(%arg5 : memref<64x128xf32, #tpu.memory_space<hbm>>) dst(%arg10 : memref<64x128xf32, #tpu.memory_space<vmem>>)
      } else {
      }
      %add3A_175 = arith.constant 2 : i32
      %add3A_176 = arith.addi %add3A_163, %add3A_175 : i32
      %lt3A_177 = arith.constant 160 : i32
      %lt3A_178 = arith.cmpi slt, %add3A_176, %lt3A_177 : i32
      %convert_element_type3A_179 = arith.extui %lt3A_178 : i1 to i32
      %cond3A_180 = arith.constant 0 : i32
      %cond3A_181 = arith.cmpi ne, %convert_element_type3A_179, %cond3A_180 : i32
      scf.if %cond3A_181 {
        %add3A_182 = arith.constant 2 : i32
        %add3A_183 = arith.addi %add3A_163, %add3A_182 : i32
        %dma_start3A_184 = arith.constant 0 : i32
        %dma_start3A_185 = tpu.memref_slice %arg7[%add3A_183, %dma_start3A_184] : memref<160x64xi32, #tpu.memory_space<vmem>> -> memref<1x64xi32, #tpu.memory_space<vmem>>
        %dma_start3A_186 = tpu.memref_squeeze %dma_start3A_185 : memref<1x64xi32, #tpu.memory_space<vmem>> -> memref<64xi32, #tpu.memory_space<vmem>>
        %dma_start3A_187 = arith.constant 0 : i32
        %dma_start3A_188 = arith.constant 0 : i32
        %dma_start3A_189 = tpu.memref_slice %arg2[%arg0, %dma_start3A_187, %dma_start3A_188] : memref<2x10000x128xf32, #tpu.memory_space<hbm>> -> memref<1x10000x128xf32, #tpu.memory_space<hbm>>
        %dma_start3A_190 = tpu.memref_squeeze %dma_start3A_189 : memref<1x10000x128xf32, #tpu.memory_space<hbm>> -> memref<10000x128xf32, #tpu.memory_space<hbm>>
        %dma_start3A_191 = arith.constant 0 : i32
        %dma_start3A_192 = arith.constant 0 : i32
        %dma_start3A_193 = tpu.memref_slice %dma_start3A_190[%dma_start3A_191, %dma_start3A_192] : memref<10000x128xf32, #tpu.memory_space<hbm>> -> memref<10000x128xf32, #tpu.memory_space<hbm>>
        tpu.enqueue_indirect_dma source(%dma_start3A_193 : memref<10000x128xf32, #tpu.memory_space<hbm>>) target(%arg10 : memref<64x128xf32, #tpu.memory_space<vmem>>) offsets(%dma_start3A_186 : memref<64xi32, #tpu.memory_space<vmem>>) semaphore(%arg13 : memref<!tpu.dma_semaphore, #tpu.memory_space<semaphore_mem>>)
      } else {
      }
    }
    %scan3A_67 = arith.constant 53 : i32
    tpu.wait_dma2 semaphore(%arg12 : memref<!tpu.dma_semaphore, #tpu.memory_space<semaphore_mem>>) src(%arg5 : memref<64x128xf32, #tpu.memory_space<hbm>>) dst(%arg9 : memref<64x128xf32, #tpu.memory_space<vmem>>)
    %dma_start3A_68 = arith.constant 159 : i32
    %dma_start3A_69 = arith.constant 0 : i32
    %dma_start3A_70 = tpu.memref_slice %arg8[%dma_start3A_68, %dma_start3A_69] : memref<160x64xi32, #tpu.memory_space<vmem>> -> memref<1x64xi32, #tpu.memory_space<vmem>>
    %dma_start3A_71 = tpu.memref_squeeze %dma_start3A_70 : memref<1x64xi32, #tpu.memory_space<vmem>> -> memref<64xi32, #tpu.memory_space<vmem>>
    %dma_start3A_72 = arith.constant 0 : i32
    %dma_start3A_73 = arith.constant 0 : i32
    %dma_start3A_74 = tpu.memref_slice %arg18[%dma_start3A_72, %dma_start3A_73] : memref<10112x128xf32, #tpu.memory_space<vmem_shared>> -> memref<10112x128xf32, #tpu.memory_space<vmem_shared>>
    tpu.enqueue_indirect_dma source(%arg9 : memref<64x128xf32, #tpu.memory_space<vmem>>) target(%dma_start3A_74 : memref<10112x128xf32, #tpu.memory_space<vmem_shared>>) offsets(%dma_start3A_71 : memref<64xi32, #tpu.memory_space<vmem>>) semaphore(%arg15 : memref<!tpu.dma_semaphore, #tpu.memory_space<semaphore_mem>>) {add = true}
    tpu.wait_dma2 semaphore(%arg17 : memref<!tpu.dma_semaphore, #tpu.memory_space<semaphore_mem>>) src(%arg5 : memref<64x128xf32, #tpu.memory_space<hbm>>) dst(%arg11 : memref<64x128xf32, #tpu.memory_space<vmem>>)
    tpu.wait_dma2 semaphore(%arg15 : memref<!tpu.dma_semaphore, #tpu.memory_space<semaphore_mem>>) src(%arg5 : memref<64x128xf32, #tpu.memory_space<hbm>>) dst(%arg9 : memref<64x128xf32, #tpu.memory_space<vmem>>)
    %mul3A_75 = arith.constant 320 : i32
    %mul3A_76 = arith.muli %arg1, %mul3A_75 : i32
    %add3A_77 = arith.constant 160 : i32
    %add3A_78 = arith.addi %mul3A_76, %add3A_77 : i32
    "tpu.region"() ({
      %run_scoped3A = tpu.sem_alloc : memref<!tpu.dma_semaphore, #tpu.memory_space<semaphore_mem>>
      %dma_start3A_119 = arith.constant 0 : i32
      %dma_start3A_120 = tpu.memref_slice %arg3[%add3A_78, %dma_start3A_119] : memref<5120x64xi32, #tpu.memory_space<hbm>> -> memref<160x64xi32, #tpu.memory_space<hbm>>
      %dma_start3A_121 = arith.constant 0 : i32
      %dma_start3A_122 = tpu.memref_slice %arg3[%add3A_78, %dma_start3A_121] : memref<5120x64xi32, #tpu.memory_space<hbm>> -> memref<160x64xi32, #tpu.memory_space<hbm>>
      tpu.enqueue_dma source(%dma_start3A_122 : memref<160x64xi32, #tpu.memory_space<hbm>>) target(%arg7 : memref<160x64xi32, #tpu.memory_space<vmem>>) target_semaphore(%run_scoped3A : memref<!tpu.dma_semaphore, #tpu.memory_space<semaphore_mem>>)
      %dma_wait3A = arith.constant 0 : i32
      %dma_wait3A_123 = tpu.memref_slice %arg3[%add3A_78, %dma_wait3A] : memref<5120x64xi32, #tpu.memory_space<hbm>> -> memref<160x64xi32, #tpu.memory_space<hbm>>
      %dma_wait3A_124 = arith.constant 0 : i32
      %dma_wait3A_125 = tpu.memref_slice %arg3[%add3A_78, %dma_wait3A_124] : memref<5120x64xi32, #tpu.memory_space<hbm>> -> memref<160x64xi32, #tpu.memory_space<hbm>>
      tpu.wait_dma2 semaphore(%run_scoped3A : memref<!tpu.dma_semaphore, #tpu.memory_space<semaphore_mem>>) src(%dma_wait3A_125 : memref<160x64xi32, #tpu.memory_space<hbm>>) dst(%arg7 : memref<160x64xi32, #tpu.memory_space<vmem>>)
      tpu.yield
    }) : () -> ()
    "tpu.region"() ({
      %run_scoped3A = tpu.sem_alloc : memref<!tpu.dma_semaphore, #tpu.memory_space<semaphore_mem>>
      %dma_start3A_119 = arith.constant 0 : i32
      %dma_start3A_120 = tpu.memref_slice %arg4[%add3A_78, %dma_start3A_119] : memref<5120x64xi32, #tpu.memory_space<hbm>> -> memref<160x64xi32, #tpu.memory_space<hbm>>
      %dma_start3A_121 = arith.constant 0 : i32
      %dma_start3A_122 = tpu.memref_slice %arg4[%add3A_78, %dma_start3A_121] : memref<5120x64xi32, #tpu.memory_space<hbm>> -> memref<160x64xi32, #tpu.memory_space<hbm>>
      tpu.enqueue_dma source(%dma_start3A_122 : memref<160x64xi32, #tpu.memory_space<hbm>>) target(%arg8 : memref<160x64xi32, #tpu.memory_space<vmem>>) target_semaphore(%run_scoped3A : memref<!tpu.dma_semaphore, #tpu.memory_space<semaphore_mem>>)
      %dma_wait3A = arith.constant 0 : i32
      %dma_wait3A_123 = tpu.memref_slice %arg4[%add3A_78, %dma_wait3A] : memref<5120x64xi32, #tpu.memory_space<hbm>> -> memref<160x64xi32, #tpu.memory_space<hbm>>
      %dma_wait3A_124 = arith.constant 0 : i32
      %dma_wait3A_125 = tpu.memref_slice %arg4[%add3A_78, %dma_wait3A_124] : memref<5120x64xi32, #tpu.memory_space<hbm>> -> memref<160x64xi32, #tpu.memory_space<hbm>>
      tpu.wait_dma2 semaphore(%run_scoped3A : memref<!tpu.dma_semaphore, #tpu.memory_space<semaphore_mem>>) src(%dma_wait3A_125 : memref<160x64xi32, #tpu.memory_space<hbm>>) dst(%arg8 : memref<160x64xi32, #tpu.memory_space<vmem>>)
      tpu.yield
    }) : () -> ()
    %dma_start3A_79 = arith.constant 0 : i32
    %dma_start3A_80 = arith.constant 0 : i32
    %dma_start3A_81 = tpu.memref_slice %arg7[%dma_start3A_79, %dma_start3A_80] : memref<160x64xi32, #tpu.memory_space<vmem>> -> memref<1x64xi32, #tpu.memory_space<vmem>>
    %dma_start3A_82 = tpu.memref_squeeze %dma_start3A_81 : memref<1x64xi32, #tpu.memory_space<vmem>> -> memref<64xi32, #tpu.memory_space<vmem>>
    %dma_start3A_83 = arith.constant 0 : i32
    %dma_start3A_84 = arith.constant 0 : i32
    %dma_start3A_85 = tpu.memref_slice %arg2[%arg0, %dma_start3A_83, %dma_start3A_84] : memref<2x10000x128xf32, #tpu.memory_space<hbm>> -> memref<1x10000x128xf32, #tpu.memory_space<hbm>>
    %dma_start3A_86 = tpu.memref_squeeze %dma_start3A_85 : memref<1x10000x128xf32, #tpu.memory_space<hbm>> -> memref<10000x128xf32, #tpu.memory_space<hbm>>
    %dma_start3A_87 = arith.constant 0 : i32
    %dma_start3A_88 = arith.constant 0 : i32
    %dma_start3A_89 = tpu.memref_slice %dma_start3A_86[%dma_start3A_87, %dma_start3A_88] : memref<10000x128xf32, #tpu.memory_space<hbm>> -> memref<10000x128xf32, #tpu.memory_space<hbm>>
    tpu.enqueue_indirect_dma source(%dma_start3A_89 : memref<10000x128xf32, #tpu.memory_space<hbm>>) target(%arg9 : memref<64x128xf32, #tpu.memory_space<vmem>>) offsets(%dma_start3A_82 : memref<64xi32, #tpu.memory_space<vmem>>) semaphore(%arg12 : memref<!tpu.dma_semaphore, #tpu.memory_space<semaphore_mem>>)
    %dma_start3A_90 = arith.constant 1 : i32
    %dma_start3A_91 = arith.constant 0 : i32
    %dma_start3A_92 = tpu.memref_slice %arg7[%dma_start3A_90, %dma_start3A_91] : memref<160x64xi32, #tpu.memory_space<vmem>> -> memref<1x64xi32, #tpu.memory_space<vmem>>
    %dma_start3A_93 = tpu.memref_squeeze %dma_start3A_92 : memref<1x64xi32, #tpu.memory_space<vmem>> -> memref<64xi32, #tpu.memory_space<vmem>>
    %dma_start3A_94 = arith.constant 0 : i32
    %dma_start3A_95 = arith.constant 0 : i32
    %dma_start3A_96 = tpu.memref_slice %arg2[%arg0, %dma_start3A_94, %dma_start3A_95] : memref<2x10000x128xf32, #tpu.memory_space<hbm>> -> memref<1x10000x128xf32, #tpu.memory_space<hbm>>
    %dma_start3A_97 = tpu.memref_squeeze %dma_start3A_96 : memref<1x10000x128xf32, #tpu.memory_space<hbm>> -> memref<10000x128xf32, #tpu.memory_space<hbm>>
    %dma_start3A_98 = arith.constant 0 : i32
    %dma_start3A_99 = arith.constant 0 : i32
    %dma_start3A_100 = tpu.memref_slice %dma_start3A_97[%dma_start3A_98, %dma_start3A_99] : memref<10000x128xf32, #tpu.memory_space<hbm>> -> memref<10000x128xf32, #tpu.memory_space<hbm>>
    tpu.enqueue_indirect_dma source(%dma_start3A_100 : memref<10000x128xf32, #tpu.memory_space<hbm>>) target(%arg10 : memref<64x128xf32, #tpu.memory_space<vmem>>) offsets(%dma_start3A_93 : memref<64xi32, #tpu.memory_space<vmem>>) semaphore(%arg13 : memref<!tpu.dma_semaphore, #tpu.memory_space<semaphore_mem>>)
    %scan3A_101 = arith.constant 0 : i32
    %scan3A_102 = arith.constant 0 : i32
    %scan3A_103 = arith.constant 53 : i32
    %scan3A_104 = arith.addi %scan3A_102, %scan3A_103 : i32
    %scan3A_105 = arith.constant 1 : i32
    scf.for %scan3A_119 = %scan3A_102 to %scan3A_104 step %scan3A_105  : i32 {
      %mul3A_120 = arith.constant 3 : i32
      %mul3A_121 = arith.muli %scan3A_119, %mul3A_120 : i32
      %add3A_122 = arith.constant 0 : i32
      %add3A_123 = arith.addi %mul3A_121, %add3A_122 : i32
      tpu.wait_dma2 semaphore(%arg12 : memref<!tpu.dma_semaphore, #tpu.memory_space<semaphore_mem>>) src(%arg5 : memref<64x128xf32, #tpu.memory_space<hbm>>) dst(%arg9 : memref<64x128xf32, #tpu.memory_space<vmem>>)
      %dma_start3A_124 = arith.constant 0 : i32
      %dma_start3A_125 = tpu.memref_slice %arg8[%add3A_123, %dma_start3A_124] : memref<160x64xi32, #tpu.memory_space<vmem>> -> memref<1x64xi32, #tpu.memory_space<vmem>>
      %dma_start3A_126 = tpu.memref_squeeze %dma_start3A_125 : memref<1x64xi32, #tpu.memory_space<vmem>> -> memref<64xi32, #tpu.memory_space<vmem>>
      %dma_start3A_127 = arith.constant 0 : i32
      %dma_start3A_128 = arith.constant 0 : i32
      %dma_start3A_129 = tpu.memref_slice %arg18[%dma_start3A_127, %dma_start3A_128] : memref<10112x128xf32, #tpu.memory_space<vmem_shared>> -> memref<10112x128xf32, #tpu.memory_space<vmem_shared>>
      tpu.enqueue_indirect_dma source(%arg9 : memref<64x128xf32, #tpu.memory_space<vmem>>) target(%dma_start3A_129 : memref<10112x128xf32, #tpu.memory_space<vmem_shared>>) offsets(%dma_start3A_126 : memref<64xi32, #tpu.memory_space<vmem>>) semaphore(%arg15 : memref<!tpu.dma_semaphore, #tpu.memory_space<semaphore_mem>>) {add = true}
      %ge3A = arith.constant 1 : i32
      %ge3A_130 = arith.cmpi sge, %add3A_123, %ge3A : i32
      %convert_element_type3A = arith.extui %ge3A_130 : i1 to i32
      %cond3A = arith.constant 0 : i32
      %cond3A_131 = arith.cmpi ne, %convert_element_type3A, %cond3A : i32
      scf.if %cond3A_131 {
        tpu.wait_dma2 semaphore(%arg17 : memref<!tpu.dma_semaphore, #tpu.memory_space<semaphore_mem>>) src(%arg5 : memref<64x128xf32, #tpu.memory_space<hbm>>) dst(%arg11 : memref<64x128xf32, #tpu.memory_space<vmem>>)
      } else {
      }
      %add3A_132 = arith.constant 2 : i32
      %add3A_133 = arith.addi %add3A_123, %add3A_132 : i32
      %lt3A = arith.constant 160 : i32
      %lt3A_134 = arith.cmpi slt, %add3A_133, %lt3A : i32
      %convert_element_type3A_135 = arith.extui %lt3A_134 : i1 to i32
      %cond3A_136 = arith.constant 0 : i32
      %cond3A_137 = arith.cmpi ne, %convert_element_type3A_135, %cond3A_136 : i32
      scf.if %cond3A_137 {
        %add3A_182 = arith.constant 2 : i32
        %add3A_183 = arith.addi %add3A_123, %add3A_182 : i32
        %dma_start3A_184 = arith.constant 0 : i32
        %dma_start3A_185 = tpu.memref_slice %arg7[%add3A_183, %dma_start3A_184] : memref<160x64xi32, #tpu.memory_space<vmem>> -> memref<1x64xi32, #tpu.memory_space<vmem>>
        %dma_start3A_186 = tpu.memref_squeeze %dma_start3A_185 : memref<1x64xi32, #tpu.memory_space<vmem>> -> memref<64xi32, #tpu.memory_space<vmem>>
        %dma_start3A_187 = arith.constant 0 : i32
        %dma_start3A_188 = arith.constant 0 : i32
        %dma_start3A_189 = tpu.memref_slice %arg2[%arg0, %dma_start3A_187, %dma_start3A_188] : memref<2x10000x128xf32, #tpu.memory_space<hbm>> -> memref<1x10000x128xf32, #tpu.memory_space<hbm>>
        %dma_start3A_190 = tpu.memref_squeeze %dma_start3A_189 : memref<1x10000x128xf32, #tpu.memory_space<hbm>> -> memref<10000x128xf32, #tpu.memory_space<hbm>>
        %dma_start3A_191 = arith.constant 0 : i32
        %dma_start3A_192 = arith.constant 0 : i32
        %dma_start3A_193 = tpu.memref_slice %dma_start3A_190[%dma_start3A_191, %dma_start3A_192] : memref<10000x128xf32, #tpu.memory_space<hbm>> -> memref<10000x128xf32, #tpu.memory_space<hbm>>
        tpu.enqueue_indirect_dma source(%dma_start3A_193 : memref<10000x128xf32, #tpu.memory_space<hbm>>) target(%arg11 : memref<64x128xf32, #tpu.memory_space<vmem>>) offsets(%dma_start3A_186 : memref<64xi32, #tpu.memory_space<vmem>>) semaphore(%arg14 : memref<!tpu.dma_semaphore, #tpu.memory_space<semaphore_mem>>)
      } else {
      }
      %mul3A_138 = arith.constant 3 : i32
      %mul3A_139 = arith.muli %scan3A_119, %mul3A_138 : i32
      %add3A_140 = arith.constant 1 : i32
      %add3A_141 = arith.addi %mul3A_139, %add3A_140 : i32
      tpu.wait_dma2 semaphore(%arg13 : memref<!tpu.dma_semaphore, #tpu.memory_space<semaphore_mem>>) src(%arg5 : memref<64x128xf32, #tpu.memory_space<hbm>>) dst(%arg10 : memref<64x128xf32, #tpu.memory_space<vmem>>)
      %dma_start3A_142 = arith.constant 0 : i32
      %dma_start3A_143 = tpu.memref_slice %arg8[%add3A_141, %dma_start3A_142] : memref<160x64xi32, #tpu.memory_space<vmem>> -> memref<1x64xi32, #tpu.memory_space<vmem>>
      %dma_start3A_144 = tpu.memref_squeeze %dma_start3A_143 : memref<1x64xi32, #tpu.memory_space<vmem>> -> memref<64xi32, #tpu.memory_space<vmem>>
      %dma_start3A_145 = arith.constant 0 : i32
      %dma_start3A_146 = arith.constant 0 : i32
      %dma_start3A_147 = tpu.memref_slice %arg18[%dma_start3A_145, %dma_start3A_146] : memref<10112x128xf32, #tpu.memory_space<vmem_shared>> -> memref<10112x128xf32, #tpu.memory_space<vmem_shared>>
      tpu.enqueue_indirect_dma source(%arg10 : memref<64x128xf32, #tpu.memory_space<vmem>>) target(%dma_start3A_147 : memref<10112x128xf32, #tpu.memory_space<vmem_shared>>) offsets(%dma_start3A_144 : memref<64xi32, #tpu.memory_space<vmem>>) semaphore(%arg16 : memref<!tpu.dma_semaphore, #tpu.memory_space<semaphore_mem>>) {add = true}
      %ge3A_148 = arith.constant 1 : i32
      %ge3A_149 = arith.cmpi sge, %add3A_141, %ge3A_148 : i32
      %convert_element_type3A_150 = arith.extui %ge3A_149 : i1 to i32
      %cond3A_151 = arith.constant 0 : i32
      %cond3A_152 = arith.cmpi ne, %convert_element_type3A_150, %cond3A_151 : i32
      scf.if %cond3A_152 {
        tpu.wait_dma2 semaphore(%arg15 : memref<!tpu.dma_semaphore, #tpu.memory_space<semaphore_mem>>) src(%arg5 : memref<64x128xf32, #tpu.memory_space<hbm>>) dst(%arg9 : memref<64x128xf32, #tpu.memory_space<vmem>>)
      } else {
      }
      %add3A_153 = arith.constant 2 : i32
      %add3A_154 = arith.addi %add3A_141, %add3A_153 : i32
      %lt3A_155 = arith.constant 160 : i32
      %lt3A_156 = arith.cmpi slt, %add3A_154, %lt3A_155 : i32
      %convert_element_type3A_157 = arith.extui %lt3A_156 : i1 to i32
      %cond3A_158 = arith.constant 0 : i32
      %cond3A_159 = arith.cmpi ne, %convert_element_type3A_157, %cond3A_158 : i32
      scf.if %cond3A_159 {
        %add3A_182 = arith.constant 2 : i32
        %add3A_183 = arith.addi %add3A_141, %add3A_182 : i32
        %dma_start3A_184 = arith.constant 0 : i32
        %dma_start3A_185 = tpu.memref_slice %arg7[%add3A_183, %dma_start3A_184] : memref<160x64xi32, #tpu.memory_space<vmem>> -> memref<1x64xi32, #tpu.memory_space<vmem>>
        %dma_start3A_186 = tpu.memref_squeeze %dma_start3A_185 : memref<1x64xi32, #tpu.memory_space<vmem>> -> memref<64xi32, #tpu.memory_space<vmem>>
        %dma_start3A_187 = arith.constant 0 : i32
        %dma_start3A_188 = arith.constant 0 : i32
        %dma_start3A_189 = tpu.memref_slice %arg2[%arg0, %dma_start3A_187, %dma_start3A_188] : memref<2x10000x128xf32, #tpu.memory_space<hbm>> -> memref<1x10000x128xf32, #tpu.memory_space<hbm>>
        %dma_start3A_190 = tpu.memref_squeeze %dma_start3A_189 : memref<1x10000x128xf32, #tpu.memory_space<hbm>> -> memref<10000x128xf32, #tpu.memory_space<hbm>>
        %dma_start3A_191 = arith.constant 0 : i32
        %dma_start3A_192 = arith.constant 0 : i32
        %dma_start3A_193 = tpu.memref_slice %dma_start3A_190[%dma_start3A_191, %dma_start3A_192] : memref<10000x128xf32, #tpu.memory_space<hbm>> -> memref<10000x128xf32, #tpu.memory_space<hbm>>
        tpu.enqueue_indirect_dma source(%dma_start3A_193 : memref<10000x128xf32, #tpu.memory_space<hbm>>) target(%arg9 : memref<64x128xf32, #tpu.memory_space<vmem>>) offsets(%dma_start3A_186 : memref<64xi32, #tpu.memory_space<vmem>>) semaphore(%arg12 : memref<!tpu.dma_semaphore, #tpu.memory_space<semaphore_mem>>)
      } else {
      }
      %mul3A_160 = arith.constant 3 : i32
      %mul3A_161 = arith.muli %scan3A_119, %mul3A_160 : i32
      %add3A_162 = arith.constant 2 : i32
      %add3A_163 = arith.addi %mul3A_161, %add3A_162 : i32
      tpu.wait_dma2 semaphore(%arg14 : memref<!tpu.dma_semaphore, #tpu.memory_space<semaphore_mem>>) src(%arg5 : memref<64x128xf32, #tpu.memory_space<hbm>>) dst(%arg11 : memref<64x128xf32, #tpu.memory_space<vmem>>)
      %dma_start3A_164 = arith.constant 0 : i32
      %dma_start3A_165 = tpu.memref_slice %arg8[%add3A_163, %dma_start3A_164] : memref<160x64xi32, #tpu.memory_space<vmem>> -> memref<1x64xi32, #tpu.memory_space<vmem>>
      %dma_start3A_166 = tpu.memref_squeeze %dma_start3A_165 : memref<1x64xi32, #tpu.memory_space<vmem>> -> memref<64xi32, #tpu.memory_space<vmem>>
      %dma_start3A_167 = arith.constant 0 : i32
      %dma_start3A_168 = arith.constant 0 : i32
      %dma_start3A_169 = tpu.memref_slice %arg18[%dma_start3A_167, %dma_start3A_168] : memref<10112x128xf32, #tpu.memory_space<vmem_shared>> -> memref<10112x128xf32, #tpu.memory_space<vmem_shared>>
      tpu.enqueue_indirect_dma source(%arg11 : memref<64x128xf32, #tpu.memory_space<vmem>>) target(%dma_start3A_169 : memref<10112x128xf32, #tpu.memory_space<vmem_shared>>) offsets(%dma_start3A_166 : memref<64xi32, #tpu.memory_space<vmem>>) semaphore(%arg17 : memref<!tpu.dma_semaphore, #tpu.memory_space<semaphore_mem>>) {add = true}
      %ge3A_170 = arith.constant 1 : i32
      %ge3A_171 = arith.cmpi sge, %add3A_163, %ge3A_170 : i32
      %convert_element_type3A_172 = arith.extui %ge3A_171 : i1 to i32
      %cond3A_173 = arith.constant 0 : i32
      %cond3A_174 = arith.cmpi ne, %convert_element_type3A_172, %cond3A_173 : i32
      scf.if %cond3A_174 {
        tpu.wait_dma2 semaphore(%arg16 : memref<!tpu.dma_semaphore, #tpu.memory_space<semaphore_mem>>) src(%arg5 : memref<64x128xf32, #tpu.memory_space<hbm>>) dst(%arg10 : memref<64x128xf32, #tpu.memory_space<vmem>>)
      } else {
      }
      %add3A_175 = arith.constant 2 : i32
      %add3A_176 = arith.addi %add3A_163, %add3A_175 : i32
      %lt3A_177 = arith.constant 160 : i32
      %lt3A_178 = arith.cmpi slt, %add3A_176, %lt3A_177 : i32
      %convert_element_type3A_179 = arith.extui %lt3A_178 : i1 to i32
      %cond3A_180 = arith.constant 0 : i32
      %cond3A_181 = arith.cmpi ne, %convert_element_type3A_179, %cond3A_180 : i32
      scf.if %cond3A_181 {
        %add3A_182 = arith.constant 2 : i32
        %add3A_183 = arith.addi %add3A_163, %add3A_182 : i32
        %dma_start3A_184 = arith.constant 0 : i32
        %dma_start3A_185 = tpu.memref_slice %arg7[%add3A_183, %dma_start3A_184] : memref<160x64xi32, #tpu.memory_space<vmem>> -> memref<1x64xi32, #tpu.memory_space<vmem>>
        %dma_start3A_186 = tpu.memref_squeeze %dma_start3A_185 : memref<1x64xi32, #tpu.memory_space<vmem>> -> memref<64xi32, #tpu.memory_space<vmem>>
        %dma_start3A_187 = arith.constant 0 : i32
        %dma_start3A_188 = arith.constant 0 : i32
        %dma_start3A_189 = tpu.memref_slice %arg2[%arg0, %dma_start3A_187, %dma_start3A_188] : memref<2x10000x128xf32, #tpu.memory_space<hbm>> -> memref<1x10000x128xf32, #tpu.memory_space<hbm>>
        %dma_start3A_190 = tpu.memref_squeeze %dma_start3A_189 : memref<1x10000x128xf32, #tpu.memory_space<hbm>> -> memref<10000x128xf32, #tpu.memory_space<hbm>>
        %dma_start3A_191 = arith.constant 0 : i32
        %dma_start3A_192 = arith.constant 0 : i32
        %dma_start3A_193 = tpu.memref_slice %dma_start3A_190[%dma_start3A_191, %dma_start3A_192] : memref<10000x128xf32, #tpu.memory_space<hbm>> -> memref<10000x128xf32, #tpu.memory_space<hbm>>
        tpu.enqueue_indirect_dma source(%dma_start3A_193 : memref<10000x128xf32, #tpu.memory_space<hbm>>) target(%arg10 : memref<64x128xf32, #tpu.memory_space<vmem>>) offsets(%dma_start3A_186 : memref<64xi32, #tpu.memory_space<vmem>>) semaphore(%arg13 : memref<!tpu.dma_semaphore, #tpu.memory_space<semaphore_mem>>)
      } else {
      }
    }
    %scan3A_106 = arith.constant 53 : i32
    tpu.wait_dma2 semaphore(%arg12 : memref<!tpu.dma_semaphore, #tpu.memory_space<semaphore_mem>>) src(%arg5 : memref<64x128xf32, #tpu.memory_space<hbm>>) dst(%arg9 : memref<64x128xf32, #tpu.memory_space<vmem>>)
    %dma_start3A_107 = arith.constant 159 : i32
    %dma_start3A_108 = arith.constant 0 : i32
    %dma_start3A_109 = tpu.memref_slice %arg8[%dma_start3A_107, %dma_start3A_108] : memref<160x64xi32, #tpu.memory_space<vmem>> -> memref<1x64xi32, #tpu.memory_space<vmem>>
    %dma_start3A_110 = tpu.memref_squeeze %dma_start3A_109 : memref<1x64xi32, #tpu.memory_space<vmem>> -> memref<64xi32, #tpu.memory_space<vmem>>
    %dma_start3A_111 = arith.constant 0 : i32
    %dma_start3A_112 = arith.constant 0 : i32
    %dma_start3A_113 = tpu.memref_slice %arg18[%dma_start3A_111, %dma_start3A_112] : memref<10112x128xf32, #tpu.memory_space<vmem_shared>> -> memref<10112x128xf32, #tpu.memory_space<vmem_shared>>
    tpu.enqueue_indirect_dma source(%arg9 : memref<64x128xf32, #tpu.memory_space<vmem>>) target(%dma_start3A_113 : memref<10112x128xf32, #tpu.memory_space<vmem_shared>>) offsets(%dma_start3A_110 : memref<64xi32, #tpu.memory_space<vmem>>) semaphore(%arg15 : memref<!tpu.dma_semaphore, #tpu.memory_space<semaphore_mem>>) {add = true}
    tpu.wait_dma2 semaphore(%arg17 : memref<!tpu.dma_semaphore, #tpu.memory_space<semaphore_mem>>) src(%arg5 : memref<64x128xf32, #tpu.memory_space<hbm>>) dst(%arg11 : memref<64x128xf32, #tpu.memory_space<vmem>>)
    tpu.wait_dma2 semaphore(%arg15 : memref<!tpu.dma_semaphore, #tpu.memory_space<semaphore_mem>>) src(%arg5 : memref<64x128xf32, #tpu.memory_space<hbm>>) dst(%arg9 : memref<64x128xf32, #tpu.memory_space<vmem>>)
    %barrier3A_114 = arith.constant 0 : index
    tpu.barrier barrier_id(%barrier3A_114)
    %mul3A_115 = arith.constant 632 : i32
    %mul3A_116 = arith.muli %arg1, %mul3A_115 : i32
    %mul3A_117 = arith.constant 632 : i32
    %mul3A_118 = arith.muli %arg1, %mul3A_117 : i32
    "tpu.region"() ({
      %run_scoped3A = tpu.sem_alloc : memref<!tpu.dma_semaphore, #tpu.memory_space<semaphore_mem>>
      %dma_start3A_119 = arith.constant 0 : i32
      %dma_start3A_120 = arith.constant 0 : i32
      %dma_start3A_121 = tpu.memref_slice %arg6[%arg0, %dma_start3A_119, %dma_start3A_120] : memref<2x10112x128xf32, #tpu.memory_space<hbm>> -> memref<1x10112x128xf32, #tpu.memory_space<hbm>>
      %dma_start3A_122 = tpu.memref_squeeze %dma_start3A_121 : memref<1x10112x128xf32, #tpu.memory_space<hbm>> -> memref<10112x128xf32, #tpu.memory_space<hbm>>
      %dma_start3A_123 = arith.constant 0 : i32
      %dma_start3A_124 = tpu.memref_slice %dma_start3A_122[%mul3A_118, %dma_start3A_123] : memref<10112x128xf32, #tpu.memory_space<hbm>> -> memref<632x128xf32, #tpu.memory_space<hbm>>
      %dma_start3A_125 = arith.constant 0 : i32
      %dma_start3A_126 = tpu.memref_slice %arg18[%mul3A_116, %dma_start3A_125] : memref<10112x128xf32, #tpu.memory_space<vmem_shared>> -> memref<632x128xf32, #tpu.memory_space<vmem_shared>>
      tpu.enqueue_dma source(%dma_start3A_126 : memref<632x128xf32, #tpu.memory_space<vmem_shared>>) target(%dma_start3A_124 : memref<632x128xf32, #tpu.memory_space<hbm>>) target_semaphore(%run_scoped3A : memref<!tpu.dma_semaphore, #tpu.memory_space<semaphore_mem>>)
      %dma_wait3A = arith.constant 0 : i32
      %dma_wait3A_127 = arith.constant 0 : i32
      %dma_wait3A_128 = tpu.memref_slice %arg6[%arg0, %dma_wait3A, %dma_wait3A_127] : memref<2x10112x128xf32, #tpu.memory_space<hbm>> -> memref<1x10112x128xf32, #tpu.memory_space<hbm>>
      %dma_wait3A_129 = tpu.memref_squeeze %dma_wait3A_128 : memref<1x10112x128xf32, #tpu.memory_space<hbm>> -> memref<10112x128xf32, #tpu.memory_space<hbm>>
      %dma_wait3A_130 = arith.constant 0 : i32
      %dma_wait3A_131 = tpu.memref_slice %dma_wait3A_129[%mul3A_118, %dma_wait3A_130] : memref<10112x128xf32, #tpu.memory_space<hbm>> -> memref<632x128xf32, #tpu.memory_space<hbm>>
      %dma_wait3A_132 = arith.constant 0 : i32
      %dma_wait3A_133 = tpu.memref_slice %arg18[%mul3A_116, %dma_wait3A_132] : memref<10112x128xf32, #tpu.memory_space<vmem_shared>> -> memref<632x128xf32, #tpu.memory_space<vmem_shared>>
      tpu.wait_dma2 semaphore(%run_scoped3A : memref<!tpu.dma_semaphore, #tpu.memory_space<semaphore_mem>>) src(%dma_wait3A_133 : memref<632x128xf32, #tpu.memory_space<vmem_shared>>) dst(%dma_wait3A_131 : memref<632x128xf32, #tpu.memory_space<hbm>>)
      tpu.yield
    }) : () -> ()
    return
  }
}

#map = affine_map<(d0, d1) -> (0, 0, 0)>
#map1 = affine_map<(d0, d1) -> (0, 0)>
module attributes {stable_mosaic.version = 14 : i64} {
  func.func @_agg_sc(%arg0: i32, %arg1: i32, %arg2: memref<2x10000x128xf32, #tpu.memory_space<hbm>>, %arg3: memref<5120x64xi32, #tpu.memory_space<hbm>>, %arg4: memref<5120x64xi32, #tpu.memory_space<hbm>>, %arg5: memref<64x128xf32, #tpu.memory_space<hbm>>, %arg6: memref<2x10112x128xf32, #tpu.memory_space<hbm>>, %arg7: memref<160x64xi32, #tpu.memory_space<vmem>>, %arg8: memref<160x64xi32, #tpu.memory_space<vmem>>, %arg9: memref<64x128xf32, #tpu.memory_space<vmem>>, %arg10: memref<64x128xf32, #tpu.memory_space<vmem>>, %arg11: memref<64x128xf32, #tpu.memory_space<vmem>>, %arg12: memref<!tpu.dma_semaphore, #tpu.memory_space<semaphore_mem>>, %arg13: memref<!tpu.dma_semaphore, #tpu.memory_space<semaphore_mem>>, %arg14: memref<!tpu.dma_semaphore, #tpu.memory_space<semaphore_mem>>, %arg15: memref<!tpu.dma_semaphore, #tpu.memory_space<semaphore_mem>>, %arg16: memref<!tpu.dma_semaphore, #tpu.memory_space<semaphore_mem>>, %arg17: memref<!tpu.dma_semaphore, #tpu.memory_space<semaphore_mem>>, %arg18: memref<10112x128xf32, #tpu.memory_space<vmem_shared>>) attributes {dimension_semantics = [#tpu.dimension_semantics<core_parallel>, #tpu.dimension_semantics<subcore_parallel>], iteration_bounds = array<i64: 2, 16>, scalar_prefetch = 0 : i64, scratch_operands = 12 : i64, tpu.core_type = #tpu.core_type<sc_vector_subcore>, window_params = [{transform_indices = #map}, {transform_indices = #map1}, {transform_indices = #map1}, {transform_indices = #map1}, {transform_indices = #map}]} {
    "tpu.region"() ({
      %run_scoped3A = tpu.sem_alloc : memref<!tpu.dma_semaphore, #tpu.memory_space<semaphore_mem>>
      tpu.enqueue_dma source(%arg5 : memref<64x128xf32, #tpu.memory_space<hbm>>) target(%arg9 : memref<64x128xf32, #tpu.memory_space<vmem>>) target_semaphore(%run_scoped3A : memref<!tpu.dma_semaphore, #tpu.memory_space<semaphore_mem>>)
      tpu.wait_dma2 semaphore(%run_scoped3A : memref<!tpu.dma_semaphore, #tpu.memory_space<semaphore_mem>>) src(%arg5 : memref<64x128xf32, #tpu.memory_space<hbm>>) dst(%arg9 : memref<64x128xf32, #tpu.memory_space<vmem>>)
      tpu.yield
    }) : () -> ()
    %mul3A = arith.constant 632 : i32
    %mul3A_0 = arith.muli %arg1, %mul3A : i32
    %add3A = arith.constant 0 : i32
    %add3A_1 = arith.addi %mul3A_0, %add3A : i32
    "tpu.region"() ({
      %run_scoped3A = tpu.sem_alloc : memref<!tpu.dma_semaphore, #tpu.memory_space<semaphore_mem>>
      %dma_start3A_119 = arith.constant 0 : i32
      %dma_start3A_120 = tpu.memref_slice %arg18[%add3A_1, %dma_start3A_119] : memref<10112x128xf32, #tpu.memory_space<vmem_shared>> -> memref<64x128xf32, #tpu.memory_space<vmem_shared>>
      %dma_start3A_121 = arith.constant 0 : i32
      %dma_start3A_122 = tpu.memref_slice %arg18[%add3A_1, %dma_start3A_121] : memref<10112x128xf32, #tpu.memory_space<vmem_shared>> -> memref<64x128xf32, #tpu.memory_space<vmem_shared>>
      tpu.enqueue_dma source(%arg9 : memref<64x128xf32, #tpu.memory_space<vmem>>) target(%dma_start3A_122 : memref<64x128xf32, #tpu.memory_space<vmem_shared>>) target_semaphore(%run_scoped3A : memref<!tpu.dma_semaphore, #tpu.memory_space<semaphore_mem>>)
      %dma_wait3A = arith.constant 0 : i32
      %dma_wait3A_123 = tpu.memref_slice %arg18[%add3A_1, %dma_wait3A] : memref<10112x128xf32, #tpu.memory_space<vmem_shared>> -> memref<64x128xf32, #tpu.memory_space<vmem_shared>>
      %dma_wait3A_124 = arith.constant 0 : i32
      %dma_wait3A_125 = tpu.memref_slice %arg18[%add3A_1, %dma_wait3A_124] : memref<10112x128xf32, #tpu.memory_space<vmem_shared>> -> memref<64x128xf32, #tpu.memory_space<vmem_shared>>
      tpu.wait_dma2 semaphore(%run_scoped3A : memref<!tpu.dma_semaphore, #tpu.memory_space<semaphore_mem>>) src(%arg9 : memref<64x128xf32, #tpu.memory_space<vmem>>) dst(%dma_wait3A_125 : memref<64x128xf32, #tpu.memory_space<vmem_shared>>)
      tpu.yield
    }) : () -> ()
    %mul3A_2 = arith.constant 632 : i32
    %mul3A_3 = arith.muli %arg1, %mul3A_2 : i32
    %add3A_4 = arith.constant 64 : i32
    %add3A_5 = arith.addi %mul3A_3, %add3A_4 : i32
    "tpu.region"() ({
      %run_scoped3A = tpu.sem_alloc : memref<!tpu.dma_semaphore, #tpu.memory_space<semaphore_mem>>
      %dma_start3A_119 = arith.constant 0 : i32
      %dma_start3A_120 = tpu.memref_slice %arg18[%add3A_5, %dma_start3A_119] : memref<10112x128xf32, #tpu.memory_space<vmem_shared>> -> memref<64x128xf32, #tpu.memory_space<vmem_shared>>
      %dma_start3A_121 = arith.constant 0 : i32
      %dma_start3A_122 = tpu.memref_slice %arg18[%add3A_5, %dma_start3A_121] : memref<10112x128xf32, #tpu.memory_space<vmem_shared>> -> memref<64x128xf32, #tpu.memory_space<vmem_shared>>
      tpu.enqueue_dma source(%arg9 : memref<64x128xf32, #tpu.memory_space<vmem>>) target(%dma_start3A_122 : memref<64x128xf32, #tpu.memory_space<vmem_shared>>) target_semaphore(%run_scoped3A : memref<!tpu.dma_semaphore, #tpu.memory_space<semaphore_mem>>)
      %dma_wait3A = arith.constant 0 : i32
      %dma_wait3A_123 = tpu.memref_slice %arg18[%add3A_5, %dma_wait3A] : memref<10112x128xf32, #tpu.memory_space<vmem_shared>> -> memref<64x128xf32, #tpu.memory_space<vmem_shared>>
      %dma_wait3A_124 = arith.constant 0 : i32
      %dma_wait3A_125 = tpu.memref_slice %arg18[%add3A_5, %dma_wait3A_124] : memref<10112x128xf32, #tpu.memory_space<vmem_shared>> -> memref<64x128xf32, #tpu.memory_space<vmem_shared>>
      tpu.wait_dma2 semaphore(%run_scoped3A : memref<!tpu.dma_semaphore, #tpu.memory_space<semaphore_mem>>) src(%arg9 : memref<64x128xf32, #tpu.memory_space<vmem>>) dst(%dma_wait3A_125 : memref<64x128xf32, #tpu.memory_space<vmem_shared>>)
      tpu.yield
    }) : () -> ()
    %mul3A_6 = arith.constant 632 : i32
    %mul3A_7 = arith.muli %arg1, %mul3A_6 : i32
    %add3A_8 = arith.constant 128 : i32
    %add3A_9 = arith.addi %mul3A_7, %add3A_8 : i32
    "tpu.region"() ({
      %run_scoped3A = tpu.sem_alloc : memref<!tpu.dma_semaphore, #tpu.memory_space<semaphore_mem>>
      %dma_start3A_119 = arith.constant 0 : i32
      %dma_start3A_120 = tpu.memref_slice %arg18[%add3A_9, %dma_start3A_119] : memref<10112x128xf32, #tpu.memory_space<vmem_shared>> -> memref<64x128xf32, #tpu.memory_space<vmem_shared>>
      %dma_start3A_121 = arith.constant 0 : i32
      %dma_start3A_122 = tpu.memref_slice %arg18[%add3A_9, %dma_start3A_121] : memref<10112x128xf32, #tpu.memory_space<vmem_shared>> -> memref<64x128xf32, #tpu.memory_space<vmem_shared>>
      tpu.enqueue_dma source(%arg9 : memref<64x128xf32, #tpu.memory_space<vmem>>) target(%dma_start3A_122 : memref<64x128xf32, #tpu.memory_space<vmem_shared>>) target_semaphore(%run_scoped3A : memref<!tpu.dma_semaphore, #tpu.memory_space<semaphore_mem>>)
      %dma_wait3A = arith.constant 0 : i32
      %dma_wait3A_123 = tpu.memref_slice %arg18[%add3A_9, %dma_wait3A] : memref<10112x128xf32, #tpu.memory_space<vmem_shared>> -> memref<64x128xf32, #tpu.memory_space<vmem_shared>>
      %dma_wait3A_124 = arith.constant 0 : i32
      %dma_wait3A_125 = tpu.memref_slice %arg18[%add3A_9, %dma_wait3A_124] : memref<10112x128xf32, #tpu.memory_space<vmem_shared>> -> memref<64x128xf32, #tpu.memory_space<vmem_shared>>
      tpu.wait_dma2 semaphore(%run_scoped3A : memref<!tpu.dma_semaphore, #tpu.memory_space<semaphore_mem>>) src(%arg9 : memref<64x128xf32, #tpu.memory_space<vmem>>) dst(%dma_wait3A_125 : memref<64x128xf32, #tpu.memory_space<vmem_shared>>)
      tpu.yield
    }) : () -> ()
    %mul3A_10 = arith.constant 632 : i32
    %mul3A_11 = arith.muli %arg1, %mul3A_10 : i32
    %add3A_12 = arith.constant 192 : i32
    %add3A_13 = arith.addi %mul3A_11, %add3A_12 : i32
    "tpu.region"() ({
      %run_scoped3A = tpu.sem_alloc : memref<!tpu.dma_semaphore, #tpu.memory_space<semaphore_mem>>
      %dma_start3A_119 = arith.constant 0 : i32
      %dma_start3A_120 = tpu.memref_slice %arg18[%add3A_13, %dma_start3A_119] : memref<10112x128xf32, #tpu.memory_space<vmem_shared>> -> memref<64x128xf32, #tpu.memory_space<vmem_shared>>
      %dma_start3A_121 = arith.constant 0 : i32
      %dma_start3A_122 = tpu.memref_slice %arg18[%add3A_13, %dma_start3A_121] : memref<10112x128xf32, #tpu.memory_space<vmem_shared>> -> memref<64x128xf32, #tpu.memory_space<vmem_shared>>
      tpu.enqueue_dma source(%arg9 : memref<64x128xf32, #tpu.memory_space<vmem>>) target(%dma_start3A_122 : memref<64x128xf32, #tpu.memory_space<vmem_shared>>) target_semaphore(%run_scoped3A : memref<!tpu.dma_semaphore, #tpu.memory_space<semaphore_mem>>)
      %dma_wait3A = arith.constant 0 : i32
      %dma_wait3A_123 = tpu.memref_slice %arg18[%add3A_13, %dma_wait3A] : memref<10112x128xf32, #tpu.memory_space<vmem_shared>> -> memref<64x128xf32, #tpu.memory_space<vmem_shared>>
      %dma_wait3A_124 = arith.constant 0 : i32
      %dma_wait3A_125 = tpu.memref_slice %arg18[%add3A_13, %dma_wait3A_124] : memref<10112x128xf32, #tpu.memory_space<vmem_shared>> -> memref<64x128xf32, #tpu.memory_space<vmem_shared>>
      tpu.wait_dma2 semaphore(%run_scoped3A : memref<!tpu.dma_semaphore, #tpu.memory_space<semaphore_mem>>) src(%arg9 : memref<64x128xf32, #tpu.memory_space<vmem>>) dst(%dma_wait3A_125 : memref<64x128xf32, #tpu.memory_space<vmem_shared>>)
      tpu.yield
    }) : () -> ()
    %mul3A_14 = arith.constant 632 : i32
    %mul3A_15 = arith.muli %arg1, %mul3A_14 : i32
    %add3A_16 = arith.constant 256 : i32
    %add3A_17 = arith.addi %mul3A_15, %add3A_16 : i32
    "tpu.region"() ({
      %run_scoped3A = tpu.sem_alloc : memref<!tpu.dma_semaphore, #tpu.memory_space<semaphore_mem>>
      %dma_start3A_119 = arith.constant 0 : i32
      %dma_start3A_120 = tpu.memref_slice %arg18[%add3A_17, %dma_start3A_119] : memref<10112x128xf32, #tpu.memory_space<vmem_shared>> -> memref<64x128xf32, #tpu.memory_space<vmem_shared>>
      %dma_start3A_121 = arith.constant 0 : i32
      %dma_start3A_122 = tpu.memref_slice %arg18[%add3A_17, %dma_start3A_121] : memref<10112x128xf32, #tpu.memory_space<vmem_shared>> -> memref<64x128xf32, #tpu.memory_space<vmem_shared>>
      tpu.enqueue_dma source(%arg9 : memref<64x128xf32, #tpu.memory_space<vmem>>) target(%dma_start3A_122 : memref<64x128xf32, #tpu.memory_space<vmem_shared>>) target_semaphore(%run_scoped3A : memref<!tpu.dma_semaphore, #tpu.memory_space<semaphore_mem>>)
      %dma_wait3A = arith.constant 0 : i32
      %dma_wait3A_123 = tpu.memref_slice %arg18[%add3A_17, %dma_wait3A] : memref<10112x128xf32, #tpu.memory_space<vmem_shared>> -> memref<64x128xf32, #tpu.memory_space<vmem_shared>>
      %dma_wait3A_124 = arith.constant 0 : i32
      %dma_wait3A_125 = tpu.memref_slice %arg18[%add3A_17, %dma_wait3A_124] : memref<10112x128xf32, #tpu.memory_space<vmem_shared>> -> memref<64x128xf32, #tpu.memory_space<vmem_shared>>
      tpu.wait_dma2 semaphore(%run_scoped3A : memref<!tpu.dma_semaphore, #tpu.memory_space<semaphore_mem>>) src(%arg9 : memref<64x128xf32, #tpu.memory_space<vmem>>) dst(%dma_wait3A_125 : memref<64x128xf32, #tpu.memory_space<vmem_shared>>)
      tpu.yield
    }) : () -> ()
    %mul3A_18 = arith.constant 632 : i32
    %mul3A_19 = arith.muli %arg1, %mul3A_18 : i32
    %add3A_20 = arith.constant 320 : i32
    %add3A_21 = arith.addi %mul3A_19, %add3A_20 : i32
    "tpu.region"() ({
      %run_scoped3A = tpu.sem_alloc : memref<!tpu.dma_semaphore, #tpu.memory_space<semaphore_mem>>
      %dma_start3A_119 = arith.constant 0 : i32
      %dma_start3A_120 = tpu.memref_slice %arg18[%add3A_21, %dma_start3A_119] : memref<10112x128xf32, #tpu.memory_space<vmem_shared>> -> memref<64x128xf32, #tpu.memory_space<vmem_shared>>
      %dma_start3A_121 = arith.constant 0 : i32
      %dma_start3A_122 = tpu.memref_slice %arg18[%add3A_21, %dma_start3A_121] : memref<10112x128xf32, #tpu.memory_space<vmem_shared>> -> memref<64x128xf32, #tpu.memory_space<vmem_shared>>
      tpu.enqueue_dma source(%arg9 : memref<64x128xf32, #tpu.memory_space<vmem>>) target(%dma_start3A_122 : memref<64x128xf32, #tpu.memory_space<vmem_shared>>) target_semaphore(%run_scoped3A : memref<!tpu.dma_semaphore, #tpu.memory_space<semaphore_mem>>)
      %dma_wait3A = arith.constant 0 : i32
      %dma_wait3A_123 = tpu.memref_slice %arg18[%add3A_21, %dma_wait3A] : memref<10112x128xf32, #tpu.memory_space<vmem_shared>> -> memref<64x128xf32, #tpu.memory_space<vmem_shared>>
      %dma_wait3A_124 = arith.constant 0 : i32
      %dma_wait3A_125 = tpu.memref_slice %arg18[%add3A_21, %dma_wait3A_124] : memref<10112x128xf32, #tpu.memory_space<vmem_shared>> -> memref<64x128xf32, #tpu.memory_space<vmem_shared>>
      tpu.wait_dma2 semaphore(%run_scoped3A : memref<!tpu.dma_semaphore, #tpu.memory_space<semaphore_mem>>) src(%arg9 : memref<64x128xf32, #tpu.memory_space<vmem>>) dst(%dma_wait3A_125 : memref<64x128xf32, #tpu.memory_space<vmem_shared>>)
      tpu.yield
    }) : () -> ()
    %mul3A_22 = arith.constant 632 : i32
    %mul3A_23 = arith.muli %arg1, %mul3A_22 : i32
    %add3A_24 = arith.constant 384 : i32
    %add3A_25 = arith.addi %mul3A_23, %add3A_24 : i32
    "tpu.region"() ({
      %run_scoped3A = tpu.sem_alloc : memref<!tpu.dma_semaphore, #tpu.memory_space<semaphore_mem>>
      %dma_start3A_119 = arith.constant 0 : i32
      %dma_start3A_120 = tpu.memref_slice %arg18[%add3A_25, %dma_start3A_119] : memref<10112x128xf32, #tpu.memory_space<vmem_shared>> -> memref<64x128xf32, #tpu.memory_space<vmem_shared>>
      %dma_start3A_121 = arith.constant 0 : i32
      %dma_start3A_122 = tpu.memref_slice %arg18[%add3A_25, %dma_start3A_121] : memref<10112x128xf32, #tpu.memory_space<vmem_shared>> -> memref<64x128xf32, #tpu.memory_space<vmem_shared>>
      tpu.enqueue_dma source(%arg9 : memref<64x128xf32, #tpu.memory_space<vmem>>) target(%dma_start3A_122 : memref<64x128xf32, #tpu.memory_space<vmem_shared>>) target_semaphore(%run_scoped3A : memref<!tpu.dma_semaphore, #tpu.memory_space<semaphore_mem>>)
      %dma_wait3A = arith.constant 0 : i32
      %dma_wait3A_123 = tpu.memref_slice %arg18[%add3A_25, %dma_wait3A] : memref<10112x128xf32, #tpu.memory_space<vmem_shared>> -> memref<64x128xf32, #tpu.memory_space<vmem_shared>>
      %dma_wait3A_124 = arith.constant 0 : i32
      %dma_wait3A_125 = tpu.memref_slice %arg18[%add3A_25, %dma_wait3A_124] : memref<10112x128xf32, #tpu.memory_space<vmem_shared>> -> memref<64x128xf32, #tpu.memory_space<vmem_shared>>
      tpu.wait_dma2 semaphore(%run_scoped3A : memref<!tpu.dma_semaphore, #tpu.memory_space<semaphore_mem>>) src(%arg9 : memref<64x128xf32, #tpu.memory_space<vmem>>) dst(%dma_wait3A_125 : memref<64x128xf32, #tpu.memory_space<vmem_shared>>)
      tpu.yield
    }) : () -> ()
    %mul3A_26 = arith.constant 632 : i32
    %mul3A_27 = arith.muli %arg1, %mul3A_26 : i32
    %add3A_28 = arith.constant 448 : i32
    %add3A_29 = arith.addi %mul3A_27, %add3A_28 : i32
    "tpu.region"() ({
      %run_scoped3A = tpu.sem_alloc : memref<!tpu.dma_semaphore, #tpu.memory_space<semaphore_mem>>
      %dma_start3A_119 = arith.constant 0 : i32
      %dma_start3A_120 = tpu.memref_slice %arg18[%add3A_29, %dma_start3A_119] : memref<10112x128xf32, #tpu.memory_space<vmem_shared>> -> memref<64x128xf32, #tpu.memory_space<vmem_shared>>
      %dma_start3A_121 = arith.constant 0 : i32
      %dma_start3A_122 = tpu.memref_slice %arg18[%add3A_29, %dma_start3A_121] : memref<10112x128xf32, #tpu.memory_space<vmem_shared>> -> memref<64x128xf32, #tpu.memory_space<vmem_shared>>
      tpu.enqueue_dma source(%arg9 : memref<64x128xf32, #tpu.memory_space<vmem>>) target(%dma_start3A_122 : memref<64x128xf32, #tpu.memory_space<vmem_shared>>) target_semaphore(%run_scoped3A : memref<!tpu.dma_semaphore, #tpu.memory_space<semaphore_mem>>)
      %dma_wait3A = arith.constant 0 : i32
      %dma_wait3A_123 = tpu.memref_slice %arg18[%add3A_29, %dma_wait3A] : memref<10112x128xf32, #tpu.memory_space<vmem_shared>> -> memref<64x128xf32, #tpu.memory_space<vmem_shared>>
      %dma_wait3A_124 = arith.constant 0 : i32
      %dma_wait3A_125 = tpu.memref_slice %arg18[%add3A_29, %dma_wait3A_124] : memref<10112x128xf32, #tpu.memory_space<vmem_shared>> -> memref<64x128xf32, #tpu.memory_space<vmem_shared>>
      tpu.wait_dma2 semaphore(%run_scoped3A : memref<!tpu.dma_semaphore, #tpu.memory_space<semaphore_mem>>) src(%arg9 : memref<64x128xf32, #tpu.memory_space<vmem>>) dst(%dma_wait3A_125 : memref<64x128xf32, #tpu.memory_space<vmem_shared>>)
      tpu.yield
    }) : () -> ()
    %mul3A_30 = arith.constant 632 : i32
    %mul3A_31 = arith.muli %arg1, %mul3A_30 : i32
    %add3A_32 = arith.constant 512 : i32
    %add3A_33 = arith.addi %mul3A_31, %add3A_32 : i32
    "tpu.region"() ({
      %run_scoped3A = tpu.sem_alloc : memref<!tpu.dma_semaphore, #tpu.memory_space<semaphore_mem>>
      %dma_start3A_119 = arith.constant 0 : i32
      %dma_start3A_120 = tpu.memref_slice %arg18[%add3A_33, %dma_start3A_119] : memref<10112x128xf32, #tpu.memory_space<vmem_shared>> -> memref<64x128xf32, #tpu.memory_space<vmem_shared>>
      %dma_start3A_121 = arith.constant 0 : i32
      %dma_start3A_122 = tpu.memref_slice %arg18[%add3A_33, %dma_start3A_121] : memref<10112x128xf32, #tpu.memory_space<vmem_shared>> -> memref<64x128xf32, #tpu.memory_space<vmem_shared>>
      tpu.enqueue_dma source(%arg9 : memref<64x128xf32, #tpu.memory_space<vmem>>) target(%dma_start3A_122 : memref<64x128xf32, #tpu.memory_space<vmem_shared>>) target_semaphore(%run_scoped3A : memref<!tpu.dma_semaphore, #tpu.memory_space<semaphore_mem>>)
      %dma_wait3A = arith.constant 0 : i32
      %dma_wait3A_123 = tpu.memref_slice %arg18[%add3A_33, %dma_wait3A] : memref<10112x128xf32, #tpu.memory_space<vmem_shared>> -> memref<64x128xf32, #tpu.memory_space<vmem_shared>>
      %dma_wait3A_124 = arith.constant 0 : i32
      %dma_wait3A_125 = tpu.memref_slice %arg18[%add3A_33, %dma_wait3A_124] : memref<10112x128xf32, #tpu.memory_space<vmem_shared>> -> memref<64x128xf32, #tpu.memory_space<vmem_shared>>
      tpu.wait_dma2 semaphore(%run_scoped3A : memref<!tpu.dma_semaphore, #tpu.memory_space<semaphore_mem>>) src(%arg9 : memref<64x128xf32, #tpu.memory_space<vmem>>) dst(%dma_wait3A_125 : memref<64x128xf32, #tpu.memory_space<vmem_shared>>)
      tpu.yield
    }) : () -> ()
    %mul3A_34 = arith.constant 632 : i32
    %mul3A_35 = arith.muli %arg1, %mul3A_34 : i32
    %add3A_36 = arith.constant 576 : i32
    %add3A_37 = arith.addi %mul3A_35, %add3A_36 : i32
    "tpu.region"() ({
      %run_scoped3A = tpu.sem_alloc : memref<!tpu.dma_semaphore, #tpu.memory_space<semaphore_mem>>
      %dma_start3A_119 = arith.constant 0 : i32
      %dma_start3A_120 = arith.constant 0 : i32
      %dma_start3A_121 = tpu.memref_slice %arg9[%dma_start3A_119, %dma_start3A_120] : memref<64x128xf32, #tpu.memory_space<vmem>> -> memref<56x128xf32, #tpu.memory_space<vmem>>
      %dma_start3A_122 = arith.constant 0 : i32
      %dma_start3A_123 = tpu.memref_slice %arg18[%add3A_37, %dma_start3A_122] : memref<10112x128xf32, #tpu.memory_space<vmem_shared>> -> memref<56x128xf32, #tpu.memory_space<vmem_shared>>
      %dma_start3A_124 = arith.constant 0 : i32
      %dma_start3A_125 = tpu.memref_slice %arg18[%add3A_37, %dma_start3A_124] : memref<10112x128xf32, #tpu.memory_space<vmem_shared>> -> memref<56x128xf32, #tpu.memory_space<vmem_shared>>
      %dma_start3A_126 = arith.constant 0 : i32
      %dma_start3A_127 = arith.constant 0 : i32
      %dma_start3A_128 = tpu.memref_slice %arg9[%dma_start3A_126, %dma_start3A_127] : memref<64x128xf32, #tpu.memory_space<vmem>> -> memref<56x128xf32, #tpu.memory_space<vmem>>
      tpu.enqueue_dma source(%dma_start3A_128 : memref<56x128xf32, #tpu.memory_space<vmem>>) target(%dma_start3A_125 : memref<56x128xf32, #tpu.memory_space<vmem_shared>>) target_semaphore(%run_scoped3A : memref<!tpu.dma_semaphore, #tpu.memory_space<semaphore_mem>>)
      %dma_wait3A = arith.constant 0 : i32
      %dma_wait3A_129 = arith.constant 0 : i32
      %dma_wait3A_130 = tpu.memref_slice %arg9[%dma_wait3A, %dma_wait3A_129] : memref<64x128xf32, #tpu.memory_space<vmem>> -> memref<56x128xf32, #tpu.memory_space<vmem>>
      %dma_wait3A_131 = arith.constant 0 : i32
      %dma_wait3A_132 = tpu.memref_slice %arg18[%add3A_37, %dma_wait3A_131] : memref<10112x128xf32, #tpu.memory_space<vmem_shared>> -> memref<56x128xf32, #tpu.memory_space<vmem_shared>>
      %dma_wait3A_133 = arith.constant 0 : i32
      %dma_wait3A_134 = tpu.memref_slice %arg18[%add3A_37, %dma_wait3A_133] : memref<10112x128xf32, #tpu.memory_space<vmem_shared>> -> memref<56x128xf32, #tpu.memory_space<vmem_shared>>
      %dma_wait3A_135 = arith.constant 0 : i32
      %dma_wait3A_136 = arith.constant 0 : i32
      %dma_wait3A_137 = tpu.memref_slice %arg9[%dma_wait3A_135, %dma_wait3A_136] : memref<64x128xf32, #tpu.memory_space<vmem>> -> memref<56x128xf32, #tpu.memory_space<vmem>>
      tpu.wait_dma2 semaphore(%run_scoped3A : memref<!tpu.dma_semaphore, #tpu.memory_space<semaphore_mem>>) src(%dma_wait3A_137 : memref<56x128xf32, #tpu.memory_space<vmem>>) dst(%dma_wait3A_134 : memref<56x128xf32, #tpu.memory_space<vmem_shared>>)
      tpu.yield
    }) : () -> ()
    %barrier3A = arith.constant 0 : index
    tpu.barrier barrier_id(%barrier3A)
    %mul3A_38 = arith.constant 320 : i32
    %mul3A_39 = arith.muli %arg1, %mul3A_38 : i32
    %add3A_40 = arith.constant 0 : i32
    %add3A_41 = arith.addi %mul3A_39, %add3A_40 : i32
    "tpu.region"() ({
      %run_scoped3A = tpu.sem_alloc : memref<!tpu.dma_semaphore, #tpu.memory_space<semaphore_mem>>
      %dma_start3A_119 = arith.constant 0 : i32
      %dma_start3A_120 = tpu.memref_slice %arg3[%add3A_41, %dma_start3A_119] : memref<5120x64xi32, #tpu.memory_space<hbm>> -> memref<160x64xi32, #tpu.memory_space<hbm>>
      %dma_start3A_121 = arith.constant 0 : i32
      %dma_start3A_122 = tpu.memref_slice %arg3[%add3A_41, %dma_start3A_121] : memref<5120x64xi32, #tpu.memory_space<hbm>> -> memref<160x64xi32, #tpu.memory_space<hbm>>
      tpu.enqueue_dma source(%dma_start3A_122 : memref<160x64xi32, #tpu.memory_space<hbm>>) target(%arg7 : memref<160x64xi32, #tpu.memory_space<vmem>>) target_semaphore(%run_scoped3A : memref<!tpu.dma_semaphore, #tpu.memory_space<semaphore_mem>>)
      %dma_wait3A = arith.constant 0 : i32
      %dma_wait3A_123 = tpu.memref_slice %arg3[%add3A_41, %dma_wait3A] : memref<5120x64xi32, #tpu.memory_space<hbm>> -> memref<160x64xi32, #tpu.memory_space<hbm>>
      %dma_wait3A_124 = arith.constant 0 : i32
      %dma_wait3A_125 = tpu.memref_slice %arg3[%add3A_41, %dma_wait3A_124] : memref<5120x64xi32, #tpu.memory_space<hbm>> -> memref<160x64xi32, #tpu.memory_space<hbm>>
      tpu.wait_dma2 semaphore(%run_scoped3A : memref<!tpu.dma_semaphore, #tpu.memory_space<semaphore_mem>>) src(%dma_wait3A_125 : memref<160x64xi32, #tpu.memory_space<hbm>>) dst(%arg7 : memref<160x64xi32, #tpu.memory_space<vmem>>)
      tpu.yield
    }) : () -> ()
    "tpu.region"() ({
      %run_scoped3A = tpu.sem_alloc : memref<!tpu.dma_semaphore, #tpu.memory_space<semaphore_mem>>
      %dma_start3A_119 = arith.constant 0 : i32
      %dma_start3A_120 = tpu.memref_slice %arg4[%add3A_41, %dma_start3A_119] : memref<5120x64xi32, #tpu.memory_space<hbm>> -> memref<160x64xi32, #tpu.memory_space<hbm>>
      %dma_start3A_121 = arith.constant 0 : i32
      %dma_start3A_122 = tpu.memref_slice %arg4[%add3A_41, %dma_start3A_121] : memref<5120x64xi32, #tpu.memory_space<hbm>> -> memref<160x64xi32, #tpu.memory_space<hbm>>
      tpu.enqueue_dma source(%dma_start3A_122 : memref<160x64xi32, #tpu.memory_space<hbm>>) target(%arg8 : memref<160x64xi32, #tpu.memory_space<vmem>>) target_semaphore(%run_scoped3A : memref<!tpu.dma_semaphore, #tpu.memory_space<semaphore_mem>>)
      %dma_wait3A = arith.constant 0 : i32
      %dma_wait3A_123 = tpu.memref_slice %arg4[%add3A_41, %dma_wait3A] : memref<5120x64xi32, #tpu.memory_space<hbm>> -> memref<160x64xi32, #tpu.memory_space<hbm>>
      %dma_wait3A_124 = arith.constant 0 : i32
      %dma_wait3A_125 = tpu.memref_slice %arg4[%add3A_41, %dma_wait3A_124] : memref<5120x64xi32, #tpu.memory_space<hbm>> -> memref<160x64xi32, #tpu.memory_space<hbm>>
      tpu.wait_dma2 semaphore(%run_scoped3A : memref<!tpu.dma_semaphore, #tpu.memory_space<semaphore_mem>>) src(%dma_wait3A_125 : memref<160x64xi32, #tpu.memory_space<hbm>>) dst(%arg8 : memref<160x64xi32, #tpu.memory_space<vmem>>)
      tpu.yield
    }) : () -> ()
    %dma_start3A = arith.constant 0 : i32
    %dma_start3A_42 = arith.constant 0 : i32
    %dma_start3A_43 = tpu.memref_slice %arg7[%dma_start3A, %dma_start3A_42] : memref<160x64xi32, #tpu.memory_space<vmem>> -> memref<1x64xi32, #tpu.memory_space<vmem>>
    %dma_start3A_44 = tpu.memref_squeeze %dma_start3A_43 : memref<1x64xi32, #tpu.memory_space<vmem>> -> memref<64xi32, #tpu.memory_space<vmem>>
    %dma_start3A_45 = arith.constant 0 : i32
    %dma_start3A_46 = arith.constant 0 : i32
    %dma_start3A_47 = tpu.memref_slice %arg2[%arg0, %dma_start3A_45, %dma_start3A_46] : memref<2x10000x128xf32, #tpu.memory_space<hbm>> -> memref<1x10000x128xf32, #tpu.memory_space<hbm>>
    %dma_start3A_48 = tpu.memref_squeeze %dma_start3A_47 : memref<1x10000x128xf32, #tpu.memory_space<hbm>> -> memref<10000x128xf32, #tpu.memory_space<hbm>>
    %dma_start3A_49 = arith.constant 0 : i32
    %dma_start3A_50 = arith.constant 0 : i32
    %dma_start3A_51 = tpu.memref_slice %dma_start3A_48[%dma_start3A_49, %dma_start3A_50] : memref<10000x128xf32, #tpu.memory_space<hbm>> -> memref<10000x128xf32, #tpu.memory_space<hbm>>
    tpu.enqueue_indirect_dma source(%dma_start3A_51 : memref<10000x128xf32, #tpu.memory_space<hbm>>) target(%arg9 : memref<64x128xf32, #tpu.memory_space<vmem>>) offsets(%dma_start3A_44 : memref<64xi32, #tpu.memory_space<vmem>>) semaphore(%arg12 : memref<!tpu.dma_semaphore, #tpu.memory_space<semaphore_mem>>)
    %dma_start3A_52 = arith.constant 1 : i32
    %dma_start3A_53 = arith.constant 0 : i32
    %dma_start3A_54 = tpu.memref_slice %arg7[%dma_start3A_52, %dma_start3A_53] : memref<160x64xi32, #tpu.memory_space<vmem>> -> memref<1x64xi32, #tpu.memory_space<vmem>>
    %dma_start3A_55 = tpu.memref_squeeze %dma_start3A_54 : memref<1x64xi32, #tpu.memory_space<vmem>> -> memref<64xi32, #tpu.memory_space<vmem>>
    %dma_start3A_56 = arith.constant 0 : i32
    %dma_start3A_57 = arith.constant 0 : i32
    %dma_start3A_58 = tpu.memref_slice %arg2[%arg0, %dma_start3A_56, %dma_start3A_57] : memref<2x10000x128xf32, #tpu.memory_space<hbm>> -> memref<1x10000x128xf32, #tpu.memory_space<hbm>>
    %dma_start3A_59 = tpu.memref_squeeze %dma_start3A_58 : memref<1x10000x128xf32, #tpu.memory_space<hbm>> -> memref<10000x128xf32, #tpu.memory_space<hbm>>
    %dma_start3A_60 = arith.constant 0 : i32
    %dma_start3A_61 = arith.constant 0 : i32
    %dma_start3A_62 = tpu.memref_slice %dma_start3A_59[%dma_start3A_60, %dma_start3A_61] : memref<10000x128xf32, #tpu.memory_space<hbm>> -> memref<10000x128xf32, #tpu.memory_space<hbm>>
    tpu.enqueue_indirect_dma source(%dma_start3A_62 : memref<10000x128xf32, #tpu.memory_space<hbm>>) target(%arg10 : memref<64x128xf32, #tpu.memory_space<vmem>>) offsets(%dma_start3A_55 : memref<64xi32, #tpu.memory_space<vmem>>) semaphore(%arg13 : memref<!tpu.dma_semaphore, #tpu.memory_space<semaphore_mem>>)
    %scan3A = arith.constant 0 : i32
    %scan3A_63 = arith.constant 0 : i32
    %scan3A_64 = arith.constant 53 : i32
    %scan3A_65 = arith.addi %scan3A_63, %scan3A_64 : i32
    %scan3A_66 = arith.constant 1 : i32
    scf.for %scan3A_119 = %scan3A_63 to %scan3A_65 step %scan3A_66  : i32 {
      %mul3A_120 = arith.constant 3 : i32
      %mul3A_121 = arith.muli %scan3A_119, %mul3A_120 : i32
      %add3A_122 = arith.constant 0 : i32
      %add3A_123 = arith.addi %mul3A_121, %add3A_122 : i32
      tpu.wait_dma2 semaphore(%arg12 : memref<!tpu.dma_semaphore, #tpu.memory_space<semaphore_mem>>) src(%arg5 : memref<64x128xf32, #tpu.memory_space<hbm>>) dst(%arg9 : memref<64x128xf32, #tpu.memory_space<vmem>>)
      %dma_start3A_124 = arith.constant 0 : i32
      %dma_start3A_125 = tpu.memref_slice %arg8[%add3A_123, %dma_start3A_124] : memref<160x64xi32, #tpu.memory_space<vmem>> -> memref<1x64xi32, #tpu.memory_space<vmem>>
      %dma_start3A_126 = tpu.memref_squeeze %dma_start3A_125 : memref<1x64xi32, #tpu.memory_space<vmem>> -> memref<64xi32, #tpu.memory_space<vmem>>
      %dma_start3A_127 = arith.constant 0 : i32
      %dma_start3A_128 = arith.constant 0 : i32
      %dma_start3A_129 = tpu.memref_slice %arg18[%dma_start3A_127, %dma_start3A_128] : memref<10112x128xf32, #tpu.memory_space<vmem_shared>> -> memref<10112x128xf32, #tpu.memory_space<vmem_shared>>
      tpu.enqueue_indirect_dma source(%arg9 : memref<64x128xf32, #tpu.memory_space<vmem>>) target(%dma_start3A_129 : memref<10112x128xf32, #tpu.memory_space<vmem_shared>>) offsets(%dma_start3A_126 : memref<64xi32, #tpu.memory_space<vmem>>) semaphore(%arg15 : memref<!tpu.dma_semaphore, #tpu.memory_space<semaphore_mem>>) {add = true}
      %ge3A = arith.constant 1 : i32
      %ge3A_130 = arith.cmpi sge, %add3A_123, %ge3A : i32
      %convert_element_type3A = arith.extui %ge3A_130 : i1 to i32
      %cond3A = arith.constant 0 : i32
      %cond3A_131 = arith.cmpi ne, %convert_element_type3A, %cond3A : i32
      scf.if %cond3A_131 {
        tpu.wait_dma2 semaphore(%arg17 : memref<!tpu.dma_semaphore, #tpu.memory_space<semaphore_mem>>) src(%arg5 : memref<64x128xf32, #tpu.memory_space<hbm>>) dst(%arg11 : memref<64x128xf32, #tpu.memory_space<vmem>>)
      } else {
      }
      %add3A_132 = arith.constant 2 : i32
      %add3A_133 = arith.addi %add3A_123, %add3A_132 : i32
      %lt3A = arith.constant 160 : i32
      %lt3A_134 = arith.cmpi slt, %add3A_133, %lt3A : i32
      %convert_element_type3A_135 = arith.extui %lt3A_134 : i1 to i32
      %cond3A_136 = arith.constant 0 : i32
      %cond3A_137 = arith.cmpi ne, %convert_element_type3A_135, %cond3A_136 : i32
      scf.if %cond3A_137 {
        %add3A_182 = arith.constant 2 : i32
        %add3A_183 = arith.addi %add3A_123, %add3A_182 : i32
        %dma_start3A_184 = arith.constant 0 : i32
        %dma_start3A_185 = tpu.memref_slice %arg7[%add3A_183, %dma_start3A_184] : memref<160x64xi32, #tpu.memory_space<vmem>> -> memref<1x64xi32, #tpu.memory_space<vmem>>
        %dma_start3A_186 = tpu.memref_squeeze %dma_start3A_185 : memref<1x64xi32, #tpu.memory_space<vmem>> -> memref<64xi32, #tpu.memory_space<vmem>>
        %dma_start3A_187 = arith.constant 0 : i32
        %dma_start3A_188 = arith.constant 0 : i32
        %dma_start3A_189 = tpu.memref_slice %arg2[%arg0, %dma_start3A_187, %dma_start3A_188] : memref<2x10000x128xf32, #tpu.memory_space<hbm>> -> memref<1x10000x128xf32, #tpu.memory_space<hbm>>
        %dma_start3A_190 = tpu.memref_squeeze %dma_start3A_189 : memref<1x10000x128xf32, #tpu.memory_space<hbm>> -> memref<10000x128xf32, #tpu.memory_space<hbm>>
        %dma_start3A_191 = arith.constant 0 : i32
        %dma_start3A_192 = arith.constant 0 : i32
        %dma_start3A_193 = tpu.memref_slice %dma_start3A_190[%dma_start3A_191, %dma_start3A_192] : memref<10000x128xf32, #tpu.memory_space<hbm>> -> memref<10000x128xf32, #tpu.memory_space<hbm>>
        tpu.enqueue_indirect_dma source(%dma_start3A_193 : memref<10000x128xf32, #tpu.memory_space<hbm>>) target(%arg11 : memref<64x128xf32, #tpu.memory_space<vmem>>) offsets(%dma_start3A_186 : memref<64xi32, #tpu.memory_space<vmem>>) semaphore(%arg14 : memref<!tpu.dma_semaphore, #tpu.memory_space<semaphore_mem>>)
      } else {
      }
      %mul3A_138 = arith.constant 3 : i32
      %mul3A_139 = arith.muli %scan3A_119, %mul3A_138 : i32
      %add3A_140 = arith.constant 1 : i32
      %add3A_141 = arith.addi %mul3A_139, %add3A_140 : i32
      tpu.wait_dma2 semaphore(%arg13 : memref<!tpu.dma_semaphore, #tpu.memory_space<semaphore_mem>>) src(%arg5 : memref<64x128xf32, #tpu.memory_space<hbm>>) dst(%arg10 : memref<64x128xf32, #tpu.memory_space<vmem>>)
      %dma_start3A_142 = arith.constant 0 : i32
      %dma_start3A_143 = tpu.memref_slice %arg8[%add3A_141, %dma_start3A_142] : memref<160x64xi32, #tpu.memory_space<vmem>> -> memref<1x64xi32, #tpu.memory_space<vmem>>
      %dma_start3A_144 = tpu.memref_squeeze %dma_start3A_143 : memref<1x64xi32, #tpu.memory_space<vmem>> -> memref<64xi32, #tpu.memory_space<vmem>>
      %dma_start3A_145 = arith.constant 0 : i32
      %dma_start3A_146 = arith.constant 0 : i32
      %dma_start3A_147 = tpu.memref_slice %arg18[%dma_start3A_145, %dma_start3A_146] : memref<10112x128xf32, #tpu.memory_space<vmem_shared>> -> memref<10112x128xf32, #tpu.memory_space<vmem_shared>>
      tpu.enqueue_indirect_dma source(%arg10 : memref<64x128xf32, #tpu.memory_space<vmem>>) target(%dma_start3A_147 : memref<10112x128xf32, #tpu.memory_space<vmem_shared>>) offsets(%dma_start3A_144 : memref<64xi32, #tpu.memory_space<vmem>>) semaphore(%arg16 : memref<!tpu.dma_semaphore, #tpu.memory_space<semaphore_mem>>) {add = true}
      %ge3A_148 = arith.constant 1 : i32
      %ge3A_149 = arith.cmpi sge, %add3A_141, %ge3A_148 : i32
      %convert_element_type3A_150 = arith.extui %ge3A_149 : i1 to i32
      %cond3A_151 = arith.constant 0 : i32
      %cond3A_152 = arith.cmpi ne, %convert_element_type3A_150, %cond3A_151 : i32
      scf.if %cond3A_152 {
        tpu.wait_dma2 semaphore(%arg15 : memref<!tpu.dma_semaphore, #tpu.memory_space<semaphore_mem>>) src(%arg5 : memref<64x128xf32, #tpu.memory_space<hbm>>) dst(%arg9 : memref<64x128xf32, #tpu.memory_space<vmem>>)
      } else {
      }
      %add3A_153 = arith.constant 2 : i32
      %add3A_154 = arith.addi %add3A_141, %add3A_153 : i32
      %lt3A_155 = arith.constant 160 : i32
      %lt3A_156 = arith.cmpi slt, %add3A_154, %lt3A_155 : i32
      %convert_element_type3A_157 = arith.extui %lt3A_156 : i1 to i32
      %cond3A_158 = arith.constant 0 : i32
      %cond3A_159 = arith.cmpi ne, %convert_element_type3A_157, %cond3A_158 : i32
      scf.if %cond3A_159 {
        %add3A_182 = arith.constant 2 : i32
        %add3A_183 = arith.addi %add3A_141, %add3A_182 : i32
        %dma_start3A_184 = arith.constant 0 : i32
        %dma_start3A_185 = tpu.memref_slice %arg7[%add3A_183, %dma_start3A_184] : memref<160x64xi32, #tpu.memory_space<vmem>> -> memref<1x64xi32, #tpu.memory_space<vmem>>
        %dma_start3A_186 = tpu.memref_squeeze %dma_start3A_185 : memref<1x64xi32, #tpu.memory_space<vmem>> -> memref<64xi32, #tpu.memory_space<vmem>>
        %dma_start3A_187 = arith.constant 0 : i32
        %dma_start3A_188 = arith.constant 0 : i32
        %dma_start3A_189 = tpu.memref_slice %arg2[%arg0, %dma_start3A_187, %dma_start3A_188] : memref<2x10000x128xf32, #tpu.memory_space<hbm>> -> memref<1x10000x128xf32, #tpu.memory_space<hbm>>
        %dma_start3A_190 = tpu.memref_squeeze %dma_start3A_189 : memref<1x10000x128xf32, #tpu.memory_space<hbm>> -> memref<10000x128xf32, #tpu.memory_space<hbm>>
        %dma_start3A_191 = arith.constant 0 : i32
        %dma_start3A_192 = arith.constant 0 : i32
        %dma_start3A_193 = tpu.memref_slice %dma_start3A_190[%dma_start3A_191, %dma_start3A_192] : memref<10000x128xf32, #tpu.memory_space<hbm>> -> memref<10000x128xf32, #tpu.memory_space<hbm>>
        tpu.enqueue_indirect_dma source(%dma_start3A_193 : memref<10000x128xf32, #tpu.memory_space<hbm>>) target(%arg9 : memref<64x128xf32, #tpu.memory_space<vmem>>) offsets(%dma_start3A_186 : memref<64xi32, #tpu.memory_space<vmem>>) semaphore(%arg12 : memref<!tpu.dma_semaphore, #tpu.memory_space<semaphore_mem>>)
      } else {
      }
      %mul3A_160 = arith.constant 3 : i32
      %mul3A_161 = arith.muli %scan3A_119, %mul3A_160 : i32
      %add3A_162 = arith.constant 2 : i32
      %add3A_163 = arith.addi %mul3A_161, %add3A_162 : i32
      tpu.wait_dma2 semaphore(%arg14 : memref<!tpu.dma_semaphore, #tpu.memory_space<semaphore_mem>>) src(%arg5 : memref<64x128xf32, #tpu.memory_space<hbm>>) dst(%arg11 : memref<64x128xf32, #tpu.memory_space<vmem>>)
      %dma_start3A_164 = arith.constant 0 : i32
      %dma_start3A_165 = tpu.memref_slice %arg8[%add3A_163, %dma_start3A_164] : memref<160x64xi32, #tpu.memory_space<vmem>> -> memref<1x64xi32, #tpu.memory_space<vmem>>
      %dma_start3A_166 = tpu.memref_squeeze %dma_start3A_165 : memref<1x64xi32, #tpu.memory_space<vmem>> -> memref<64xi32, #tpu.memory_space<vmem>>
      %dma_start3A_167 = arith.constant 0 : i32
      %dma_start3A_168 = arith.constant 0 : i32
      %dma_start3A_169 = tpu.memref_slice %arg18[%dma_start3A_167, %dma_start3A_168] : memref<10112x128xf32, #tpu.memory_space<vmem_shared>> -> memref<10112x128xf32, #tpu.memory_space<vmem_shared>>
      tpu.enqueue_indirect_dma source(%arg11 : memref<64x128xf32, #tpu.memory_space<vmem>>) target(%dma_start3A_169 : memref<10112x128xf32, #tpu.memory_space<vmem_shared>>) offsets(%dma_start3A_166 : memref<64xi32, #tpu.memory_space<vmem>>) semaphore(%arg17 : memref<!tpu.dma_semaphore, #tpu.memory_space<semaphore_mem>>) {add = true}
      %ge3A_170 = arith.constant 1 : i32
      %ge3A_171 = arith.cmpi sge, %add3A_163, %ge3A_170 : i32
      %convert_element_type3A_172 = arith.extui %ge3A_171 : i1 to i32
      %cond3A_173 = arith.constant 0 : i32
      %cond3A_174 = arith.cmpi ne, %convert_element_type3A_172, %cond3A_173 : i32
      scf.if %cond3A_174 {
        tpu.wait_dma2 semaphore(%arg16 : memref<!tpu.dma_semaphore, #tpu.memory_space<semaphore_mem>>) src(%arg5 : memref<64x128xf32, #tpu.memory_space<hbm>>) dst(%arg10 : memref<64x128xf32, #tpu.memory_space<vmem>>)
      } else {
      }
      %add3A_175 = arith.constant 2 : i32
      %add3A_176 = arith.addi %add3A_163, %add3A_175 : i32
      %lt3A_177 = arith.constant 160 : i32
      %lt3A_178 = arith.cmpi slt, %add3A_176, %lt3A_177 : i32
      %convert_element_type3A_179 = arith.extui %lt3A_178 : i1 to i32
      %cond3A_180 = arith.constant 0 : i32
      %cond3A_181 = arith.cmpi ne, %convert_element_type3A_179, %cond3A_180 : i32
      scf.if %cond3A_181 {
        %add3A_182 = arith.constant 2 : i32
        %add3A_183 = arith.addi %add3A_163, %add3A_182 : i32
        %dma_start3A_184 = arith.constant 0 : i32
        %dma_start3A_185 = tpu.memref_slice %arg7[%add3A_183, %dma_start3A_184] : memref<160x64xi32, #tpu.memory_space<vmem>> -> memref<1x64xi32, #tpu.memory_space<vmem>>
        %dma_start3A_186 = tpu.memref_squeeze %dma_start3A_185 : memref<1x64xi32, #tpu.memory_space<vmem>> -> memref<64xi32, #tpu.memory_space<vmem>>
        %dma_start3A_187 = arith.constant 0 : i32
        %dma_start3A_188 = arith.constant 0 : i32
        %dma_start3A_189 = tpu.memref_slice %arg2[%arg0, %dma_start3A_187, %dma_start3A_188] : memref<2x10000x128xf32, #tpu.memory_space<hbm>> -> memref<1x10000x128xf32, #tpu.memory_space<hbm>>
        %dma_start3A_190 = tpu.memref_squeeze %dma_start3A_189 : memref<1x10000x128xf32, #tpu.memory_space<hbm>> -> memref<10000x128xf32, #tpu.memory_space<hbm>>
        %dma_start3A_191 = arith.constant 0 : i32
        %dma_start3A_192 = arith.constant 0 : i32
        %dma_start3A_193 = tpu.memref_slice %dma_start3A_190[%dma_start3A_191, %dma_start3A_192] : memref<10000x128xf32, #tpu.memory_space<hbm>> -> memref<10000x128xf32, #tpu.memory_space<hbm>>
        tpu.enqueue_indirect_dma source(%dma_start3A_193 : memref<10000x128xf32, #tpu.memory_space<hbm>>) target(%arg10 : memref<64x128xf32, #tpu.memory_space<vmem>>) offsets(%dma_start3A_186 : memref<64xi32, #tpu.memory_space<vmem>>) semaphore(%arg13 : memref<!tpu.dma_semaphore, #tpu.memory_space<semaphore_mem>>)
      } else {
      }
    }
    %scan3A_67 = arith.constant 53 : i32
    tpu.wait_dma2 semaphore(%arg12 : memref<!tpu.dma_semaphore, #tpu.memory_space<semaphore_mem>>) src(%arg5 : memref<64x128xf32, #tpu.memory_space<hbm>>) dst(%arg9 : memref<64x128xf32, #tpu.memory_space<vmem>>)
    %dma_start3A_68 = arith.constant 159 : i32
    %dma_start3A_69 = arith.constant 0 : i32
    %dma_start3A_70 = tpu.memref_slice %arg8[%dma_start3A_68, %dma_start3A_69] : memref<160x64xi32, #tpu.memory_space<vmem>> -> memref<1x64xi32, #tpu.memory_space<vmem>>
    %dma_start3A_71 = tpu.memref_squeeze %dma_start3A_70 : memref<1x64xi32, #tpu.memory_space<vmem>> -> memref<64xi32, #tpu.memory_space<vmem>>
    %dma_start3A_72 = arith.constant 0 : i32
    %dma_start3A_73 = arith.constant 0 : i32
    %dma_start3A_74 = tpu.memref_slice %arg18[%dma_start3A_72, %dma_start3A_73] : memref<10112x128xf32, #tpu.memory_space<vmem_shared>> -> memref<10112x128xf32, #tpu.memory_space<vmem_shared>>
    tpu.enqueue_indirect_dma source(%arg9 : memref<64x128xf32, #tpu.memory_space<vmem>>) target(%dma_start3A_74 : memref<10112x128xf32, #tpu.memory_space<vmem_shared>>) offsets(%dma_start3A_71 : memref<64xi32, #tpu.memory_space<vmem>>) semaphore(%arg15 : memref<!tpu.dma_semaphore, #tpu.memory_space<semaphore_mem>>) {add = true}
    tpu.wait_dma2 semaphore(%arg17 : memref<!tpu.dma_semaphore, #tpu.memory_space<semaphore_mem>>) src(%arg5 : memref<64x128xf32, #tpu.memory_space<hbm>>) dst(%arg11 : memref<64x128xf32, #tpu.memory_space<vmem>>)
    tpu.wait_dma2 semaphore(%arg15 : memref<!tpu.dma_semaphore, #tpu.memory_space<semaphore_mem>>) src(%arg5 : memref<64x128xf32, #tpu.memory_space<hbm>>) dst(%arg9 : memref<64x128xf32, #tpu.memory_space<vmem>>)
    %mul3A_75 = arith.constant 320 : i32
    %mul3A_76 = arith.muli %arg1, %mul3A_75 : i32
    %add3A_77 = arith.constant 160 : i32
    %add3A_78 = arith.addi %mul3A_76, %add3A_77 : i32
    "tpu.region"() ({
      %run_scoped3A = tpu.sem_alloc : memref<!tpu.dma_semaphore, #tpu.memory_space<semaphore_mem>>
      %dma_start3A_119 = arith.constant 0 : i32
      %dma_start3A_120 = tpu.memref_slice %arg3[%add3A_78, %dma_start3A_119] : memref<5120x64xi32, #tpu.memory_space<hbm>> -> memref<160x64xi32, #tpu.memory_space<hbm>>
      %dma_start3A_121 = arith.constant 0 : i32
      %dma_start3A_122 = tpu.memref_slice %arg3[%add3A_78, %dma_start3A_121] : memref<5120x64xi32, #tpu.memory_space<hbm>> -> memref<160x64xi32, #tpu.memory_space<hbm>>
      tpu.enqueue_dma source(%dma_start3A_122 : memref<160x64xi32, #tpu.memory_space<hbm>>) target(%arg7 : memref<160x64xi32, #tpu.memory_space<vmem>>) target_semaphore(%run_scoped3A : memref<!tpu.dma_semaphore, #tpu.memory_space<semaphore_mem>>)
      %dma_wait3A = arith.constant 0 : i32
      %dma_wait3A_123 = tpu.memref_slice %arg3[%add3A_78, %dma_wait3A] : memref<5120x64xi32, #tpu.memory_space<hbm>> -> memref<160x64xi32, #tpu.memory_space<hbm>>
      %dma_wait3A_124 = arith.constant 0 : i32
      %dma_wait3A_125 = tpu.memref_slice %arg3[%add3A_78, %dma_wait3A_124] : memref<5120x64xi32, #tpu.memory_space<hbm>> -> memref<160x64xi32, #tpu.memory_space<hbm>>
      tpu.wait_dma2 semaphore(%run_scoped3A : memref<!tpu.dma_semaphore, #tpu.memory_space<semaphore_mem>>) src(%dma_wait3A_125 : memref<160x64xi32, #tpu.memory_space<hbm>>) dst(%arg7 : memref<160x64xi32, #tpu.memory_space<vmem>>)
      tpu.yield
    }) : () -> ()
    "tpu.region"() ({
      %run_scoped3A = tpu.sem_alloc : memref<!tpu.dma_semaphore, #tpu.memory_space<semaphore_mem>>
      %dma_start3A_119 = arith.constant 0 : i32
      %dma_start3A_120 = tpu.memref_slice %arg4[%add3A_78, %dma_start3A_119] : memref<5120x64xi32, #tpu.memory_space<hbm>> -> memref<160x64xi32, #tpu.memory_space<hbm>>
      %dma_start3A_121 = arith.constant 0 : i32
      %dma_start3A_122 = tpu.memref_slice %arg4[%add3A_78, %dma_start3A_121] : memref<5120x64xi32, #tpu.memory_space<hbm>> -> memref<160x64xi32, #tpu.memory_space<hbm>>
      tpu.enqueue_dma source(%dma_start3A_122 : memref<160x64xi32, #tpu.memory_space<hbm>>) target(%arg8 : memref<160x64xi32, #tpu.memory_space<vmem>>) target_semaphore(%run_scoped3A : memref<!tpu.dma_semaphore, #tpu.memory_space<semaphore_mem>>)
      %dma_wait3A = arith.constant 0 : i32
      %dma_wait3A_123 = tpu.memref_slice %arg4[%add3A_78, %dma_wait3A] : memref<5120x64xi32, #tpu.memory_space<hbm>> -> memref<160x64xi32, #tpu.memory_space<hbm>>
      %dma_wait3A_124 = arith.constant 0 : i32
      %dma_wait3A_125 = tpu.memref_slice %arg4[%add3A_78, %dma_wait3A_124] : memref<5120x64xi32, #tpu.memory_space<hbm>> -> memref<160x64xi32, #tpu.memory_space<hbm>>
      tpu.wait_dma2 semaphore(%run_scoped3A : memref<!tpu.dma_semaphore, #tpu.memory_space<semaphore_mem>>) src(%dma_wait3A_125 : memref<160x64xi32, #tpu.memory_space<hbm>>) dst(%arg8 : memref<160x64xi32, #tpu.memory_space<vmem>>)
      tpu.yield
    }) : () -> ()
    %dma_start3A_79 = arith.constant 0 : i32
    %dma_start3A_80 = arith.constant 0 : i32
    %dma_start3A_81 = tpu.memref_slice %arg7[%dma_start3A_79, %dma_start3A_80] : memref<160x64xi32, #tpu.memory_space<vmem>> -> memref<1x64xi32, #tpu.memory_space<vmem>>
    %dma_start3A_82 = tpu.memref_squeeze %dma_start3A_81 : memref<1x64xi32, #tpu.memory_space<vmem>> -> memref<64xi32, #tpu.memory_space<vmem>>
    %dma_start3A_83 = arith.constant 0 : i32
    %dma_start3A_84 = arith.constant 0 : i32
    %dma_start3A_85 = tpu.memref_slice %arg2[%arg0, %dma_start3A_83, %dma_start3A_84] : memref<2x10000x128xf32, #tpu.memory_space<hbm>> -> memref<1x10000x128xf32, #tpu.memory_space<hbm>>
    %dma_start3A_86 = tpu.memref_squeeze %dma_start3A_85 : memref<1x10000x128xf32, #tpu.memory_space<hbm>> -> memref<10000x128xf32, #tpu.memory_space<hbm>>
    %dma_start3A_87 = arith.constant 0 : i32
    %dma_start3A_88 = arith.constant 0 : i32
    %dma_start3A_89 = tpu.memref_slice %dma_start3A_86[%dma_start3A_87, %dma_start3A_88] : memref<10000x128xf32, #tpu.memory_space<hbm>> -> memref<10000x128xf32, #tpu.memory_space<hbm>>
    tpu.enqueue_indirect_dma source(%dma_start3A_89 : memref<10000x128xf32, #tpu.memory_space<hbm>>) target(%arg9 : memref<64x128xf32, #tpu.memory_space<vmem>>) offsets(%dma_start3A_82 : memref<64xi32, #tpu.memory_space<vmem>>) semaphore(%arg12 : memref<!tpu.dma_semaphore, #tpu.memory_space<semaphore_mem>>)
    %dma_start3A_90 = arith.constant 1 : i32
    %dma_start3A_91 = arith.constant 0 : i32
    %dma_start3A_92 = tpu.memref_slice %arg7[%dma_start3A_90, %dma_start3A_91] : memref<160x64xi32, #tpu.memory_space<vmem>> -> memref<1x64xi32, #tpu.memory_space<vmem>>
    %dma_start3A_93 = tpu.memref_squeeze %dma_start3A_92 : memref<1x64xi32, #tpu.memory_space<vmem>> -> memref<64xi32, #tpu.memory_space<vmem>>
    %dma_start3A_94 = arith.constant 0 : i32
    %dma_start3A_95 = arith.constant 0 : i32
    %dma_start3A_96 = tpu.memref_slice %arg2[%arg0, %dma_start3A_94, %dma_start3A_95] : memref<2x10000x128xf32, #tpu.memory_space<hbm>> -> memref<1x10000x128xf32, #tpu.memory_space<hbm>>
    %dma_start3A_97 = tpu.memref_squeeze %dma_start3A_96 : memref<1x10000x128xf32, #tpu.memory_space<hbm>> -> memref<10000x128xf32, #tpu.memory_space<hbm>>
    %dma_start3A_98 = arith.constant 0 : i32
    %dma_start3A_99 = arith.constant 0 : i32
    %dma_start3A_100 = tpu.memref_slice %dma_start3A_97[%dma_start3A_98, %dma_start3A_99] : memref<10000x128xf32, #tpu.memory_space<hbm>> -> memref<10000x128xf32, #tpu.memory_space<hbm>>
    tpu.enqueue_indirect_dma source(%dma_start3A_100 : memref<10000x128xf32, #tpu.memory_space<hbm>>) target(%arg10 : memref<64x128xf32, #tpu.memory_space<vmem>>) offsets(%dma_start3A_93 : memref<64xi32, #tpu.memory_space<vmem>>) semaphore(%arg13 : memref<!tpu.dma_semaphore, #tpu.memory_space<semaphore_mem>>)
    %scan3A_101 = arith.constant 0 : i32
    %scan3A_102 = arith.constant 0 : i32
    %scan3A_103 = arith.constant 53 : i32
    %scan3A_104 = arith.addi %scan3A_102, %scan3A_103 : i32
    %scan3A_105 = arith.constant 1 : i32
    scf.for %scan3A_119 = %scan3A_102 to %scan3A_104 step %scan3A_105  : i32 {
      %mul3A_120 = arith.constant 3 : i32
      %mul3A_121 = arith.muli %scan3A_119, %mul3A_120 : i32
      %add3A_122 = arith.constant 0 : i32
      %add3A_123 = arith.addi %mul3A_121, %add3A_122 : i32
      tpu.wait_dma2 semaphore(%arg12 : memref<!tpu.dma_semaphore, #tpu.memory_space<semaphore_mem>>) src(%arg5 : memref<64x128xf32, #tpu.memory_space<hbm>>) dst(%arg9 : memref<64x128xf32, #tpu.memory_space<vmem>>)
      %dma_start3A_124 = arith.constant 0 : i32
      %dma_start3A_125 = tpu.memref_slice %arg8[%add3A_123, %dma_start3A_124] : memref<160x64xi32, #tpu.memory_space<vmem>> -> memref<1x64xi32, #tpu.memory_space<vmem>>
      %dma_start3A_126 = tpu.memref_squeeze %dma_start3A_125 : memref<1x64xi32, #tpu.memory_space<vmem>> -> memref<64xi32, #tpu.memory_space<vmem>>
      %dma_start3A_127 = arith.constant 0 : i32
      %dma_start3A_128 = arith.constant 0 : i32
      %dma_start3A_129 = tpu.memref_slice %arg18[%dma_start3A_127, %dma_start3A_128] : memref<10112x128xf32, #tpu.memory_space<vmem_shared>> -> memref<10112x128xf32, #tpu.memory_space<vmem_shared>>
      tpu.enqueue_indirect_dma source(%arg9 : memref<64x128xf32, #tpu.memory_space<vmem>>) target(%dma_start3A_129 : memref<10112x128xf32, #tpu.memory_space<vmem_shared>>) offsets(%dma_start3A_126 : memref<64xi32, #tpu.memory_space<vmem>>) semaphore(%arg15 : memref<!tpu.dma_semaphore, #tpu.memory_space<semaphore_mem>>) {add = true}
      %ge3A = arith.constant 1 : i32
      %ge3A_130 = arith.cmpi sge, %add3A_123, %ge3A : i32
      %convert_element_type3A = arith.extui %ge3A_130 : i1 to i32
      %cond3A = arith.constant 0 : i32
      %cond3A_131 = arith.cmpi ne, %convert_element_type3A, %cond3A : i32
      scf.if %cond3A_131 {
        tpu.wait_dma2 semaphore(%arg17 : memref<!tpu.dma_semaphore, #tpu.memory_space<semaphore_mem>>) src(%arg5 : memref<64x128xf32, #tpu.memory_space<hbm>>) dst(%arg11 : memref<64x128xf32, #tpu.memory_space<vmem>>)
      } else {
      }
      %add3A_132 = arith.constant 2 : i32
      %add3A_133 = arith.addi %add3A_123, %add3A_132 : i32
      %lt3A = arith.constant 160 : i32
      %lt3A_134 = arith.cmpi slt, %add3A_133, %lt3A : i32
      %convert_element_type3A_135 = arith.extui %lt3A_134 : i1 to i32
      %cond3A_136 = arith.constant 0 : i32
      %cond3A_137 = arith.cmpi ne, %convert_element_type3A_135, %cond3A_136 : i32
      scf.if %cond3A_137 {
        %add3A_182 = arith.constant 2 : i32
        %add3A_183 = arith.addi %add3A_123, %add3A_182 : i32
        %dma_start3A_184 = arith.constant 0 : i32
        %dma_start3A_185 = tpu.memref_slice %arg7[%add3A_183, %dma_start3A_184] : memref<160x64xi32, #tpu.memory_space<vmem>> -> memref<1x64xi32, #tpu.memory_space<vmem>>
        %dma_start3A_186 = tpu.memref_squeeze %dma_start3A_185 : memref<1x64xi32, #tpu.memory_space<vmem>> -> memref<64xi32, #tpu.memory_space<vmem>>
        %dma_start3A_187 = arith.constant 0 : i32
        %dma_start3A_188 = arith.constant 0 : i32
        %dma_start3A_189 = tpu.memref_slice %arg2[%arg0, %dma_start3A_187, %dma_start3A_188] : memref<2x10000x128xf32, #tpu.memory_space<hbm>> -> memref<1x10000x128xf32, #tpu.memory_space<hbm>>
        %dma_start3A_190 = tpu.memref_squeeze %dma_start3A_189 : memref<1x10000x128xf32, #tpu.memory_space<hbm>> -> memref<10000x128xf32, #tpu.memory_space<hbm>>
        %dma_start3A_191 = arith.constant 0 : i32
        %dma_start3A_192 = arith.constant 0 : i32
        %dma_start3A_193 = tpu.memref_slice %dma_start3A_190[%dma_start3A_191, %dma_start3A_192] : memref<10000x128xf32, #tpu.memory_space<hbm>> -> memref<10000x128xf32, #tpu.memory_space<hbm>>
        tpu.enqueue_indirect_dma source(%dma_start3A_193 : memref<10000x128xf32, #tpu.memory_space<hbm>>) target(%arg11 : memref<64x128xf32, #tpu.memory_space<vmem>>) offsets(%dma_start3A_186 : memref<64xi32, #tpu.memory_space<vmem>>) semaphore(%arg14 : memref<!tpu.dma_semaphore, #tpu.memory_space<semaphore_mem>>)
      } else {
      }
      %mul3A_138 = arith.constant 3 : i32
      %mul3A_139 = arith.muli %scan3A_119, %mul3A_138 : i32
      %add3A_140 = arith.constant 1 : i32
      %add3A_141 = arith.addi %mul3A_139, %add3A_140 : i32
      tpu.wait_dma2 semaphore(%arg13 : memref<!tpu.dma_semaphore, #tpu.memory_space<semaphore_mem>>) src(%arg5 : memref<64x128xf32, #tpu.memory_space<hbm>>) dst(%arg10 : memref<64x128xf32, #tpu.memory_space<vmem>>)
      %dma_start3A_142 = arith.constant 0 : i32
      %dma_start3A_143 = tpu.memref_slice %arg8[%add3A_141, %dma_start3A_142] : memref<160x64xi32, #tpu.memory_space<vmem>> -> memref<1x64xi32, #tpu.memory_space<vmem>>
      %dma_start3A_144 = tpu.memref_squeeze %dma_start3A_143 : memref<1x64xi32, #tpu.memory_space<vmem>> -> memref<64xi32, #tpu.memory_space<vmem>>
      %dma_start3A_145 = arith.constant 0 : i32
      %dma_start3A_146 = arith.constant 0 : i32
      %dma_start3A_147 = tpu.memref_slice %arg18[%dma_start3A_145, %dma_start3A_146] : memref<10112x128xf32, #tpu.memory_space<vmem_shared>> -> memref<10112x128xf32, #tpu.memory_space<vmem_shared>>
      tpu.enqueue_indirect_dma source(%arg10 : memref<64x128xf32, #tpu.memory_space<vmem>>) target(%dma_start3A_147 : memref<10112x128xf32, #tpu.memory_space<vmem_shared>>) offsets(%dma_start3A_144 : memref<64xi32, #tpu.memory_space<vmem>>) semaphore(%arg16 : memref<!tpu.dma_semaphore, #tpu.memory_space<semaphore_mem>>) {add = true}
      %ge3A_148 = arith.constant 1 : i32
      %ge3A_149 = arith.cmpi sge, %add3A_141, %ge3A_148 : i32
      %convert_element_type3A_150 = arith.extui %ge3A_149 : i1 to i32
      %cond3A_151 = arith.constant 0 : i32
      %cond3A_152 = arith.cmpi ne, %convert_element_type3A_150, %cond3A_151 : i32
      scf.if %cond3A_152 {
        tpu.wait_dma2 semaphore(%arg15 : memref<!tpu.dma_semaphore, #tpu.memory_space<semaphore_mem>>) src(%arg5 : memref<64x128xf32, #tpu.memory_space<hbm>>) dst(%arg9 : memref<64x128xf32, #tpu.memory_space<vmem>>)
      } else {
      }
      %add3A_153 = arith.constant 2 : i32
      %add3A_154 = arith.addi %add3A_141, %add3A_153 : i32
      %lt3A_155 = arith.constant 160 : i32
      %lt3A_156 = arith.cmpi slt, %add3A_154, %lt3A_155 : i32
      %convert_element_type3A_157 = arith.extui %lt3A_156 : i1 to i32
      %cond3A_158 = arith.constant 0 : i32
      %cond3A_159 = arith.cmpi ne, %convert_element_type3A_157, %cond3A_158 : i32
      scf.if %cond3A_159 {
        %add3A_182 = arith.constant 2 : i32
        %add3A_183 = arith.addi %add3A_141, %add3A_182 : i32
        %dma_start3A_184 = arith.constant 0 : i32
        %dma_start3A_185 = tpu.memref_slice %arg7[%add3A_183, %dma_start3A_184] : memref<160x64xi32, #tpu.memory_space<vmem>> -> memref<1x64xi32, #tpu.memory_space<vmem>>
        %dma_start3A_186 = tpu.memref_squeeze %dma_start3A_185 : memref<1x64xi32, #tpu.memory_space<vmem>> -> memref<64xi32, #tpu.memory_space<vmem>>
        %dma_start3A_187 = arith.constant 0 : i32
        %dma_start3A_188 = arith.constant 0 : i32
        %dma_start3A_189 = tpu.memref_slice %arg2[%arg0, %dma_start3A_187, %dma_start3A_188] : memref<2x10000x128xf32, #tpu.memory_space<hbm>> -> memref<1x10000x128xf32, #tpu.memory_space<hbm>>
        %dma_start3A_190 = tpu.memref_squeeze %dma_start3A_189 : memref<1x10000x128xf32, #tpu.memory_space<hbm>> -> memref<10000x128xf32, #tpu.memory_space<hbm>>
        %dma_start3A_191 = arith.constant 0 : i32
        %dma_start3A_192 = arith.constant 0 : i32
        %dma_start3A_193 = tpu.memref_slice %dma_start3A_190[%dma_start3A_191, %dma_start3A_192] : memref<10000x128xf32, #tpu.memory_space<hbm>> -> memref<10000x128xf32, #tpu.memory_space<hbm>>
        tpu.enqueue_indirect_dma source(%dma_start3A_193 : memref<10000x128xf32, #tpu.memory_space<hbm>>) target(%arg9 : memref<64x128xf32, #tpu.memory_space<vmem>>) offsets(%dma_start3A_186 : memref<64xi32, #tpu.memory_space<vmem>>) semaphore(%arg12 : memref<!tpu.dma_semaphore, #tpu.memory_space<semaphore_mem>>)
      } else {
      }
      %mul3A_160 = arith.constant 3 : i32
      %mul3A_161 = arith.muli %scan3A_119, %mul3A_160 : i32
      %add3A_162 = arith.constant 2 : i32
      %add3A_163 = arith.addi %mul3A_161, %add3A_162 : i32
      tpu.wait_dma2 semaphore(%arg14 : memref<!tpu.dma_semaphore, #tpu.memory_space<semaphore_mem>>) src(%arg5 : memref<64x128xf32, #tpu.memory_space<hbm>>) dst(%arg11 : memref<64x128xf32, #tpu.memory_space<vmem>>)
      %dma_start3A_164 = arith.constant 0 : i32
      %dma_start3A_165 = tpu.memref_slice %arg8[%add3A_163, %dma_start3A_164] : memref<160x64xi32, #tpu.memory_space<vmem>> -> memref<1x64xi32, #tpu.memory_space<vmem>>
      %dma_start3A_166 = tpu.memref_squeeze %dma_start3A_165 : memref<1x64xi32, #tpu.memory_space<vmem>> -> memref<64xi32, #tpu.memory_space<vmem>>
      %dma_start3A_167 = arith.constant 0 : i32
      %dma_start3A_168 = arith.constant 0 : i32
      %dma_start3A_169 = tpu.memref_slice %arg18[%dma_start3A_167, %dma_start3A_168] : memref<10112x128xf32, #tpu.memory_space<vmem_shared>> -> memref<10112x128xf32, #tpu.memory_space<vmem_shared>>
      tpu.enqueue_indirect_dma source(%arg11 : memref<64x128xf32, #tpu.memory_space<vmem>>) target(%dma_start3A_169 : memref<10112x128xf32, #tpu.memory_space<vmem_shared>>) offsets(%dma_start3A_166 : memref<64xi32, #tpu.memory_space<vmem>>) semaphore(%arg17 : memref<!tpu.dma_semaphore, #tpu.memory_space<semaphore_mem>>) {add = true}
      %ge3A_170 = arith.constant 1 : i32
      %ge3A_171 = arith.cmpi sge, %add3A_163, %ge3A_170 : i32
      %convert_element_type3A_172 = arith.extui %ge3A_171 : i1 to i32
      %cond3A_173 = arith.constant 0 : i32
      %cond3A_174 = arith.cmpi ne, %convert_element_type3A_172, %cond3A_173 : i32
      scf.if %cond3A_174 {
        tpu.wait_dma2 semaphore(%arg16 : memref<!tpu.dma_semaphore, #tpu.memory_space<semaphore_mem>>) src(%arg5 : memref<64x128xf32, #tpu.memory_space<hbm>>) dst(%arg10 : memref<64x128xf32, #tpu.memory_space<vmem>>)
      } else {
      }
      %add3A_175 = arith.constant 2 : i32
      %add3A_176 = arith.addi %add3A_163, %add3A_175 : i32
      %lt3A_177 = arith.constant 160 : i32
      %lt3A_178 = arith.cmpi slt, %add3A_176, %lt3A_177 : i32
      %convert_element_type3A_179 = arith.extui %lt3A_178 : i1 to i32
      %cond3A_180 = arith.constant 0 : i32
      %cond3A_181 = arith.cmpi ne, %convert_element_type3A_179, %cond3A_180 : i32
      scf.if %cond3A_181 {
        %add3A_182 = arith.constant 2 : i32
        %add3A_183 = arith.addi %add3A_163, %add3A_182 : i32
        %dma_start3A_184 = arith.constant 0 : i32
        %dma_start3A_185 = tpu.memref_slice %arg7[%add3A_183, %dma_start3A_184] : memref<160x64xi32, #tpu.memory_space<vmem>> -> memref<1x64xi32, #tpu.memory_space<vmem>>
        %dma_start3A_186 = tpu.memref_squeeze %dma_start3A_185 : memref<1x64xi32, #tpu.memory_space<vmem>> -> memref<64xi32, #tpu.memory_space<vmem>>
        %dma_start3A_187 = arith.constant 0 : i32
        %dma_start3A_188 = arith.constant 0 : i32
        %dma_start3A_189 = tpu.memref_slice %arg2[%arg0, %dma_start3A_187, %dma_start3A_188] : memref<2x10000x128xf32, #tpu.memory_space<hbm>> -> memref<1x10000x128xf32, #tpu.memory_space<hbm>>
        %dma_start3A_190 = tpu.memref_squeeze %dma_start3A_189 : memref<1x10000x128xf32, #tpu.memory_space<hbm>> -> memref<10000x128xf32, #tpu.memory_space<hbm>>
        %dma_start3A_191 = arith.constant 0 : i32
        %dma_start3A_192 = arith.constant 0 : i32
        %dma_start3A_193 = tpu.memref_slice %dma_start3A_190[%dma_start3A_191, %dma_start3A_192] : memref<10000x128xf32, #tpu.memory_space<hbm>> -> memref<10000x128xf32, #tpu.memory_space<hbm>>
        tpu.enqueue_indirect_dma source(%dma_start3A_193 : memref<10000x128xf32, #tpu.memory_space<hbm>>) target(%arg10 : memref<64x128xf32, #tpu.memory_space<vmem>>) offsets(%dma_start3A_186 : memref<64xi32, #tpu.memory_space<vmem>>) semaphore(%arg13 : memref<!tpu.dma_semaphore, #tpu.memory_space<semaphore_mem>>)
      } else {
      }
    }
    %scan3A_106 = arith.constant 53 : i32
    tpu.wait_dma2 semaphore(%arg12 : memref<!tpu.dma_semaphore, #tpu.memory_space<semaphore_mem>>) src(%arg5 : memref<64x128xf32, #tpu.memory_space<hbm>>) dst(%arg9 : memref<64x128xf32, #tpu.memory_space<vmem>>)
    %dma_start3A_107 = arith.constant 159 : i32
    %dma_start3A_108 = arith.constant 0 : i32
    %dma_start3A_109 = tpu.memref_slice %arg8[%dma_start3A_107, %dma_start3A_108] : memref<160x64xi32, #tpu.memory_space<vmem>> -> memref<1x64xi32, #tpu.memory_space<vmem>>
    %dma_start3A_110 = tpu.memref_squeeze %dma_start3A_109 : memref<1x64xi32, #tpu.memory_space<vmem>> -> memref<64xi32, #tpu.memory_space<vmem>>
    %dma_start3A_111 = arith.constant 0 : i32
    %dma_start3A_112 = arith.constant 0 : i32
    %dma_start3A_113 = tpu.memref_slice %arg18[%dma_start3A_111, %dma_start3A_112] : memref<10112x128xf32, #tpu.memory_space<vmem_shared>> -> memref<10112x128xf32, #tpu.memory_space<vmem_shared>>
    tpu.enqueue_indirect_dma source(%arg9 : memref<64x128xf32, #tpu.memory_space<vmem>>) target(%dma_start3A_113 : memref<10112x128xf32, #tpu.memory_space<vmem_shared>>) offsets(%dma_start3A_110 : memref<64xi32, #tpu.memory_space<vmem>>) semaphore(%arg15 : memref<!tpu.dma_semaphore, #tpu.memory_space<semaphore_mem>>) {add = true}
    tpu.wait_dma2 semaphore(%arg17 : memref<!tpu.dma_semaphore, #tpu.memory_space<semaphore_mem>>) src(%arg5 : memref<64x128xf32, #tpu.memory_space<hbm>>) dst(%arg11 : memref<64x128xf32, #tpu.memory_space<vmem>>)
    tpu.wait_dma2 semaphore(%arg15 : memref<!tpu.dma_semaphore, #tpu.memory_space<semaphore_mem>>) src(%arg5 : memref<64x128xf32, #tpu.memory_space<hbm>>) dst(%arg9 : memref<64x128xf32, #tpu.memory_space<vmem>>)
    %barrier3A_114 = arith.constant 0 : index
    tpu.barrier barrier_id(%barrier3A_114)
    %mul3A_115 = arith.constant 632 : i32
    %mul3A_116 = arith.muli %arg1, %mul3A_115 : i32
    %mul3A_117 = arith.constant 632 : i32
    %mul3A_118 = arith.muli %arg1, %mul3A_117 : i32
    "tpu.region"() ({
      %run_scoped3A = tpu.sem_alloc : memref<!tpu.dma_semaphore, #tpu.memory_space<semaphore_mem>>
      %dma_start3A_119 = arith.constant 0 : i32
      %dma_start3A_120 = arith.constant 0 : i32
      %dma_start3A_121 = tpu.memref_slice %arg6[%arg0, %dma_start3A_119, %dma_start3A_120] : memref<2x10112x128xf32, #tpu.memory_space<hbm>> -> memref<1x10112x128xf32, #tpu.memory_space<hbm>>
      %dma_start3A_122 = tpu.memref_squeeze %dma_start3A_121 : memref<1x10112x128xf32, #tpu.memory_space<hbm>> -> memref<10112x128xf32, #tpu.memory_space<hbm>>
      %dma_start3A_123 = arith.constant 0 : i32
      %dma_start3A_124 = tpu.memref_slice %dma_start3A_122[%mul3A_118, %dma_start3A_123] : memref<10112x128xf32, #tpu.memory_space<hbm>> -> memref<632x128xf32, #tpu.memory_space<hbm>>
      %dma_start3A_125 = arith.constant 0 : i32
      %dma_start3A_126 = tpu.memref_slice %arg18[%mul3A_116, %dma_start3A_125] : memref<10112x128xf32, #tpu.memory_space<vmem_shared>> -> memref<632x128xf32, #tpu.memory_space<vmem_shared>>
      tpu.enqueue_dma source(%dma_start3A_126 : memref<632x128xf32, #tpu.memory_space<vmem_shared>>) target(%dma_start3A_124 : memref<632x128xf32, #tpu.memory_space<hbm>>) target_semaphore(%run_scoped3A : memref<!tpu.dma_semaphore, #tpu.memory_space<semaphore_mem>>)
      %dma_wait3A = arith.constant 0 : i32
      %dma_wait3A_127 = arith.constant 0 : i32
      %dma_wait3A_128 = tpu.memref_slice %arg6[%arg0, %dma_wait3A, %dma_wait3A_127] : memref<2x10112x128xf32, #tpu.memory_space<hbm>> -> memref<1x10112x128xf32, #tpu.memory_space<hbm>>
      %dma_wait3A_129 = tpu.memref_squeeze %dma_wait3A_128 : memref<1x10112x128xf32, #tpu.memory_space<hbm>> -> memref<10112x128xf32, #tpu.memory_space<hbm>>
      %dma_wait3A_130 = arith.constant 0 : i32
      %dma_wait3A_131 = tpu.memref_slice %dma_wait3A_129[%mul3A_118, %dma_wait3A_130] : memref<10112x128xf32, #tpu.memory_space<hbm>> -> memref<632x128xf32, #tpu.memory_space<hbm>>
      %dma_wait3A_132 = arith.constant 0 : i32
      %dma_wait3A_133 = tpu.memref_slice %arg18[%mul3A_116, %dma_wait3A_132] : memref<10112x128xf32, #tpu.memory_space<vmem_shared>> -> memref<632x128xf32, #tpu.memory_space<vmem_shared>>
      tpu.wait_dma2 semaphore(%run_scoped3A : memref<!tpu.dma_semaphore, #tpu.memory_space<semaphore_mem>>) src(%dma_wait3A_133 : memref<632x128xf32, #tpu.memory_space<vmem_shared>>) dst(%dma_wait3A_131 : memref<632x128xf32, #tpu.memory_space<hbm>>)
      tpu.yield
    }) : () -> ()
    return
  }
}

module attributes {stable_mosaic.version = 14 : i64} {
  func.func @_tc1_body(%arg0: i32, %arg1: memref<400x128xf32, #tpu.memory_space<vmem>>, %arg2: memref<128x256xf32, #tpu.memory_space<vmem>>, %arg3: memref<400x16xf32, #tpu.memory_space<vmem>>, %arg4: memref<400x16xf32, #tpu.memory_space<vmem>>, %arg5: memref<2x400x128xf32, #tpu.memory_space<vmem>>) attributes {dimension_semantics = [#tpu.dimension_semantics<arbitrary>], iteration_bounds = array<i64: 25>, scalar_prefetch = 0 : i64, scratch_operands = 0 : i64, tpu.core_type = #tpu.core_type<tc>, window_params = [{transform_indices = @transform_0, window_bounds = array<i64: 400, 128>}, {pipeline_mode = #tpu.pipeline_mode<synchronous>, transform_indices = @transform_1, window_bounds = array<i64: 128, 256>}, {transform_indices = @transform_2, window_bounds = array<i64: 400, 16>}, {transform_indices = @transform_3, window_bounds = array<i64: 400, 16>}, {transform_indices = @transform_4, window_bounds = array<i64: 2, 400, 128>}]} {
    %get3A = arith.constant 0 : index
    %get3A_0 = arith.constant 0 : index
    %get3A_1 = vector.load %arg3[%get3A, %get3A_0] : memref<400x16xf32, #tpu.memory_space<vmem>>, vector<400x16xf32>
    %get3A_2 = arith.constant 0 : index
    %get3A_3 = arith.constant 0 : index
    %get3A_4 = vector.load %arg4[%get3A_2, %get3A_3] : memref<400x16xf32, #tpu.memory_space<vmem>>, vector<400x16xf32>
    %slice3A = vector.extract_strided_slice %get3A_1 {offsets = [0, 0], sizes = [400, 1], strides = [1, 1]} : vector<400x16xf32> to vector<400x1xf32>
    %slice3A_5 = vector.extract_strided_slice %get3A_4 {offsets = [0, 0], sizes = [400, 1], strides = [1, 1]} : vector<400x16xf32> to vector<400x1xf32>
    %add3A = arith.addf %slice3A, %slice3A_5 : vector<400x1xf32>
    %add3A_6 = arith.constant 1.000000e+00 : f32
    %add3A_7 = vector.broadcast %add3A_6 : f32 to vector<400x1xf32>
    %add3A_8 = arith.addf %add3A, %add3A_7 : vector<400x1xf32>
    %rsqrt3A = math.rsqrt %add3A_8 : vector<400x1xf32>
    %get3A_9 = arith.constant 0 : index
    %get3A_10 = arith.constant 0 : index
    %get3A_11 = vector.load %arg1[%get3A_9, %get3A_10] : memref<400x128xf32, #tpu.memory_space<vmem>>, vector<400x128xf32>
    %get3A_12 = arith.constant 0 : index
    %get3A_13 = arith.constant 0 : index
    %get3A_14 = vector.load %arg2[%get3A_12, %get3A_13] : memref<128x256xf32, #tpu.memory_space<vmem>>, vector<128x256xf32>
    %dot_general3A = arith.constant dense<0.000000e+00> : vector<400x256xf32>
    %dot_general3A_15 = tpu.matmul %get3A_11, %get3A_14, %dot_general3A {dimension_numbers = #tpu.dot_dimension_numbers<[1], [0], [0], [1], [0, 0, 1, 1], [], []>, transpose_lhs_hint = false} : vector<400x128xf32>, vector<128x256xf32>, vector<400x256xf32> -> vector<400x256xf32>
    %mul3A = vector.broadcast %rsqrt3A : vector<400x1xf32> to vector<400x256xf32>
    %mul3A_16 = arith.mulf %dot_general3A_15, %mul3A : vector<400x256xf32>
    %slice3A_17 = vector.extract_strided_slice %mul3A_16 {offsets = [0, 0], sizes = [400, 128], strides = [1, 1]} : vector<400x256xf32> to vector<400x128xf32>
    %swap3A = arith.constant 0 : index
    %swap3A_18 = arith.constant 0 : index
    %swap3A_19 = arith.constant 0 : index
    %swap3A_20 = vector.load %arg5[%swap3A, %swap3A_18, %swap3A_19] : memref<2x400x128xf32, #tpu.memory_space<vmem>>, vector<1x400x128xf32>
    %swap3A_21 = vector.shape_cast %swap3A_20 : vector<1x400x128xf32> to vector<400x128xf32>
    %swap3A_22 = vector.shape_cast %slice3A_17 : vector<400x128xf32> to vector<1x400x128xf32>
    tpu.vector_store %arg5[%swap3A, %swap3A_18, %swap3A_19], %swap3A_22 {strides = array<i32>} : memref<2x400x128xf32, #tpu.memory_space<vmem>>, vector<1x400x128xf32>,
    %slice3A_23 = vector.extract_strided_slice %mul3A_16 {offsets = [0, 128], sizes = [400, 128], strides = [1, 1]} : vector<400x256xf32> to vector<400x128xf32>
    %swap3A_24 = arith.constant 1 : index
    %swap3A_25 = arith.constant 0 : index
    %swap3A_26 = arith.constant 0 : index
    %swap3A_27 = vector.load %arg5[%swap3A_24, %swap3A_25, %swap3A_26] : memref<2x400x128xf32, #tpu.memory_space<vmem>>, vector<1x400x128xf32>
    %swap3A_28 = vector.shape_cast %swap3A_27 : vector<1x400x128xf32> to vector<400x128xf32>
    %swap3A_29 = vector.shape_cast %slice3A_23 : vector<400x128xf32> to vector<1x400x128xf32>
    tpu.vector_store %arg5[%swap3A_24, %swap3A_25, %swap3A_26], %swap3A_29 {strides = array<i32>} : memref<2x400x128xf32, #tpu.memory_space<vmem>>, vector<1x400x128xf32>,
    return
  }
  func.func @transform_0(%arg0: i32) -> (i32, i32) {
    %c0_i32 = arith.constant 0 : i32
    %c0_i32_0 = arith.constant 0 : i32
    return %arg0, %c0_i32 : i32, i32
  }
  func.func @transform_1(%arg0: i32) -> (i32, i32) {
    %c0_i32 = arith.constant 0 : i32
    %c0_i32_0 = arith.constant 0 : i32
    %c0_i32_1 = arith.constant 0 : i32
    return %c0_i32, %c0_i32_0 : i32, i32
  }
  func.func @transform_2(%arg0: i32) -> (i32, i32) {
    %c0_i32 = arith.constant 0 : i32
    %c0_i32_0 = arith.constant 0 : i32
    return %arg0, %c0_i32 : i32, i32
  }
  func.func @transform_3(%arg0: i32) -> (i32, i32) {
    %c0_i32 = arith.constant 0 : i32
    %c0_i32_0 = arith.constant 0 : i32
    return %arg0, %c0_i32 : i32, i32
  }
  func.func @transform_4(%arg0: i32) -> (i32, i32, i32) {
    %c0_i32 = arith.constant 0 : i32
    %c0_i32_0 = arith.constant 0 : i32
    %c0_i32_1 = arith.constant 0 : i32
    return %c0_i32, %arg0, %c0_i32_0 : i32, i32, i32
  }
}

module attributes {stable_mosaic.version = 14 : i64} {
  func.func @_tc2_body(%arg0: i32, %arg1: memref<2x400x128xf32, #tpu.memory_space<vmem>>, %arg2: memref<2x400x128xf32, #tpu.memory_space<vmem>>, %arg3: memref<400x16xf32, #tpu.memory_space<vmem>>, %arg4: memref<400x16xf32, #tpu.memory_space<vmem>>, %arg5: memref<1x256xf32, #tpu.memory_space<vmem>>, %arg6: memref<1x256xf32, #tpu.memory_space<vmem>>, %arg7: memref<1x256xf32, #tpu.memory_space<vmem>>, %arg8: memref<256x256xf32, #tpu.memory_space<vmem>>, %arg9: memref<2x400x128xf32, #tpu.memory_space<vmem>>) attributes {dimension_semantics = [#tpu.dimension_semantics<arbitrary>], iteration_bounds = array<i64: 25>, scalar_prefetch = 0 : i64, scratch_operands = 0 : i64, tpu.core_type = #tpu.core_type<tc>, window_params = [{transform_indices = @transform_0, window_bounds = array<i64: 2, 400, 128>}, {transform_indices = @transform_1, window_bounds = array<i64: 2, 400, 128>}, {transform_indices = @transform_2, window_bounds = array<i64: 400, 16>}, {transform_indices = @transform_3, window_bounds = array<i64: 400, 16>}, {pipeline_mode = #tpu.pipeline_mode<synchronous>, transform_indices = @transform_4, window_bounds = array<i64: 1, 256>}, {pipeline_mode = #tpu.pipeline_mode<synchronous>, transform_indices = @transform_5, window_bounds = array<i64: 1, 256>}, {pipeline_mode = #tpu.pipeline_mode<synchronous>, transform_indices = @transform_6, window_bounds = array<i64: 1, 256>}, {pipeline_mode = #tpu.pipeline_mode<synchronous>, transform_indices = @transform_7, window_bounds = array<i64: 256, 256>}, {transform_indices = @transform_8, window_bounds = array<i64: 2, 400, 128>}]} {
    %get3A = arith.constant 0 : index
    %get3A_0 = arith.constant 0 : index
    %get3A_1 = vector.load %arg3[%get3A, %get3A_0] : memref<400x16xf32, #tpu.memory_space<vmem>>, vector<400x16xf32>
    %get3A_2 = arith.constant 0 : index
    %get3A_3 = arith.constant 0 : index
    %get3A_4 = vector.load %arg4[%get3A_2, %get3A_3] : memref<400x16xf32, #tpu.memory_space<vmem>>, vector<400x16xf32>
    %slice3A = vector.extract_strided_slice %get3A_1 {offsets = [0, 0], sizes = [400, 1], strides = [1, 1]} : vector<400x16xf32> to vector<400x1xf32>
    %slice3A_5 = vector.extract_strided_slice %get3A_4 {offsets = [0, 0], sizes = [400, 1], strides = [1, 1]} : vector<400x16xf32> to vector<400x1xf32>
    %add3A = arith.addf %slice3A, %slice3A_5 : vector<400x1xf32>
    %add3A_6 = arith.constant 1.000000e+00 : f32
    %add3A_7 = vector.broadcast %add3A_6 : f32 to vector<400x1xf32>
    %add3A_8 = arith.addf %add3A, %add3A_7 : vector<400x1xf32>
    %rsqrt3A = math.rsqrt %add3A_8 : vector<400x1xf32>
    %get3A_9 = arith.constant 0 : index
    %get3A_10 = arith.constant 0 : index
    %get3A_11 = arith.constant 0 : index
    %get3A_12 = vector.load %arg1[%get3A_9, %get3A_10, %get3A_11] : memref<2x400x128xf32, #tpu.memory_space<vmem>>, vector<1x400x128xf32>
    %get3A_13 = vector.shape_cast %get3A_12 : vector<1x400x128xf32> to vector<400x128xf32>
    %get3A_14 = arith.constant 1 : index
    %get3A_15 = arith.constant 0 : index
    %get3A_16 = arith.constant 0 : index
    %get3A_17 = vector.load %arg1[%get3A_14, %get3A_15, %get3A_16] : memref<2x400x128xf32, #tpu.memory_space<vmem>>, vector<1x400x128xf32>
    %get3A_18 = vector.shape_cast %get3A_17 : vector<1x400x128xf32> to vector<400x128xf32>
    %concatenate3A = tpu.concatenate %get3A_13, %get3A_18 in 1 : vector<400x128xf32>, vector<400x128xf32> -> vector<400x256xf32>
    %get3A_19 = arith.constant 0 : index
    %get3A_20 = arith.constant 0 : index
    %get3A_21 = arith.constant 0 : index
    %get3A_22 = vector.load %arg2[%get3A_19, %get3A_20, %get3A_21] : memref<2x400x128xf32, #tpu.memory_space<vmem>>, vector<1x400x128xf32>
    %get3A_23 = vector.shape_cast %get3A_22 : vector<1x400x128xf32> to vector<400x128xf32>
    %get3A_24 = arith.constant 1 : index
    %get3A_25 = arith.constant 0 : index
    %get3A_26 = arith.constant 0 : index
    %get3A_27 = vector.load %arg2[%get3A_24, %get3A_25, %get3A_26] : memref<2x400x128xf32, #tpu.memory_space<vmem>>, vector<1x400x128xf32>
    %get3A_28 = vector.shape_cast %get3A_27 : vector<1x400x128xf32> to vector<400x128xf32>
    %concatenate3A_29 = tpu.concatenate %get3A_23, %get3A_28 in 1 : vector<400x128xf32>, vector<400x128xf32> -> vector<400x256xf32>
    %add3A_30 = arith.addf %concatenate3A, %concatenate3A_29 : vector<400x256xf32>
    %mul3A = vector.broadcast %rsqrt3A : vector<400x1xf32> to vector<400x256xf32>
    %mul3A_31 = arith.mulf %add3A_30, %mul3A : vector<400x256xf32>
    %get3A_32 = arith.constant 0 : index
    %get3A_33 = arith.constant 0 : index
    %get3A_34 = vector.load %arg5[%get3A_32, %get3A_33] : memref<1x256xf32, #tpu.memory_space<vmem>>, vector<1x256xf32>
    %add3A_35 = vector.broadcast %get3A_34 : vector<1x256xf32> to vector<400x256xf32>
    %add3A_36 = arith.addf %mul3A_31, %add3A_35 : vector<400x256xf32>
    %get3A_37 = arith.constant 0 : index
    %get3A_38 = arith.constant 0 : index
    %get3A_39 = vector.load %arg6[%get3A_37, %get3A_38] : memref<1x256xf32, #tpu.memory_space<vmem>>, vector<1x256xf32>
    %get3A_40 = arith.constant 0 : index
    %get3A_41 = arith.constant 0 : index
    %get3A_42 = vector.load %arg7[%get3A_40, %get3A_41] : memref<1x256xf32, #tpu.memory_space<vmem>>, vector<1x256xf32>
    %reduce_sum3A = arith.constant dense<0.000000e+00> : vector<400xf32>
    %reduce_sum3A_43 = vector.multi_reduction <add>, %add3A_36, %reduce_sum3A [1] : vector<400x256xf32> to vector<400xf32>
    %broadcast_in_dim3A = vector.shape_cast %reduce_sum3A_43 : vector<400xf32> to vector<400x1xf32>
    %div3A = arith.constant 2.560000e+02 : f32
    %div3A_44 = vector.broadcast %div3A : f32 to vector<400x1xf32>
    %div3A_45 = arith.divf %broadcast_in_dim3A, %div3A_44 : vector<400x1xf32>
    %sub3A = vector.broadcast %div3A_45 : vector<400x1xf32> to vector<400x256xf32>
    %sub3A_46 = arith.subf %add3A_36, %sub3A : vector<400x256xf32>
    %mul3A_47 = arith.mulf %sub3A_46, %sub3A_46 : vector<400x256xf32>
    %reduce_sum3A_48 = arith.constant dense<0.000000e+00> : vector<400xf32>
    %reduce_sum3A_49 = vector.multi_reduction <add>, %mul3A_47, %reduce_sum3A_48 [1] : vector<400x256xf32> to vector<400xf32>
    %broadcast_in_dim3A_50 = vector.shape_cast %reduce_sum3A_49 : vector<400xf32> to vector<400x1xf32>
    %div3A_51 = arith.constant 2.560000e+02 : f32
    %div3A_52 = vector.broadcast %div3A_51 : f32 to vector<400x1xf32>
    %div3A_53 = arith.divf %broadcast_in_dim3A_50, %div3A_52 : vector<400x1xf32>
    %add3A_54 = arith.constant 9.99999974E-6 : f32
    %add3A_55 = vector.broadcast %add3A_54 : f32 to vector<400x1xf32>
    %add3A_56 = arith.addf %div3A_53, %add3A_55 : vector<400x1xf32>
    %rsqrt3A_57 = math.rsqrt %add3A_56 : vector<400x1xf32>
    %mul3A_58 = vector.broadcast %rsqrt3A_57 : vector<400x1xf32> to vector<400x256xf32>
    %mul3A_59 = arith.mulf %sub3A_46, %mul3A_58 : vector<400x256xf32>
    %mul3A_60 = vector.broadcast %get3A_39 : vector<1x256xf32> to vector<400x256xf32>
    %mul3A_61 = arith.mulf %mul3A_59, %mul3A_60 : vector<400x256xf32>
    %add3A_62 = vector.broadcast %get3A_42 : vector<1x256xf32> to vector<400x256xf32>
    %add3A_63 = arith.addf %mul3A_61, %add3A_62 : vector<400x256xf32>
    %ge3A = arith.constant 0.000000e+00 : f32
    %ge3A_64 = vector.broadcast %ge3A : f32 to vector<400x256xf32>
    %ge3A_65 = arith.cmpf oge, %add3A_63, %ge3A_64 : vector<400x256xf32>
    %mul3A_66 = arith.constant 2.000000e-01 : f32
    %mul3A_67 = vector.broadcast %mul3A_66 : f32 to vector<400x256xf32>
    %mul3A_68 = arith.mulf %mul3A_67, %add3A_63 : vector<400x256xf32>
    %select_n3A = arith.select %ge3A_65, %add3A_63, %mul3A_68 : vector<400x256xi1>, vector<400x256xf32>
    %get3A_69 = arith.constant 0 : index
    %get3A_70 = arith.constant 0 : index
    %get3A_71 = vector.load %arg8[%get3A_69, %get3A_70] : memref<256x256xf32, #tpu.memory_space<vmem>>, vector<256x256xf32>
    %dot_general3A = arith.constant dense<0.000000e+00> : vector<400x256xf32>
    %dot_general3A_72 = tpu.matmul %select_n3A, %get3A_71, %dot_general3A {dimension_numbers = #tpu.dot_dimension_numbers<[1], [0], [0], [1], [0, 0, 1, 1], [], []>, transpose_lhs_hint = false} : vector<400x256xf32>, vector<256x256xf32>, vector<400x256xf32> -> vector<400x256xf32>
    %mul3A_73 = vector.broadcast %rsqrt3A : vector<400x1xf32> to vector<400x256xf32>
    %mul3A_74 = arith.mulf %dot_general3A_72, %mul3A_73 : vector<400x256xf32>
    %slice3A_75 = vector.extract_strided_slice %mul3A_74 {offsets = [0, 0], sizes = [400, 128], strides = [1, 1]} : vector<400x256xf32> to vector<400x128xf32>
    %swap3A = arith.constant 0 : index
    %swap3A_76 = arith.constant 0 : index
    %swap3A_77 = arith.constant 0 : index
    %swap3A_78 = vector.load %arg9[%swap3A, %swap3A_76, %swap3A_77] : memref<2x400x128xf32, #tpu.memory_space<vmem>>, vector<1x400x128xf32>
    %swap3A_79 = vector.shape_cast %swap3A_78 : vector<1x400x128xf32> to vector<400x128xf32>
    %swap3A_80 = vector.shape_cast %slice3A_75 : vector<400x128xf32> to vector<1x400x128xf32>
    tpu.vector_store %arg9[%swap3A, %swap3A_76, %swap3A_77], %swap3A_80 {strides = array<i32>} : memref<2x400x128xf32, #tpu.memory_space<vmem>>, vector<1x400x128xf32>,
    %slice3A_81 = vector.extract_strided_slice %mul3A_74 {offsets = [0, 128], sizes = [400, 128], strides = [1, 1]} : vector<400x256xf32> to vector<400x128xf32>
    %swap3A_82 = arith.constant 1 : index
    %swap3A_83 = arith.constant 0 : index
    %swap3A_84 = arith.constant 0 : index
    %swap3A_85 = vector.load %arg9[%swap3A_82, %swap3A_83, %swap3A_84] : memref<2x400x128xf32, #tpu.memory_space<vmem>>, vector<1x400x128xf32>
    %swap3A_86 = vector.shape_cast %swap3A_85 : vector<1x400x128xf32> to vector<400x128xf32>
    %swap3A_87 = vector.shape_cast %slice3A_81 : vector<400x128xf32> to vector<1x400x128xf32>
    tpu.vector_store %arg9[%swap3A_82, %swap3A_83, %swap3A_84], %swap3A_87 {strides = array<i32>} : memref<2x400x128xf32, #tpu.memory_space<vmem>>, vector<1x400x128xf32>,
    return
  }
  func.func @transform_0(%arg0: i32) -> (i32, i32, i32) {
    %c0_i32 = arith.constant 0 : i32
    %c0_i32_0 = arith.constant 0 : i32
    %c0_i32_1 = arith.constant 0 : i32
    return %c0_i32, %arg0, %c0_i32_0 : i32, i32, i32
  }
  func.func @transform_1(%arg0: i32) -> (i32, i32, i32) {
    %c0_i32 = arith.constant 0 : i32
    %c0_i32_0 = arith.constant 0 : i32
    %c0_i32_1 = arith.constant 0 : i32
    return %c0_i32, %arg0, %c0_i32_0 : i32, i32, i32
  }
  func.func @transform_2(%arg0: i32) -> (i32, i32) {
    %c0_i32 = arith.constant 0 : i32
    %c0_i32_0 = arith.constant 0 : i32
    return %arg0, %c0_i32 : i32, i32
  }
  func.func @transform_3(%arg0: i32) -> (i32, i32) {
    %c0_i32 = arith.constant 0 : i32
    %c0_i32_0 = arith.constant 0 : i32
    return %arg0, %c0_i32 : i32, i32
  }
  func.func @transform_4(%arg0: i32) -> (i32, i32) {
    %c0_i32 = arith.constant 0 : i32
    %c0_i32_0 = arith.constant 0 : i32
    %c0_i32_1 = arith.constant 0 : i32
    return %c0_i32, %c0_i32_0 : i32, i32
  }
  func.func @transform_5(%arg0: i32) -> (i32, i32) {
    %c0_i32 = arith.constant 0 : i32
    %c0_i32_0 = arith.constant 0 : i32
    %c0_i32_1 = arith.constant 0 : i32
    return %c0_i32, %c0_i32_0 : i32, i32
  }
  func.func @transform_6(%arg0: i32) -> (i32, i32) {
    %c0_i32 = arith.constant 0 : i32
    %c0_i32_0 = arith.constant 0 : i32
    %c0_i32_1 = arith.constant 0 : i32
    return %c0_i32, %c0_i32_0 : i32, i32
  }
  func.func @transform_7(%arg0: i32) -> (i32, i32) {
    %c0_i32 = arith.constant 0 : i32
    %c0_i32_0 = arith.constant 0 : i32
    %c0_i32_1 = arith.constant 0 : i32
    return %c0_i32, %c0_i32_0 : i32, i32
  }
  func.func @transform_8(%arg0: i32) -> (i32, i32, i32) {
    %c0_i32 = arith.constant 0 : i32
    %c0_i32_0 = arith.constant 0 : i32
    %c0_i32_1 = arith.constant 0 : i32
    return %c0_i32, %arg0, %c0_i32_0 : i32, i32, i32
  }
}

module attributes {stable_mosaic.version = 14 : i64} {
  func.func @_tc3_body(%arg0: i32, %arg1: memref<2x400x128xf32, #tpu.memory_space<vmem>>, %arg2: memref<2x400x128xf32, #tpu.memory_space<vmem>>, %arg3: memref<400x16xf32, #tpu.memory_space<vmem>>, %arg4: memref<400x16xf32, #tpu.memory_space<vmem>>, %arg5: memref<1x256xf32, #tpu.memory_space<vmem>>, %arg6: memref<1x256xf32, #tpu.memory_space<vmem>>, %arg7: memref<1x256xf32, #tpu.memory_space<vmem>>, %arg8: memref<256x256xf32, #tpu.memory_space<vmem>>, %arg9: memref<1x256xf32, #tpu.memory_space<vmem>>, %arg10: memref<256x1xf32, #tpu.memory_space<vmem>>, %arg11: memref<1x1xf32, #tpu.memory_space<vmem>>, %arg12: memref<400x256xf32, #tpu.memory_space<vmem>>, %arg13: memref<400x1xf32, #tpu.memory_space<vmem>>) attributes {dimension_semantics = [#tpu.dimension_semantics<arbitrary>], iteration_bounds = array<i64: 25>, scalar_prefetch = 0 : i64, scratch_operands = 0 : i64, tpu.core_type = #tpu.core_type<tc>, window_params = [{transform_indices = @transform_0, window_bounds = array<i64: 2, 400, 128>}, {transform_indices = @transform_1, window_bounds = array<i64: 2, 400, 128>}, {transform_indices = @transform_2, window_bounds = array<i64: 400, 16>}, {transform_indices = @transform_3, window_bounds = array<i64: 400, 16>}, {pipeline_mode = #tpu.pipeline_mode<synchronous>, transform_indices = @transform_4, window_bounds = array<i64: 1, 256>}, {pipeline_mode = #tpu.pipeline_mode<synchronous>, transform_indices = @transform_5, window_bounds = array<i64: 1, 256>}, {pipeline_mode = #tpu.pipeline_mode<synchronous>, transform_indices = @transform_6, window_bounds = array<i64: 1, 256>}, {pipeline_mode = #tpu.pipeline_mode<synchronous>, transform_indices = @transform_7, window_bounds = array<i64: 256, 256>}, {pipeline_mode = #tpu.pipeline_mode<synchronous>, transform_indices = @transform_8, window_bounds = array<i64: 1, 256>}, {pipeline_mode = #tpu.pipeline_mode<synchronous>, transform_indices = @transform_9, window_bounds = array<i64: 256, 1>}, {pipeline_mode = #tpu.pipeline_mode<synchronous>, transform_indices = @transform_10, window_bounds = array<i64: 1, 1>}, {transform_indices = @transform_11, window_bounds = array<i64: 400, 256>}, {transform_indices = @transform_12, window_bounds = array<i64: 400, 1>}]} {
    %get3A = arith.constant 0 : index
    %get3A_0 = arith.constant 0 : index
    %get3A_1 = vector.load %arg3[%get3A, %get3A_0] : memref<400x16xf32, #tpu.memory_space<vmem>>, vector<400x16xf32>
    %get3A_2 = arith.constant 0 : index
    %get3A_3 = arith.constant 0 : index
    %get3A_4 = vector.load %arg4[%get3A_2, %get3A_3] : memref<400x16xf32, #tpu.memory_space<vmem>>, vector<400x16xf32>
    %slice3A = vector.extract_strided_slice %get3A_1 {offsets = [0, 0], sizes = [400, 1], strides = [1, 1]} : vector<400x16xf32> to vector<400x1xf32>
    %slice3A_5 = vector.extract_strided_slice %get3A_4 {offsets = [0, 0], sizes = [400, 1], strides = [1, 1]} : vector<400x16xf32> to vector<400x1xf32>
    %add3A = arith.addf %slice3A, %slice3A_5 : vector<400x1xf32>
    %add3A_6 = arith.constant 1.000000e+00 : f32
    %add3A_7 = vector.broadcast %add3A_6 : f32 to vector<400x1xf32>
    %add3A_8 = arith.addf %add3A, %add3A_7 : vector<400x1xf32>
    %rsqrt3A = math.rsqrt %add3A_8 : vector<400x1xf32>
    %get3A_9 = arith.constant 0 : index
    %get3A_10 = arith.constant 0 : index
    %get3A_11 = arith.constant 0 : index
    %get3A_12 = vector.load %arg1[%get3A_9, %get3A_10, %get3A_11] : memref<2x400x128xf32, #tpu.memory_space<vmem>>, vector<1x400x128xf32>
    %get3A_13 = vector.shape_cast %get3A_12 : vector<1x400x128xf32> to vector<400x128xf32>
    %get3A_14 = arith.constant 1 : index
    %get3A_15 = arith.constant 0 : index
    %get3A_16 = arith.constant 0 : index
    %get3A_17 = vector.load %arg1[%get3A_14, %get3A_15, %get3A_16] : memref<2x400x128xf32, #tpu.memory_space<vmem>>, vector<1x400x128xf32>
    %get3A_18 = vector.shape_cast %get3A_17 : vector<1x400x128xf32> to vector<400x128xf32>
    %concatenate3A = tpu.concatenate %get3A_13, %get3A_18 in 1 : vector<400x128xf32>, vector<400x128xf32> -> vector<400x256xf32>
    %get3A_19 = arith.constant 0 : index
    %get3A_20 = arith.constant 0 : index
    %get3A_21 = arith.constant 0 : index
    %get3A_22 = vector.load %arg2[%get3A_19, %get3A_20, %get3A_21] : memref<2x400x128xf32, #tpu.memory_space<vmem>>, vector<1x400x128xf32>
    %get3A_23 = vector.shape_cast %get3A_22 : vector<1x400x128xf32> to vector<400x128xf32>
    %get3A_24 = arith.constant 1 : index
    %get3A_25 = arith.constant 0 : index
    %get3A_26 = arith.constant 0 : index
    %get3A_27 = vector.load %arg2[%get3A_24, %get3A_25, %get3A_26] : memref<2x400x128xf32, #tpu.memory_space<vmem>>, vector<1x400x128xf32>
    %get3A_28 = vector.shape_cast %get3A_27 : vector<1x400x128xf32> to vector<400x128xf32>
    %concatenate3A_29 = tpu.concatenate %get3A_23, %get3A_28 in 1 : vector<400x128xf32>, vector<400x128xf32> -> vector<400x256xf32>
    %add3A_30 = arith.addf %concatenate3A, %concatenate3A_29 : vector<400x256xf32>
    %mul3A = vector.broadcast %rsqrt3A : vector<400x1xf32> to vector<400x256xf32>
    %mul3A_31 = arith.mulf %add3A_30, %mul3A : vector<400x256xf32>
    %get3A_32 = arith.constant 0 : index
    %get3A_33 = arith.constant 0 : index
    %get3A_34 = vector.load %arg5[%get3A_32, %get3A_33] : memref<1x256xf32, #tpu.memory_space<vmem>>, vector<1x256xf32>
    %add3A_35 = vector.broadcast %get3A_34 : vector<1x256xf32> to vector<400x256xf32>
    %add3A_36 = arith.addf %mul3A_31, %add3A_35 : vector<400x256xf32>
    %get3A_37 = arith.constant 0 : index
    %get3A_38 = arith.constant 0 : index
    %get3A_39 = vector.load %arg6[%get3A_37, %get3A_38] : memref<1x256xf32, #tpu.memory_space<vmem>>, vector<1x256xf32>
    %get3A_40 = arith.constant 0 : index
    %get3A_41 = arith.constant 0 : index
    %get3A_42 = vector.load %arg7[%get3A_40, %get3A_41] : memref<1x256xf32, #tpu.memory_space<vmem>>, vector<1x256xf32>
    %reduce_sum3A = arith.constant dense<0.000000e+00> : vector<400xf32>
    %reduce_sum3A_43 = vector.multi_reduction <add>, %add3A_36, %reduce_sum3A [1] : vector<400x256xf32> to vector<400xf32>
    %broadcast_in_dim3A = vector.shape_cast %reduce_sum3A_43 : vector<400xf32> to vector<400x1xf32>
    %div3A = arith.constant 2.560000e+02 : f32
    %div3A_44 = vector.broadcast %div3A : f32 to vector<400x1xf32>
    %div3A_45 = arith.divf %broadcast_in_dim3A, %div3A_44 : vector<400x1xf32>
    %sub3A = vector.broadcast %div3A_45 : vector<400x1xf32> to vector<400x256xf32>
    %sub3A_46 = arith.subf %add3A_36, %sub3A : vector<400x256xf32>
    %mul3A_47 = arith.mulf %sub3A_46, %sub3A_46 : vector<400x256xf32>
    %reduce_sum3A_48 = arith.constant dense<0.000000e+00> : vector<400xf32>
    %reduce_sum3A_49 = vector.multi_reduction <add>, %mul3A_47, %reduce_sum3A_48 [1] : vector<400x256xf32> to vector<400xf32>
    %broadcast_in_dim3A_50 = vector.shape_cast %reduce_sum3A_49 : vector<400xf32> to vector<400x1xf32>
    %div3A_51 = arith.constant 2.560000e+02 : f32
    %div3A_52 = vector.broadcast %div3A_51 : f32 to vector<400x1xf32>
    %div3A_53 = arith.divf %broadcast_in_dim3A_50, %div3A_52 : vector<400x1xf32>
    %add3A_54 = arith.constant 9.99999974E-6 : f32
    %add3A_55 = vector.broadcast %add3A_54 : f32 to vector<400x1xf32>
    %add3A_56 = arith.addf %div3A_53, %add3A_55 : vector<400x1xf32>
    %rsqrt3A_57 = math.rsqrt %add3A_56 : vector<400x1xf32>
    %mul3A_58 = vector.broadcast %rsqrt3A_57 : vector<400x1xf32> to vector<400x256xf32>
    %mul3A_59 = arith.mulf %sub3A_46, %mul3A_58 : vector<400x256xf32>
    %mul3A_60 = vector.broadcast %get3A_39 : vector<1x256xf32> to vector<400x256xf32>
    %mul3A_61 = arith.mulf %mul3A_59, %mul3A_60 : vector<400x256xf32>
    %add3A_62 = vector.broadcast %get3A_42 : vector<1x256xf32> to vector<400x256xf32>
    %add3A_63 = arith.addf %mul3A_61, %add3A_62 : vector<400x256xf32>
    %ge3A = arith.constant 0.000000e+00 : f32
    %ge3A_64 = vector.broadcast %ge3A : f32 to vector<400x256xf32>
    %ge3A_65 = arith.cmpf oge, %add3A_63, %ge3A_64 : vector<400x256xf32>
    %mul3A_66 = arith.constant 2.000000e-01 : f32
    %mul3A_67 = vector.broadcast %mul3A_66 : f32 to vector<400x256xf32>
    %mul3A_68 = arith.mulf %mul3A_67, %add3A_63 : vector<400x256xf32>
    %select_n3A = arith.select %ge3A_65, %add3A_63, %mul3A_68 : vector<400x256xi1>, vector<400x256xf32>
    %swap3A = arith.constant 0 : index
    %swap3A_69 = arith.constant 0 : index
    %swap3A_70 = vector.load %arg12[%swap3A, %swap3A_69] : memref<400x256xf32, #tpu.memory_space<vmem>>, vector<400x256xf32>
    tpu.vector_store %arg12[%swap3A, %swap3A_69], %select_n3A {strides = array<i32>} : memref<400x256xf32, #tpu.memory_space<vmem>>, vector<400x256xf32>,
    %get3A_71 = arith.constant 0 : index
    %get3A_72 = arith.constant 0 : index
    %get3A_73 = vector.load %arg8[%get3A_71, %get3A_72] : memref<256x256xf32, #tpu.memory_space<vmem>>, vector<256x256xf32>
    %dot_general3A = arith.constant dense<0.000000e+00> : vector<400x256xf32>
    %dot_general3A_74 = tpu.matmul %select_n3A, %get3A_73, %dot_general3A {dimension_numbers = #tpu.dot_dimension_numbers<[1], [0], [0], [1], [0, 0, 1, 1], [], []>, transpose_lhs_hint = false} : vector<400x256xf32>, vector<256x256xf32>, vector<400x256xf32> -> vector<400x256xf32>
    %get3A_75 = arith.constant 0 : index
    %get3A_76 = arith.constant 0 : index
    %get3A_77 = vector.load %arg9[%get3A_75, %get3A_76] : memref<1x256xf32, #tpu.memory_space<vmem>>, vector<1x256xf32>
    %add3A_78 = vector.broadcast %get3A_77 : vector<1x256xf32> to vector<400x256xf32>
    %add3A_79 = arith.addf %dot_general3A_74, %add3A_78 : vector<400x256xf32>
    %tanh3A = math.tanh %add3A_79 : vector<400x256xf32>
    %get3A_80 = arith.constant 0 : index
    %get3A_81 = arith.constant 0 : index
    %get3A_82 = vector.load %arg10[%get3A_80, %get3A_81] : memref<256x1xf32, #tpu.memory_space<vmem>>, vector<256x1xf32>
    %dot_general3A_83 = arith.constant dense<0.000000e+00> : vector<400x1xf32>
    %dot_general3A_84 = tpu.matmul %tanh3A, %get3A_82, %dot_general3A_83 {dimension_numbers = #tpu.dot_dimension_numbers<[1], [0], [0], [1], [0, 0, 1, 1], [], []>, transpose_lhs_hint = false} : vector<400x256xf32>, vector<256x1xf32>, vector<400x1xf32> -> vector<400x1xf32>
    %get3A_85 = arith.constant 0 : index
    %get3A_86 = arith.constant 0 : index
    %get3A_87 = vector.load %arg11[%get3A_85, %get3A_86] : memref<1x1xf32, #tpu.memory_space<vmem>>, vector<1x1xf32>
    %add3A_88 = vector.broadcast %get3A_87 : vector<1x1xf32> to vector<400x1xf32>
    %add3A_89 = arith.addf %dot_general3A_84, %add3A_88 : vector<400x1xf32>
    %swap3A_90 = arith.constant 0 : index
    %swap3A_91 = arith.constant 0 : index
    %swap3A_92 = vector.load %arg13[%swap3A_90, %swap3A_91] : memref<400x1xf32, #tpu.memory_space<vmem>>, vector<400x1xf32>
    tpu.vector_store %arg13[%swap3A_90, %swap3A_91], %add3A_89 {strides = array<i32>} : memref<400x1xf32, #tpu.memory_space<vmem>>, vector<400x1xf32>,
    return
  }
  func.func @transform_0(%arg0: i32) -> (i32, i32, i32) {
    %c0_i32 = arith.constant 0 : i32
    %c0_i32_0 = arith.constant 0 : i32
    %c0_i32_1 = arith.constant 0 : i32
    return %c0_i32, %arg0, %c0_i32_0 : i32, i32, i32
  }
  func.func @transform_1(%arg0: i32) -> (i32, i32, i32) {
    %c0_i32 = arith.constant 0 : i32
    %c0_i32_0 = arith.constant 0 : i32
    %c0_i32_1 = arith.constant 0 : i32
    return %c0_i32, %arg0, %c0_i32_0 : i32, i32, i32
  }
  func.func @transform_2(%arg0: i32) -> (i32, i32) {
    %c0_i32 = arith.constant 0 : i32
    %c0_i32_0 = arith.constant 0 : i32
    return %arg0, %c0_i32 : i32, i32
  }
  func.func @transform_3(%arg0: i32) -> (i32, i32) {
    %c0_i32 = arith.constant 0 : i32
    %c0_i32_0 = arith.constant 0 : i32
    return %arg0, %c0_i32 : i32, i32
  }
  func.func @transform_4(%arg0: i32) -> (i32, i32) {
    %c0_i32 = arith.constant 0 : i32
    %c0_i32_0 = arith.constant 0 : i32
    %c0_i32_1 = arith.constant 0 : i32
    return %c0_i32, %c0_i32_0 : i32, i32
  }
  func.func @transform_5(%arg0: i32) -> (i32, i32) {
    %c0_i32 = arith.constant 0 : i32
    %c0_i32_0 = arith.constant 0 : i32
    %c0_i32_1 = arith.constant 0 : i32
    return %c0_i32, %c0_i32_0 : i32, i32
  }
  func.func @transform_6(%arg0: i32) -> (i32, i32) {
    %c0_i32 = arith.constant 0 : i32
    %c0_i32_0 = arith.constant 0 : i32
    %c0_i32_1 = arith.constant 0 : i32
    return %c0_i32, %c0_i32_0 : i32, i32
  }
  func.func @transform_7(%arg0: i32) -> (i32, i32) {
    %c0_i32 = arith.constant 0 : i32
    %c0_i32_0 = arith.constant 0 : i32
    %c0_i32_1 = arith.constant 0 : i32
    return %c0_i32, %c0_i32_0 : i32, i32
  }
  func.func @transform_8(%arg0: i32) -> (i32, i32) {
    %c0_i32 = arith.constant 0 : i32
    %c0_i32_0 = arith.constant 0 : i32
    %c0_i32_1 = arith.constant 0 : i32
    return %c0_i32, %c0_i32_0 : i32, i32
  }
  func.func @transform_9(%arg0: i32) -> (i32, i32) {
    %c0_i32 = arith.constant 0 : i32
    %c0_i32_0 = arith.constant 0 : i32
    %c0_i32_1 = arith.constant 0 : i32
    return %c0_i32, %c0_i32_0 : i32, i32
  }
  func.func @transform_10(%arg0: i32) -> (i32, i32) {
    %c0_i32 = arith.constant 0 : i32
    %c0_i32_0 = arith.constant 0 : i32
    %c0_i32_1 = arith.constant 0 : i32
    return %c0_i32, %c0_i32_0 : i32, i32
  }
  func.func @transform_11(%arg0: i32) -> (i32, i32) {
    %c0_i32 = arith.constant 0 : i32
    %c0_i32_0 = arith.constant 0 : i32
    return %arg0, %c0_i32 : i32, i32
  }
  func.func @transform_12(%arg0: i32) -> (i32, i32) {
    %c0_i32 = arith.constant 0 : i32
    %c0_i32_0 = arith.constant 0 : i32
    return %arg0, %c0_i32 : i32, i32
  }
}

module attributes {stable_mosaic.version = 14 : i64} {
  func.func @_tc4_body(%arg0: i32, %arg1: memref<10000x1xf32, #tpu.memory_space<vmem>>, %arg2: memref<10000x256xf32, #tpu.memory_space<vmem>>, %arg3: memref<10000x1xf32, #tpu.memory_space<vmem>>, %arg4: memref<1x256xf32, #tpu.memory_space<vmem>>) attributes {dimension_semantics = [#tpu.dimension_semantics<arbitrary>], iteration_bounds = array<i64: 1>, scalar_prefetch = 0 : i64, scratch_operands = 0 : i64, tpu.core_type = #tpu.core_type<tc>, window_params = [{pipeline_mode = #tpu.pipeline_mode<synchronous>, transform_indices = @transform_0, window_bounds = array<i64: 10000, 1>}, {pipeline_mode = #tpu.pipeline_mode<synchronous>, transform_indices = @transform_1, window_bounds = array<i64: 10000, 256>}, {pipeline_mode = #tpu.pipeline_mode<synchronous>, transform_indices = @transform_2, window_bounds = array<i64: 10000, 1>}, {pipeline_mode = #tpu.pipeline_mode<synchronous>, transform_indices = @transform_3, window_bounds = array<i64: 1, 256>}]} {
    %get3A = arith.constant 0 : index
    %get3A_0 = arith.constant 0 : index
    %get3A_1 = vector.load %arg1[%get3A, %get3A_0] : memref<10000x1xf32, #tpu.memory_space<vmem>>, vector<10000x1xf32>
    %reduce_max3A = vector.shape_cast %get3A_1 : vector<10000x1xf32> to vector<1x10000x1xf32>
    %reduce_max3A_2 = arith.constant dense<0xFF800000> : vector<1xf32>
    %reduce_max3A_3 = vector.multi_reduction <maximumf>, %reduce_max3A, %reduce_max3A_2 [1, 2] : vector<1x10000x1xf32> to vector<1xf32>
    %reduce_max3A_4 = vector.shape_cast %reduce_max3A_3 : vector<1xf32> to vector<1x1x1xf32>
    %reduce_max3A_5 = vector.extract %reduce_max3A_4[0, 0, 0] : f32 from vector<1x1x1xf32>
    %sub3A = vector.broadcast %reduce_max3A_5 : f32 to vector<10000x1xf32>
    %sub3A_6 = arith.subf %get3A_1, %sub3A : vector<10000x1xf32>
    %exp3A = math.exp %sub3A_6 : vector<10000x1xf32>
    %reduce_sum3A = vector.shape_cast %exp3A : vector<10000x1xf32> to vector<1x10000x1xf32>
    %reduce_sum3A_7 = arith.constant dense<0.000000e+00> : vector<1xf32>
    %reduce_sum3A_8 = vector.multi_reduction <add>, %reduce_sum3A, %reduce_sum3A_7 [1, 2] : vector<1x10000x1xf32> to vector<1xf32>
    %reduce_sum3A_9 = vector.shape_cast %reduce_sum3A_8 : vector<1xf32> to vector<1x1x1xf32>
    %reduce_sum3A_10 = vector.extract %reduce_sum3A_9[0, 0, 0] : f32 from vector<1x1x1xf32>
    %div3A = vector.broadcast %reduce_sum3A_10 : f32 to vector<10000x1xf32>
    %div3A_11 = arith.divf %exp3A, %div3A : vector<10000x1xf32>
    %swap3A = arith.constant 0 : index
    %swap3A_12 = arith.constant 0 : index
    %swap3A_13 = vector.load %arg3[%swap3A, %swap3A_12] : memref<10000x1xf32, #tpu.memory_space<vmem>>, vector<10000x1xf32>
    tpu.vector_store %arg3[%swap3A, %swap3A_12], %div3A_11 {strides = array<i32>} : memref<10000x1xf32, #tpu.memory_space<vmem>>, vector<10000x1xf32>,
    %get3A_14 = arith.constant 0 : index
    %get3A_15 = arith.constant 0 : index
    %get3A_16 = vector.load %arg2[%get3A_14, %get3A_15] : memref<10000x256xf32, #tpu.memory_space<vmem>>, vector<10000x256xf32>
    %dot_general3A = arith.constant dense<0.000000e+00> : vector<1x256xf32>
    %dot_general3A_17 = tpu.matmul %div3A_11, %get3A_16, %dot_general3A {dimension_numbers = #tpu.dot_dimension_numbers<[0], [0], [1], [1], [0, 1, 1, 1], [], []>, transpose_lhs_hint = false} : vector<10000x1xf32>, vector<10000x256xf32>, vector<1x256xf32> -> vector<1x256xf32>
    %swap3A_18 = arith.constant 0 : index
    %swap3A_19 = arith.constant 0 : index
    %swap3A_20 = vector.load %arg4[%swap3A_18, %swap3A_19] : memref<1x256xf32, #tpu.memory_space<vmem>>, vector<1x256xf32>
    tpu.vector_store %arg4[%swap3A_18, %swap3A_19], %dot_general3A_17 {strides = array<i32>} : memref<1x256xf32, #tpu.memory_space<vmem>>, vector<1x256xf32>,
    return
  }
  func.func @transform_0(%arg0: i32) -> (i32, i32) {
    %c0_i32 = arith.constant 0 : i32
    %c0_i32_0 = arith.constant 0 : i32
    %c0_i32_1 = arith.constant 0 : i32
    return %c0_i32, %c0_i32_0 : i32, i32
  }
  func.func @transform_1(%arg0: i32) -> (i32, i32) {
    %c0_i32 = arith.constant 0 : i32
    %c0_i32_0 = arith.constant 0 : i32
    %c0_i32_1 = arith.constant 0 : i32
    return %c0_i32, %c0_i32_0 : i32, i32
  }
  func.func @transform_2(%arg0: i32) -> (i32, i32) {
    %c0_i32 = arith.constant 0 : i32
    %c0_i32_0 = arith.constant 0 : i32
    %c0_i32_1 = arith.constant 0 : i32
    return %c0_i32, %c0_i32_0 : i32, i32
  }
  func.func @transform_3(%arg0: i32) -> (i32, i32) {
    %c0_i32 = arith.constant 0 : i32
    %c0_i32_0 = arith.constant 0 : i32
    %c0_i32_1 = arith.constant 0 : i32
    return %c0_i32, %c0_i32_0 : i32, i32
  }
}

</mosaic_0001>

<sc_bundles>
// kernel: kernel.12.cloned.1.call-start
scs
__scs_entry_jumppad:
0x0: {  	(pc) =	sbr.rel $0x88, $3  }
0x1: {  	(tag) =	ssettag $0x0;
	lr =	simm.s32 $0x1  }
0x2: {  	[smem:$0x3F93] =	sst lr;
	_ =	strace $0xD0000000  }
0x3: {  	_ = 	snop  }
0x4: {  	_ = 	snop  }
0x5: {  	_ = 	snop  }
0x6: {  	_ = 	snop  }
0x7: {  	_ = 	snop  }
__scs_overlays_trampoline_lowered:
0x8: {  	[smem:$0x3FA2] =	sst s0  }
0x9: {  	[smem:$0x3FA3] =	sst s1  }
0xa: {  	[smem:$0x3FA4] =	sst s2  }
0xb: {  	[smem:$0x3FA5] =	sst s3  }
0xc: {  	[smem:$0x3FA6] =	sst s4  }
0xd: {  	[smem:$0x3FA7] =	sst s5  }
0xe: {  	[smem:$0x3FA8] =	sst s6  }
0xf: {  	[smem:$0x3FA9] =	sst s7  }
0x10: {  	[smem:$0x3FAA] =	sst s8  }
0x11: {  	[smem:$0x3FAB] =	sst s9;
	s0 =	simm.s32 @!p0 $0x0  }
0x12: {  	s1 =	sld [smem:$0x3F91];
	s0 =	simm.s32 @p0 $0x1  }
0x13: {  	[smem:$0x3FAC] =	sst s0;
	s0 =	simm.s32 @!p1 $0x0  }
0x14: {  	s2 =	sld [smem:$0x3F90];
	s0 =	simm.s32 @p1 $0x1  }
0x15: {  	[smem:$0x3FAD] =	sst s0;
	s0 =	simm.s32 @!p2 $0x0  }
0x16: {  	s3 =	sld [smem:$0x3FDB];
	s0 =	simm.s32 @p2 $0x1  }
0x17: {  	s4 =	simm.s32 $0x1BF5;
	[smem:$0x3FAF] =	sst s0  }
0x18: {  	s0 =	sld [smem:$0x3F92];
	_ =	swait.ge [sflag:s4], $0x0  }
0x19: {  	s7 =	sld [smem:$0x3F93]  }
0x1a: {  	s8 =	sadd.s32 $0xFFFFE003, lr  }
0x1b: {  	s9 =	sadd.s32 $0xFFFFFEF7, lr;
	s5 =	simm.s32 $0xFFFFFFFF;
	p2 =	slt.u32 s8, $0xFFFFF086  }
0x1c: {  	p1 =	slt.u32 s9, $0xF7A;
	s5 =	simm.s32 @!p2 $0x0  }
0x1d: {  	s5 =	simm.s32 @p1 $0x1;
	p0 =	seq.s32 s7, s2  }
0x1e: {  	s7 =	smul.u32 @!p0 $0xF7A, s2;
	p2 =	seq.s32 @!p0 s5, $0x0  }
0x1f: {  	s9 =	smul.u32 $0xF7A, s1;
	s8 =	simm.s32 @!p0 $0x1BF5;
	p2 =	por !p2, p0  }
0x20: {  	[sflag:s8] =	ssyncset.s32 @!p0 $0xFFFFF086;
	s6 =	sadd.s32 @!p0 s3, s7;
	s7 =	simm.s32 @!p0 $0x108  }
0x21: {  	s3 =	sadd.s32 s3, s9;
	s6 =	sadd.s32 @!p0 $0x88, s6;
	s7 =	simm.s32 @p2 $0x1082  }
0x22: {  	[simem:s7], [sflag:s8] =	dma.local @!p0 [hbm:s6], $0xF7A  }
0x23: {  	s9 =	sor.u32 $0xD0000000, s2;
	s6 =	simm.s32 $0x108;
	_ =	swait.ge @!p0 [sflag:s8], $0x0  }
0x24: {  	s3 =	sadd.s32 $0x88, s3;
	s6 =	simm.s32 @!p1 $0x1082;
	[sflag:s4] =	ssyncset.s32 $0xFFFFF086  }
0x25: {  	[simem:s6], [sflag:s4] =	dma.local [hbm:s3], $0xF7A  }
0x26: {  	[smem:$0x3F93] =	sst s1;
	(tag) =	ssettag s2;
	_ =	strace s9  }
0x27: {  	s1 =	sld [smem:$0x3FA3]  }
0x28: {  	s2 =	sld [smem:$0x3FA4]  }
0x29: {  	s4 =	sld [smem:$0x3FA6]  }
0x2a: {  	p0 =	seq.s32 s5, $0x0;
	s5 =	sld [smem:$0x3FA7]  }
0x2b: {  	s6 =	sld [smem:$0x3FA8]  }
0x2c: {  	s7 =	sld [smem:$0x3FA9]  }
0x2d: {  	s3 =	simm.s32 $0x108;
	s8 =	sld [smem:$0x3FAA]  }
0x2e: {  	s3 =	simm.s32 @!p0 $0x1082;
	s9 =	sld [smem:$0x3FAB]  }
0x2f: {  	lr =	sadd.s32 s0, s3;
	s0 =	sld [smem:$0x3FA2]  }
0x30: {  	s3 =	sld [smem:$0x3FA5]  }
0x31: {  	[smem:$0x3FAE] =	sst s10  }
0x32: {  	s10 =	sld [smem:$0x3FAC];
	_ =	sdelay $0x3  }
0x33: {  	p0 =	seq.s32 s10, $0x1;
	s10 =	sld [smem:$0x3FAE];
	_ =	sdelay $0x3  }
0x34: {  	[smem:$0x3FAE] =	sst s10  }
0x35: {  	s10 =	sld [smem:$0x3FAD];
	_ =	sdelay $0x3  }
0x36: {  	p1 =	seq.s32 s10, $0x1;
	s10 =	sld [smem:$0x3FAE];
	_ =	sdelay $0x3  }
0x37: {  	[smem:$0x3FAE] =	sst s10  }
0x38: {  	s10 =	sld [smem:$0x3FAF]  }
0x39: {  	_ = 	snop;
	(pc) =	sbr.ind lr, $3  }
0x3a: {  	_ = 	snop  }
0x3b: {  	_ = 	snop  }
0x3c: {  	p2 =	seq.s32 s10, $0x1;
	s10 =	sld [smem:$0x3FAE]  }
0x3d: {  	_ =	shalt  }
0x3e: {  	_ =	shalt  }
0x3f: {  	_ =	shalt  }
0x40: {  	_ =	shalt  }
0x41: {  	_ =	shalt  }
0x42: {  	_ =	shalt  }
0x43: {  	_ =	shalt  }
0x44: {  	_ =	shalt  }
0x45: {  	_ =	shalt  }
0x46: {  	_ =	shalt  }
0x47: {  	_ =	shalt  }
0x48: {  	_ =	shalt  }
0x49: {  	_ =	shalt  }
0x4a: {  	_ =	shalt  }
0x4b: {  	_ =	shalt  }
0x4c: {  	_ =	shalt  }
0x4d: {  	_ =	shalt  }
0x4e: {  	_ =	shalt  }
0x4f: {  	_ =	shalt  }
0x50: {  	_ =	shalt  }
0x51: {  	_ =	shalt  }
0x52: {  	_ =	shalt  }
0x53: {  	_ =	shalt  }
0x54: {  	_ =	shalt  }
0x55: {  	_ =	shalt  }
0x56: {  	_ =	shalt  }
0x57: {  	_ =	shalt  }
0x58: {  	_ =	shalt  }
0x59: {  	_ =	shalt  }
0x5a: {  	_ =	shalt  }
0x5b: {  	_ =	shalt  }
0x5c: {  	_ =	shalt  }
0x5d: {  	_ =	shalt  }
0x5e: {  	_ =	shalt  }
0x5f: {  	_ =	shalt  }
0x60: {  	_ =	shalt  }
0x61: {  	_ =	shalt  }
0x62: {  	_ =	shalt  }
0x63: {  	_ =	shalt  }
0x64: {  	_ =	shalt  }
0x65: {  	_ =	shalt  }
0x66: {  	_ =	shalt  }
0x67: {  	_ =	shalt  }
0x68: {  	_ =	shalt  }
0x69: {  	_ =	shalt  }
0x6a: {  	_ =	shalt  }
0x6b: {  	_ =	shalt  }
0x6c: {  	_ =	shalt  }
0x6d: {  	_ =	shalt  }
0x6e: {  	_ =	shalt  }
0x6f: {  	_ =	shalt  }
0x70: {  	_ =	shalt  }
0x71: {  	_ =	shalt  }
0x72: {  	_ =	shalt  }
0x73: {  	_ =	shalt  }
0x74: {  	_ =	shalt  }
0x75: {  	_ =	shalt  }
0x76: {  	_ =	shalt  }
0x77: {  	_ =	shalt  }
0x78: {  	_ =	shalt  }
0x79: {  	_ =	shalt  }
0x7a: {  	_ =	shalt  }
0x7b: {  	_ =	shalt  }
0x7c: {  	_ =	shalt  }
0x7d: {  	_ =	shalt  }
0x7e: {  	_ =	shalt  }
0x7f: {  	_ =	shalt  }
0x80: {  	_ =	shalt  }
0x81: {  	_ =	shalt  }
0x82: {  	_ =	shalt  }
0x83: {  	_ =	shalt  }
0x84: {  	_ =	shalt  }
0x85: {  	_ =	shalt  }
0x86: {  	_ =	shalt  }
0x87: {  	_ =	shalt  }
.Lfunc_end0:
.L_simem_size_0:
called_computation.1_lowered:
.L_overlay_start_0:
0x88: {  	s2 =	sld [smem:$0x3FD9]  }
0x89: {  	s3 =	sld [smem:$0x3FFE];
	_ =	sdelay $0x1  }
0x8a: {  	s1 =	srdreg.scid  }
0x8b: {  	s0 =	sand.u32 $0x1, s1  }
0x8c: {  	s14 =	sshll.u32 s0, $0xA;
	s2 =	sadd.s32 s3, s2  }
0x8d: {  	s2 =	sadd.s32 s2, s14  }
0x8e: {  	[smem:$0x3FBA] =	sst s2  }
0x8f: {  	_ = 	snop  }
0x90: {  	s2 =	sld [smem:$0x3FD0];
	_ =	sdelay $0x2  }
0x91: {  	s15 =	simm.s32 $0xA;
	s4 =	simm.s32 $0x10  }
0x92: {  	[smem:s4], [sflag:s15] =	dma.local [hbm:s2], $0x1  }
0x93: {  	_ =	swait.eq [sflag:s15], $0x1  }
0x94: {  	[sflag:s15] =	ssyncset.done $0x0  }
0x95: {  	[sflag:s15] =	ssyncadd.s32 $0xFFFFFFFF  }
0x96: {  	s16 =	sld [smem:$0x11];
	(tm) =	ssettm $0x1  }
0x97: {  	s17 =	sld [smem:$0x3FFB];
	_ =	sdelay $0x3  }
0x98: {  	_ =	strace s17  }
0x99: {  	s3 =	sld [smem:$0x3FFC];
	_ =	sdelay $0x3  }
0x9a: {  	_ =	strace s3  }
0x9b: {  	s3 =	sld [smem:$0x3FFD];
	_ =	sdelay $0x3  }
0x9c: {  	_ =	strace s3  }
0x9d: {  	_ =	strace $0x8FFFFFFF  }
0x9e: {  	s18 =	sld [smem:$0x3FDB];
	_ =	sdelay $0x1  }
0x9f: {  	s19 =	simm.s32 $_scs_section_size  }
0xa0: {  	s5 =	simm.s32 $_size__tile_overlayer_lowered;
	s6 =	simm.s32 $_tile_overlayer_lowered  }
0xa1: {  	s22 =	simm.s32 $0x1BFF;
	s21 =	sshll.u32 s6, $0x1;
	s3 =	sadd.s32 s19, s18  }
0xa2: {  	s7 =	simm.s32 $0x0;
	s20 =	sshll.u32 s5, $0x1;
	s5 =	sadd.s32 s21, s3  }
0xa3: {  	[timem:s7], [sflag:s22] =	dma.local [hbm:s5], s20  }
0xa4: {  	_ =	swait.ge [sflag:s22], s20  }
0xa5: {  	s4 =	ssub.s32 $0x0, s20;
	[sflag:s22] =	ssyncset.done $0x0  }
0xa6: {  	[sflag:s22] =	ssyncadd.s32 s4;
	_ =	sdelay $0x1  }
0xa7: {  	s23 =	simm.s32 $0x1B8B  }
0xa8: {  	_ =	swait.ge [sflag:s23], $0x1  }
0xa9: {  	[sflag:s23] =	ssyncset.done $0x0  }
0xaa: {  	s25 =	simm.s32 $0x1B8E;
	s24 =	sld [smem:$0x3FFE];
	[sflag:s23] =	ssyncadd.s32 $0xFFFFFFFF  }
0xab: {  	s26 =	simm.s32 $execute0_lowered;
	[smem:$0x3FD2] =	sst s25  }
0xac: {  	s5 =	sshll.u32 s26, $0x1;
	_ =	strace $0x80000049;
	[dreg:$0x1] =	wrdreg $0xFFFFFFFF  }
0xad: {  	s28 =	simm.s32 $_size_execute0_lowered;
	s3 =	sadd.s32 s3, s5;
	[dreg:$0x0] =	wrdreg $0x0  }
0xae: {  	s5 =	sshll.u32 s28, $0x1;
	[dreg:$0x2] =	wrdreg s3  }
0xaf: {  	[dreg:$0x3] =	wrdreg s5  }
0xb0: {  	[dreg:$0x4] =	wrdreg $0xC0  }
0xb1: {  	_ =	task [dreg:s7], $0x5FFFF  }
0xb2: {  	[dreg:$0x1] =	wrdreg $0xFFFFFFFF  }
0xb3: {  	[dreg:$0x0] =	wrdreg $0x60  }
0xb4: {  	[dreg:$0x2] =	wrdreg s24  }
0xb5: {  	[dreg:$0x3] =	wrdreg s16  }
0xb6: {  	[dreg:$0x4] =	wrdreg $0xB0000  }
0xb7: {  	[dreg:$0x5] =	wrdreg $0x9  }
0xb8: {  	_ =	task.clear_ibuf [dreg:s7], $0x6FFFF;
	_ =	strace $0x90000049  }
0xb9: {  	s29 =	simm.s32 $0x9;
	_ =	strace $0x8000004B  }
0xba: {  	_ =	swait.ge [sflag:s29], $0x1  }
0xbb: {  	[sflag:s29] =	ssyncadd.s32 $0xFFFFFFFF  }
0xbc: {  	_ =	strace $0x9000004B  }
0xbd: {  	_ =	sfence  }
0xbe: {  	s30 =	sld [smem:$0x0];
	_ =	sdelay $0x2  }
0xbf: {  	s31 =	sshll.u32 s1, $0xD;
	s1 =	sshrl.u32 s1, $0x2  }
0xc0: {  	s3 =	sand.u32 $0x4000, s31;
	s1 =	sadd.s32 s1, s30  }
0xc1: {  	s0 =	sor.u32 s3, s0;
	s1 =	sshll.u32 s1, $0x11  }
0xc2: {  	s0 =	sor.u32 s1, s0  }
0xc3: {  	s0 =	sadd.s32 $0x8F2B, s0  }
0xc4: {  	[sflag:s0] =	ssyncadd.remote.s32 $0x1  }
0xc5: {  	_ =	sfence.sel $0xFFFF  }
0xc6: {  	[dreg:$0x0] =	wrdreg $0xFFFFFFFF;
	(pc) =	sbr.abs _section_cstart, $3  }
0xc7: {  	[dreg:$0x1] =	wrdreg $0xFFFFFFFF  }
0xc8: {  	_ =	task.clear_ibuf [dreg:s7], $0x2FFFF;
	_ =	strace $0x9FFFFFFF  }
0xc9: {  	(tm) =	ssettm $0x7FFFFFFF  }
tec
execute0_lowered:
.L_overlay_start_1:
0x0: {  	(tag) =	ssettag $0x1  }
0x1: {  	s0 =	rddreg [dreg:$0x0]  }
0x2: {  	s2 =	rddreg [dreg:$0x2];
	s11 =	stileid.u32  }
0x3: {  	s1 =	srdreg.scid;
	s5 =	smul.u32 $0x4F000, s11  }
0x4: {  	s3 =	simm.s32 $0x0;
	s28 =	simm.s32 $0x1;
	s10 =	smul.u32 $0x13C00, s11  }
0x5: {  	s29 =	simm.s32 $0x80;
	s30 =	simm.s32 $0x9000;
	s20 =	smul.u32 $0x5000, s11  }
0x6: {  	s31 =	simm.s32 $0x2;
	s1 =	sand.u32 $0x1, s1;
	s11 =	smul.u32 $0xA00, s11  }
0x7: {  	[smem:$0x7FF] =	sst s3;
	s6 =	sadd.s32 $0x16C00, s0;
	s4 =	smul.u32 $0x27100, s1  }
0x8: {  	s7 =	sadd.s32 $0x2A00, s0;
	s8 =	smul.u32 $0x27800, s1;
	s1 =	ssub.s32 $0x2, s1  }
0x9: {  	_ =	strace $0x8000004A;
	s9 =	sshrl.u32 s1, $0x1;
	s5 =	sshrl.u32 s5, $0x2  }
0xa: {  	s24 =	sadd.s32 s6, s11;
	s26 =	sshrl.u32 s10, $0x3;
	s15 =	sadd.s32 s5, s2  }
0xb: {  	s4 =	sadd.s32 s4, s0;
	[dreg:$0xd] =	wrdreg s24;
	s16 =	sadd.s32 $0x2000, s15  }
0xc: {  	s0 =	sadd.s32 s8, s0;
	s17 =	sadd.s32 $0x4000, s15;
	[dreg:$0x4] =	wrdreg s16  }
0xd: {  	s1 =	ssub.s32 s1, s9;
	s18 =	sadd.s32 $0x6000, s15;
	[dreg:$0x5] =	wrdreg s17  }
0xe: {  	s5 =	sadd.s32 s10, s2;
	s19 =	sadd.s32 $0x8000, s15;
	[dreg:$0x6] =	wrdreg s18  }
0xf: {  	s9 =	sshrl.u32 s20, $0x3;
	s12 =	sadd.s32 $0xA000, s15;
	[dreg:$0x7] =	wrdreg s19  }
0x10: {  	s10 =	simm.s32 $0x6;
	s21 =	sadd.s32 $0xC000, s15;
	[dreg:$0x8] =	wrdreg s12  }
0x11: {  	s22 =	sadd.s32 $0xE000, s15;
	s23 =	sadd.s32 $0x10000, s15;
	[dreg:$0x9] =	wrdreg s21  }
0x12: {  	s8 =	sadd.s32 $0x12000, s15;
	s25 =	sadd.s32 $0x500, s9;
	[dreg:$0xa] =	wrdreg s22  }
0x13: {  	s0 =	sadd.s32 $0x6EE00, s0;
	s20 =	smax.u32 s1, $0x1;
	[dreg:$0xb] =	wrdreg s23  }
0x14: {  	s1 =	simm.s32 $0x4;
	s9 =	simm.s32 $0x100;
	[dreg:$0xc] =	wrdreg s8  }
0x15: {  	s16 =	sadd.s32 s7, s11;
	s17 =	sadd.s32 $0x20C00, s4;
	s18 =	sadd.s32 s6, s25  }
.Ltmp0:
0x16: {  	s19 =	sadd.s32 s7, s25;
	s21 =	simm.s32 $0x5000;
	(pc) =	sbr.rel .LBB2_1-.Ltmp0, $4  }
0x17: {  	s22 =	simm.s32 $0x7;
	s23 =	simm.s32 $0x2800;
	s24 =	sadd.s32 s26, s0  }
0x18: {  	s25 =	simm.s32 $0x40;
	s26 =	simm.s32 $0x7000;
	s0 =	simm.s32 $0x2840  }
0x19: {  	s4 =	simm.s32 $0xC0;
	s6 =	simm.s32 $0x3;
	s7 =	simm.s32 $0x2880  }
0x1a: {  	s8 =	simm.s32 $0x5;
	s11 =	simm.s32 $0x4FC0;
	s12 =	simm.s32 $0x0  }
.LBB2_7:
0x1b: {  	_ =	swait.ge [sflag:s28], $0x2000  }
0x1c: {  	[sflag:s28] =	ssyncset.done $0x0  }
0x1d: {  	[sflag:s28] =	ssyncadd.s32 $0xFFFFE000  }
0x1e: {  	[spmem:s2] =	stream.indirect.scatter.add.f32 [tilespmem:s21], [sflag:$0x4], $0x80, s11, s25, $0xb8;
	[tilespmem:$0x1EC00] =	vst v63  }
0x1f: {  	_ =	swait.ge [sflag:s10], $0x2000  }
0x20: {  	[sflag:s10] =	ssyncset.done $0x0  }
0x21: {  	[sflag:s10] =	ssyncadd.s32 $0xFFFFE000  }
0x22: {  	s13 =	stileid.u32;
	_ =	swait.ge [sflag:s1], $0x2000  }
0x23: {  	s14 =	sshrl.u32 s5, $0x3;
	s12 =	sadd.s32 $0x1, s12;
	[sflag:s1] =	ssyncset.done $0x0  }
0x24: {  	s13 =	sshll.u32 s13, $0x6;
	p0 =	sne.s32 s12, s20;
	[sflag:s1] =	ssyncadd.s32 $0xFFFFE000  }
.Ltmp1:
0x25: {  	s13 =	sor.u32 $0x1C07, s13;
	[bflag:$0x0] =	sbarrier.arrive $0xFFFF;
	(pc) =	sbr.rel @!p0 .LBB2_8-.Ltmp1, $4  }
0x26: {  	[hbm:s24], [sflag:s13] =	dma.local [spmem:s14], $0x2780  }
0x27: {  	_ =	swait.ge [sflag:s22], $0x2780  }
0x28: {  	[sflag:s22] =	ssyncset.done $0x0  }
0x29: {  	[sflag:s22] =	ssyncadd.s32 $0xFFFFD880  }
.LBB2_1:
0x2a: {  	s13 =	rddreg [dreg:$0x1]  }
0x2b: {  	[tilespmem:s21], [sflag:$0x7] =	stream.linear.gather [hbm4b:s13+s3], $0x2000, $0x38;
	[tilespmem:$0x1EC00] =	vst v63  }
0x2c: {  	_ =	swait.ge [sflag:s22], $0x2000  }
0x2d: {  	[sflag:s22] =	ssyncset.done $0x0  }
0x2e: {  	[sflag:s22] =	ssyncadd.s32 $0xFFFFE000  }
0x2f: {  	[spmem:s5] =	stream.linear.scatter [tilespmem:s21], [sflag:$0x7], $0x2000, $0x38;
	[tilespmem:$0x1EC00] =	vst v63  }
0x30: {  	_ =	swait.ge [sflag:s22], $0x2000  }
0x31: {  	[sflag:s22] =	ssyncset.done $0x0  }
0x32: {  	s14 =	rddreg [dreg:$0x4];
	[sflag:s22] =	ssyncadd.s32 $0xFFFFE000  }
0x33: {  	[spmem:s14] =	stream.linear.scatter [tilespmem:s21], [sflag:$0x7], $0x2000, $0x38;
	[tilespmem:$0x1EC00] =	vst v63  }
0x34: {  	_ =	swait.ge [sflag:s22], $0x2000  }
0x35: {  	[sflag:s22] =	ssyncset.done $0x0  }
0x36: {  	s15 =	rddreg [dreg:$0x5];
	[sflag:s22] =	ssyncadd.s32 $0xFFFFE000  }
0x37: {  	[spmem:s15] =	stream.linear.scatter [tilespmem:s21], [sflag:$0x7], $0x2000, $0x38;
	[tilespmem:$0x1EC00] =	vst v63  }
0x38: {  	_ =	swait.ge [sflag:s22], $0x2000  }
0x39: {  	[sflag:s22] =	ssyncset.done $0x0  }
0x3a: {  	s14 =	rddreg [dreg:$0x6];
	[sflag:s22] =	ssyncadd.s32 $0xFFFFE000  }
0x3b: {  	[spmem:s14] =	stream.linear.scatter [tilespmem:s21], [sflag:$0x7], $0x2000, $0x38;
	[tilespmem:$0x1EC00] =	vst v63  }
0x3c: {  	_ =	swait.ge [sflag:s22], $0x2000  }
0x3d: {  	[sflag:s22] =	ssyncset.done $0x0  }
0x3e: {  	s15 =	rddreg [dreg:$0x7];
	[sflag:s22] =	ssyncadd.s32 $0xFFFFE000  }
0x3f: {  	[spmem:s15] =	stream.linear.scatter [tilespmem:s21], [sflag:$0x7], $0x2000, $0x38;
	[tilespmem:$0x1EC00] =	vst v63  }
0x40: {  	_ =	swait.ge [sflag:s22], $0x2000  }
0x41: {  	[sflag:s22] =	ssyncset.done $0x0  }
0x42: {  	s14 =	rddreg [dreg:$0x8];
	[sflag:s22] =	ssyncadd.s32 $0xFFFFE000  }
0x43: {  	[spmem:s14] =	stream.linear.scatter [tilespmem:s21], [sflag:$0x7], $0x2000, $0x38;
	[tilespmem:$0x1EC00] =	vst v63  }
0x44: {  	_ =	swait.ge [sflag:s22], $0x2000  }
0x45: {  	[sflag:s22] =	ssyncset.done $0x0  }
0x46: {  	s15 =	rddreg [dreg:$0x9];
	[sflag:s22] =	ssyncadd.s32 $0xFFFFE000  }
0x47: {  	[spmem:s15] =	stream.linear.scatter [tilespmem:s21], [sflag:$0x7], $0x2000, $0x38;
	[tilespmem:$0x1EC00] =	vst v63  }
0x48: {  	_ =	swait.ge [sflag:s22], $0x2000  }
0x49: {  	[sflag:s22] =	ssyncset.done $0x0  }
0x4a: {  	s14 =	rddreg [dreg:$0xa];
	[sflag:s22] =	ssyncadd.s32 $0xFFFFE000  }
0x4b: {  	[spmem:s14] =	stream.linear.scatter [tilespmem:s21], [sflag:$0x7], $0x2000, $0x38;
	[tilespmem:$0x1EC00] =	vst v63  }
0x4c: {  	_ =	swait.ge [sflag:s22], $0x2000  }
0x4d: {  	[sflag:s22] =	ssyncset.done $0x0  }
0x4e: {  	s15 =	rddreg [dreg:$0xb];
	[sflag:s22] =	ssyncadd.s32 $0xFFFFE000  }
0x4f: {  	[spmem:s15] =	stream.linear.scatter [tilespmem:s21], [sflag:$0x7], $0x2000, $0x38;
	[tilespmem:$0x1EC00] =	vst v63  }
0x50: {  	_ =	swait.ge [sflag:s22], $0x2000  }
0x51: {  	[sflag:s22] =	ssyncset.done $0x0  }
0x52: {  	s14 =	rddreg [dreg:$0xc];
	[sflag:s22] =	ssyncadd.s32 $0xFFFFE000  }
0x53: {  	[spmem:s14] =	stream.linear.scatter [tilespmem:s21], [sflag:$0x7], $0x1C00, $0x38;
	[tilespmem:$0x1EC00] =	vst v63  }
0x54: {  	_ =	swait.ge [sflag:s22], $0x1C00  }
0x55: {  	[sflag:s22] =	ssyncset.done $0x0  }
0x56: {  	[sflag:s22] =	ssyncadd.s32 $0xFFFFE400  }
0x57: {  	[bflag:$0x0] =	sbarrier.arrive $0xFFFF  }
0x58: {  	s15 =	rddreg [dreg:$0xd]  }
0x59: {  	[tilespmem:s3], [sflag:$0x7] =	stream.linear.gather [hbm4b:s15+s3], $0x2800, $0x38;
	[tilespmem:$0x1EC00] =	vst v63  }
0x5a: {  	_ =	swait.ge [sflag:s22], $0x2800  }
0x5b: {  	[sflag:s22] =	ssyncset.done $0x0  }
0x5c: {  	[sflag:s22] =	ssyncadd.s32 $0xFFFFD800  }
0x5d: {  	[tilespmem:s23], [sflag:$0x7] =	stream.linear.gather [hbm4b:s16+s3], $0x2800, $0x38;
	[tilespmem:$0x1EC00] =	vst v63  }
0x5e: {  	_ =	swait.ge [sflag:s22], $0x2800  }
0x5f: {  	[sflag:s22] =	ssyncset.done $0x0  }
0x60: {  	[sflag:s22] =	ssyncadd.s32 $0xFFFFD800  }
0x61: {  	[tilespmem:s21], [sflag:$0x1] =	stream.indirect.gather [hbm4b:s17+s25], $0x80, s3, s25, $0xb8;
	[tilespmem:$0x1EC00] =	vst v63  }
0x62: {  	_ = 	snop  }
0x63: {  	[tilespmem:s26], [sflag:$0x2] =	stream.indirect.gather [hbm4b:s17+s25], $0x80, s25, s25, $0xb8;
	[tilespmem:$0x1EC00] =	vst v63  }
0x64: {  	_ =	swait.ge [sflag:s28], $0x2000  }
0x65: {  	[sflag:s28] =	ssyncset.done $0x0  }
0x66: {  	[sflag:s28] =	ssyncadd.s32 $0xFFFFE000  }
0x67: {  	[spmem:s2] =	stream.indirect.scatter.add.f32 [tilespmem:s21], [sflag:$0x4], $0x80, s23, s25, $0xb8;
	[tilespmem:$0x1EC00] =	vst v63  }
0x68: {  	_ = 	snop  }
0x69: {  	[tilespmem:s30], [sflag:$0x3] =	stream.indirect.gather [hbm4b:s17+s25], $0x80, s29, s25, $0xb8;
	[tilespmem:$0x1EC00] =	vst v63  }
0x6a: {  	_ =	swait.ge [sflag:s31], $0x2000  }
0x6b: {  	[sflag:s31] =	ssyncset.done $0x0  }
0x6c: {  	[sflag:s31] =	ssyncadd.s32 $0xFFFFE000  }
0x6d: {  	[spmem:s2] =	stream.indirect.scatter.add.f32 [tilespmem:s26], [sflag:$0x5], $0x80, s0, s25, $0xb8;
	[tilespmem:$0x1EC00] =	vst v63  }
0x6e: {  	_ =	swait.ge [sflag:s1], $0x2000  }
0x6f: {  	[sflag:s1] =	ssyncset.done $0x0  }
0x70: {  	[sflag:s1] =	ssyncadd.s32 $0xFFFFE000  }
0x71: {  	[tilespmem:s21], [sflag:$0x1] =	stream.indirect.gather [hbm4b:s17+s25], $0x80, s4, s25, $0xb8;
	[tilespmem:$0x1EC00] =	vst v63  }
0x72: {  	_ =	swait.ge [sflag:s6], $0x2000  }
0x73: {  	[sflag:s6] =	ssyncset.done $0x0  }
0x74: {  	[sflag:s6] =	ssyncadd.s32 $0xFFFFE000  }
0x75: {  	[spmem:s2] =	stream.indirect.scatter.add.f32 [tilespmem:s30], [sflag:$0x6], $0x80, s7, s25, $0xb8;
	[tilespmem:$0x1EC00] =	vst v63  }
0x76: {  	_ =	swait.ge [sflag:s8], $0x2000  }
0x77: {  	[sflag:s8] =	ssyncset.done $0x0  }
0x78: {  	s13 =	simm.s32 $0x0;
	[sflag:s8] =	ssyncadd.s32 $0xFFFFE000  }
0x79: {  	[tilespmem:s26], [sflag:$0x2] =	stream.indirect.gather [hbm4b:s17+s25], $0x80, s9, s25, $0xb8;
	[tilespmem:$0x1EC00] =	vst v63  }
.LBB2_2:
0x7a: {  	_ =	swait.ge [sflag:s28], $0x2000  }
0x7b: {  	s14 =	sshra.s32 s13, $0x2;
	[sflag:s28] =	ssyncset.done $0x0  }
0x7c: {  	s15 =	sadd.s32 $0x28C0, s14;
	[sflag:s28] =	ssyncadd.s32 $0xFFFFE000  }
0x7d: {  	[spmem:s2] =	stream.indirect.scatter.add.f32 [tilespmem:s21], [sflag:$0x4], $0x80, s15, s25, $0xb8;
	[tilespmem:$0x1EC00] =	vst v63  }
0x7e: {  	_ =	swait.ge [sflag:s10], $0x2000  }
0x7f: {  	[sflag:s10] =	ssyncset.done $0x0  }
0x80: {  	s15 =	sadd.s32 $0x140, s14;
	[sflag:s10] =	ssyncadd.s32 $0xFFFFE000  }
0x81: {  	[tilespmem:s30], [sflag:$0x3] =	stream.indirect.gather [hbm4b:s17+s25], $0x80, s15, s25, $0xb8;
	[tilespmem:$0x1EC00] =	vst v63  }
0x82: {  	_ =	swait.ge [sflag:s31], $0x2000  }
0x83: {  	[sflag:s31] =	ssyncset.done $0x0  }
0x84: {  	s15 =	sadd.s32 $0x2900, s14;
	[sflag:s31] =	ssyncadd.s32 $0xFFFFE000  }
0x85: {  	[spmem:s2] =	stream.indirect.scatter.add.f32 [tilespmem:s26], [sflag:$0x5], $0x80, s15, s25, $0xb8;
	[tilespmem:$0x1EC00] =	vst v63  }
0x86: {  	_ =	swait.ge [sflag:s1], $0x2000  }
0x87: {  	[sflag:s1] =	ssyncset.done $0x0  }
0x88: {  	s15 =	sadd.s32 $0x180, s14;
	[sflag:s1] =	ssyncadd.s32 $0xFFFFE000  }
0x89: {  	[tilespmem:s21], [sflag:$0x1] =	stream.indirect.gather [hbm4b:s17+s25], $0x80, s15, s25, $0xb8;
	[tilespmem:$0x1EC00] =	vst v63  }
0x8a: {  	_ =	swait.ge [sflag:s6], $0x2000  }
0x8b: {  	p0 =	seq.s32 s13, $0x9900;
	[sflag:s6] =	ssyncset.done $0x0  }
.Ltmp2:
0x8c: {  	s15 =	sadd.s32 $0x2940, s14;
	[sflag:s6] =	ssyncadd.s32 $0xFFFFE000;
	(pc) =	sbr.rel @p0 .LBB2_4-.Ltmp2, $4  }
0x8d: {  	[spmem:s2] =	stream.indirect.scatter.add.f32 [tilespmem:s30], [sflag:$0x6], $0x80, s15, s25, $0xb8;
	[tilespmem:$0x1EC00] =	vst v63  }
0x8e: {  	_ =	swait.ge [sflag:s8], $0x2000  }
0x8f: {  	[sflag:s8] =	ssyncset.done $0x0  }
0x90: {  	[sflag:s8] =	ssyncadd.s32 $0xFFFFE000  }
.Ltmp3:
0x91: {  	(pc) =	sbr.rel .LBB2_2-.Ltmp3, $3  }
0x92: {  	_ =	sdelay $0x1  }
0x93: {  	s14 =	sadd.s32 $0x1C0, s14;
	s13 =	sadd.s32 $0x300, s13  }
0x94: {  	[tilespmem:s26], [sflag:$0x2] =	stream.indirect.gather [hbm4b:s17+s25], $0x80, s14, s25, $0xb8;
	[tilespmem:$0x1EC00] =	vst v63  }
.LBB2_4:
0x95: {  	_ =	swait.ge [sflag:s28], $0x2000  }
0x96: {  	[sflag:s28] =	ssyncset.done $0x0  }
0x97: {  	[sflag:s28] =	ssyncadd.s32 $0xFFFFE000  }
0x98: {  	[spmem:s2] =	stream.indirect.scatter.add.f32 [tilespmem:s21], [sflag:$0x4], $0x80, s11, s25, $0xb8;
	[tilespmem:$0x1EC00] =	vst v63  }
0x99: {  	_ =	swait.ge [sflag:s10], $0x2000  }
0x9a: {  	[sflag:s10] =	ssyncset.done $0x0  }
0x9b: {  	[sflag:s10] =	ssyncadd.s32 $0xFFFFE000  }
0x9c: {  	_ =	swait.ge [sflag:s1], $0x2000  }
0x9d: {  	[sflag:s1] =	ssyncset.done $0x0  }
0x9e: {  	s13 =	simm.s32 $0x0;
	[sflag:s1] =	ssyncadd.s32 $0xFFFFE000  }
0x9f: {  	[tilespmem:s13], [sflag:$0x7] =	stream.linear.gather [hbm4b:s18+s13], $0x2800, $0x38;
	[tilespmem:$0x1EC00] =	vst v63  }
0xa0: {  	_ =	swait.ge [sflag:s22], $0x2800  }
0xa1: {  	[sflag:s22] =	ssyncset.done $0x0  }
0xa2: {  	[sflag:s22] =	ssyncadd.s32 $0xFFFFD800  }
0xa3: {  	[tilespmem:s23], [sflag:$0x7] =	stream.linear.gather [hbm4b:s19+s13], $0x2800, $0x38;
	[tilespmem:$0x1EC00] =	vst v63  }
0xa4: {  	_ =	swait.ge [sflag:s22], $0x2800  }
0xa5: {  	[sflag:s22] =	ssyncset.done $0x0  }
0xa6: {  	[sflag:s22] =	ssyncadd.s32 $0xFFFFD800  }
0xa7: {  	[tilespmem:s21], [sflag:$0x1] =	stream.indirect.gather [hbm4b:s17+s25], $0x80, s13, s25, $0xb8;
	[tilespmem:$0x1EC00] =	vst v63  }
0xa8: {  	_ = 	snop  }
0xa9: {  	[tilespmem:s26], [sflag:$0x2] =	stream.indirect.gather [hbm4b:s17+s25], $0x80, s25, s25, $0xb8;
	[tilespmem:$0x1EC00] =	vst v63  }
0xaa: {  	_ =	swait.ge [sflag:s28], $0x2000  }
0xab: {  	[sflag:s28] =	ssyncset.done $0x0  }
0xac: {  	[sflag:s28] =	ssyncadd.s32 $0xFFFFE000  }
0xad: {  	[spmem:s2] =	stream.indirect.scatter.add.f32 [tilespmem:s21], [sflag:$0x4], $0x80, s23, s25, $0xb8;
	[tilespmem:$0x1EC00] =	vst v63  }
0xae: {  	_ = 	snop  }
0xaf: {  	[tilespmem:s30], [sflag:$0x3] =	stream.indirect.gather [hbm4b:s17+s25], $0x80, s29, s25, $0xb8;
	[tilespmem:$0x1EC00] =	vst v63  }
0xb0: {  	_ =	swait.ge [sflag:s31], $0x2000  }
0xb1: {  	[sflag:s31] =	ssyncset.done $0x0  }
0xb2: {  	[sflag:s31] =	ssyncadd.s32 $0xFFFFE000  }
0xb3: {  	[spmem:s2] =	stream.indirect.scatter.add.f32 [tilespmem:s26], [sflag:$0x5], $0x80, s0, s25, $0xb8;
	[tilespmem:$0x1EC00] =	vst v63  }
0xb4: {  	_ =	swait.ge [sflag:s1], $0x2000  }
0xb5: {  	[sflag:s1] =	ssyncset.done $0x0  }
0xb6: {  	[sflag:s1] =	ssyncadd.s32 $0xFFFFE000  }
0xb7: {  	[tilespmem:s21], [sflag:$0x1] =	stream.indirect.gather [hbm4b:s17+s25], $0x80, s4, s25, $0xb8;
	[tilespmem:$0x1EC00] =	vst v63  }
0xb8: {  	_ =	swait.ge [sflag:s6], $0x2000  }
0xb9: {  	[sflag:s6] =	ssyncset.done $0x0  }
0xba: {  	[sflag:s6] =	ssyncadd.s32 $0xFFFFE000  }
0xbb: {  	[spmem:s2] =	stream.indirect.scatter.add.f32 [tilespmem:s30], [sflag:$0x6], $0x80, s7, s25, $0xb8;
	[tilespmem:$0x1EC00] =	vst v63  }
0xbc: {  	_ =	swait.ge [sflag:s8], $0x2000  }
0xbd: {  	[sflag:s8] =	ssyncset.done $0x0  }
0xbe: {  	[sflag:s8] =	ssyncadd.s32 $0xFFFFE000  }
0xbf: {  	[tilespmem:s26], [sflag:$0x2] =	stream.indirect.gather [hbm4b:s17+s25], $0x80, s9, s25, $0xb8;
	[tilespmem:$0x1EC00] =	vst v63  }
.LBB2_5:
0xc0: {  	_ =	swait.ge [sflag:s28], $0x2000  }
0xc1: {  	s14 =	sshra.s32 s13, $0x2;
	[sflag:s28] =	ssyncset.done $0x0  }
0xc2: {  	s15 =	sadd.s32 $0x28C0, s14;
	[sflag:s28] =	ssyncadd.s32 $0xFFFFE000  }
0xc3: {  	[spmem:s2] =	stream.indirect.scatter.add.f32 [tilespmem:s21], [sflag:$0x4], $0x80, s15, s25, $0xb8;
	[tilespmem:$0x1EC00] =	vst v63  }
0xc4: {  	_ =	swait.ge [sflag:s10], $0x2000  }
0xc5: {  	[sflag:s10] =	ssyncset.done $0x0  }
0xc6: {  	s15 =	sadd.s32 $0x140, s14;
	[sflag:s10] =	ssyncadd.s32 $0xFFFFE000  }
0xc7: {  	[tilespmem:s30], [sflag:$0x3] =	stream.indirect.gather [hbm4b:s17+s25], $0x80, s15, s25, $0xb8;
	[tilespmem:$0x1EC00] =	vst v63  }
0xc8: {  	_ =	swait.ge [sflag:s31], $0x2000  }
0xc9: {  	[sflag:s31] =	ssyncset.done $0x0  }
0xca: {  	s15 =	sadd.s32 $0x2900, s14;
	[sflag:s31] =	ssyncadd.s32 $0xFFFFE000  }
0xcb: {  	[spmem:s2] =	stream.indirect.scatter.add.f32 [tilespmem:s26], [sflag:$0x5], $0x80, s15, s25, $0xb8;
	[tilespmem:$0x1EC00] =	vst v63  }
0xcc: {  	_ =	swait.ge [sflag:s1], $0x2000  }
0xcd: {  	[sflag:s1] =	ssyncset.done $0x0  }
0xce: {  	s15 =	sadd.s32 $0x180, s14;
	[sflag:s1] =	ssyncadd.s32 $0xFFFFE000  }
0xcf: {  	[tilespmem:s21], [sflag:$0x1] =	stream.indirect.gather [hbm4b:s17+s25], $0x80, s15, s25, $0xb8;
	[tilespmem:$0x1EC00] =	vst v63  }
0xd0: {  	_ =	swait.ge [sflag:s6], $0x2000  }
0xd1: {  	p0 =	seq.s32 s13, $0x9900;
	[sflag:s6] =	ssyncset.done $0x0  }
.Ltmp4:
0xd2: {  	s15 =	sadd.s32 $0x2940, s14;
	[sflag:s6] =	ssyncadd.s32 $0xFFFFE000;
	(pc) =	sbr.rel @p0 .LBB2_7-.Ltmp4, $4  }
0xd3: {  	[spmem:s2] =	stream.indirect.scatter.add.f32 [tilespmem:s30], [sflag:$0x6], $0x80, s15, s25, $0xb8;
	[tilespmem:$0x1EC00] =	vst v63  }
0xd4: {  	_ =	swait.ge [sflag:s8], $0x2000  }
0xd5: {  	[sflag:s8] =	ssyncset.done $0x0  }
0xd6: {  	[sflag:s8] =	ssyncadd.s32 $0xFFFFE000  }
.Ltmp5:
0xd7: {  	(pc) =	sbr.rel .LBB2_5-.Ltmp5, $3  }
0xd8: {  	_ =	sdelay $0x1  }
0xd9: {  	s14 =	sadd.s32 $0x1C0, s14;
	s13 =	sadd.s32 $0x300, s13  }
0xda: {  	[tilespmem:s26], [sflag:$0x2] =	stream.indirect.gather [hbm4b:s17+s25], $0x80, s14, s25, $0xb8;
	[tilespmem:$0x1EC00] =	vst v63  }
.LBB2_8:
0xdb: {  	_ =	sfence.sel $0x180000  }
0xdc: {  	[bflag:$0x0] =	sbarrier.arrive $0xFFFF  }
0xdd: {  	_ =	strace $0x9000004A  }
0xde: {  	s0 =	stileid.u32;
	[bflag:$0x2] =	sbarrier.arrive $0xFFFF  }
0xdf: {  	p0 =	sne.s32 s0, $0x0;
	s0 =	rddreg [dreg:$0x3]  }
0xe0: {  	s0 =	sadd.s32 @!p0 $0x100000, s0  }
0xe1: {  	[sflag:s0] =	ssyncadd.tile.s32 @!p0 $0x1;
	_ =	shalt  }
.Lfunc_end2:
_tile_overlayer_lowered:
.L_overlay_start_2:
0xe2: {  	(tag) =	ssettag $0x2  }
0xe3: {  	s0 =	rddreg [dreg:$0x0];
	s2 =	stileid.u32  }
0xe4: {  	s1 =	rddreg [dreg:$0x1];
	p0 =	sne.s32 s2, $0x0  }
0xe5: {  	s3 =	rddreg [dreg:$0x2];
	[bflag:$0x3] =	sbarrier.arrive $0xFFFF;
	s2 =	simm.s32 @!p0 $0x1C07  }
0xe6: {  	[timem:s3], [sflag:s2] =	dma.local @!p0 [hbm:s0], s1  }
0xe7: {  	s0 =	simm.s32 @!p0 $0x7  }
0xe8: {  	_ =	swait.ge @!p0 [sflag:s0], s1  }
0xe9: {  	s1 =	ssub.s32 @!p0 $0x0, s1;
	[sflag:s0] =	ssyncset.done @!p0 $0x0  }
0xea: {  	[sflag:s0] =	ssyncadd.s32 @!p0 s1  }
0xeb: {  	[bflag:$0x3] =	sbarrier.arrive $0xFFFF  }
0xec: {  	_ =	shalt  }

// kernel: kernel.15.cloned.1.call-start
scs
__scs_entry_jumppad:
0x0: {  	(pc) =	sbr.rel $0x88, $3  }
0x1: {  	(tag) =	ssettag $0x0;
	lr =	simm.s32 $0x1  }
0x2: {  	[smem:$0x3F93] =	sst lr;
	_ =	strace $0xD0000000  }
0x3: {  	_ = 	snop  }
0x4: {  	_ = 	snop  }
0x5: {  	_ = 	snop  }
0x6: {  	_ = 	snop  }
0x7: {  	_ = 	snop  }
__scs_overlays_trampoline_lowered:
0x8: {  	[smem:$0x3FA2] =	sst s0  }
0x9: {  	[smem:$0x3FA3] =	sst s1  }
0xa: {  	[smem:$0x3FA4] =	sst s2  }
0xb: {  	[smem:$0x3FA5] =	sst s3  }
0xc: {  	[smem:$0x3FA6] =	sst s4  }
0xd: {  	[smem:$0x3FA7] =	sst s5  }
0xe: {  	[smem:$0x3FA8] =	sst s6  }
0xf: {  	[smem:$0x3FA9] =	sst s7  }
0x10: {  	[smem:$0x3FAA] =	sst s8  }
0x11: {  	[smem:$0x3FAB] =	sst s9;
	s0 =	simm.s32 @!p0 $0x0  }
0x12: {  	s1 =	sld [smem:$0x3F91];
	s0 =	simm.s32 @p0 $0x1  }
0x13: {  	[smem:$0x3FAC] =	sst s0;
	s0 =	simm.s32 @!p1 $0x0  }
0x14: {  	s2 =	sld [smem:$0x3F90];
	s0 =	simm.s32 @p1 $0x1  }
0x15: {  	[smem:$0x3FAD] =	sst s0;
	s0 =	simm.s32 @!p2 $0x0  }
0x16: {  	s3 =	sld [smem:$0x3FDB];
	s0 =	simm.s32 @p2 $0x1  }
0x17: {  	s4 =	simm.s32 $0x1BF5;
	[smem:$0x3FAF] =	sst s0  }
0x18: {  	s0 =	sld [smem:$0x3F92];
	_ =	swait.ge [sflag:s4], $0x0  }
0x19: {  	s7 =	sld [smem:$0x3F93]  }
0x1a: {  	s8 =	sadd.s32 $0xFFFFE003, lr  }
0x1b: {  	s9 =	sadd.s32 $0xFFFFFEF7, lr;
	s5 =	simm.s32 $0xFFFFFFFF;
	p2 =	slt.u32 s8, $0xFFFFF086  }
0x1c: {  	p1 =	slt.u32 s9, $0xF7A;
	s5 =	simm.s32 @!p2 $0x0  }
0x1d: {  	s5 =	simm.s32 @p1 $0x1;
	p0 =	seq.s32 s7, s2  }
0x1e: {  	s7 =	smul.u32 @!p0 $0xF7A, s2;
	p2 =	seq.s32 @!p0 s5, $0x0  }
0x1f: {  	s9 =	smul.u32 $0xF7A, s1;
	s8 =	simm.s32 @!p0 $0x1BF5;
	p2 =	por !p2, p0  }
0x20: {  	[sflag:s8] =	ssyncset.s32 @!p0 $0xFFFFF086;
	s6 =	sadd.s32 @!p0 s3, s7;
	s7 =	simm.s32 @!p0 $0x108  }
0x21: {  	s3 =	sadd.s32 s3, s9;
	s6 =	sadd.s32 @!p0 $0x88, s6;
	s7 =	simm.s32 @p2 $0x1082  }
0x22: {  	[simem:s7], [sflag:s8] =	dma.local @!p0 [hbm:s6], $0xF7A  }
0x23: {  	s9 =	sor.u32 $0xD0000000, s2;
	s6 =	simm.s32 $0x108;
	_ =	swait.ge @!p0 [sflag:s8], $0x0  }
0x24: {  	s3 =	sadd.s32 $0x88, s3;
	s6 =	simm.s32 @!p1 $0x1082;
	[sflag:s4] =	ssyncset.s32 $0xFFFFF086  }
0x25: {  	[simem:s6], [sflag:s4] =	dma.local [hbm:s3], $0xF7A  }
0x26: {  	[smem:$0x3F93] =	sst s1;
	(tag) =	ssettag s2;
	_ =	strace s9  }
0x27: {  	s1 =	sld [smem:$0x3FA3]  }
0x28: {  	s2 =	sld [smem:$0x3FA4]  }
0x29: {  	s4 =	sld [smem:$0x3FA6]  }
0x2a: {  	p0 =	seq.s32 s5, $0x0;
	s5 =	sld [smem:$0x3FA7]  }
0x2b: {  	s6 =	sld [smem:$0x3FA8]  }
0x2c: {  	s7 =	sld [smem:$0x3FA9]  }
0x2d: {  	s3 =	simm.s32 $0x108;
	s8 =	sld [smem:$0x3FAA]  }
0x2e: {  	s3 =	simm.s32 @!p0 $0x1082;
	s9 =	sld [smem:$0x3FAB]  }
0x2f: {  	lr =	sadd.s32 s0, s3;
	s0 =	sld [smem:$0x3FA2]  }
0x30: {  	s3 =	sld [smem:$0x3FA5]  }
0x31: {  	[smem:$0x3FAE] =	sst s10  }
0x32: {  	s10 =	sld [smem:$0x3FAC];
	_ =	sdelay $0x3  }
0x33: {  	p0 =	seq.s32 s10, $0x1;
	s10 =	sld [smem:$0x3FAE];
	_ =	sdelay $0x3  }
0x34: {  	[smem:$0x3FAE] =	sst s10  }
0x35: {  	s10 =	sld [smem:$0x3FAD];
	_ =	sdelay $0x3  }
0x36: {  	p1 =	seq.s32 s10, $0x1;
	s10 =	sld [smem:$0x3FAE];
	_ =	sdelay $0x3  }
0x37: {  	[smem:$0x3FAE] =	sst s10  }
0x38: {  	s10 =	sld [smem:$0x3FAF]  }
0x39: {  	_ = 	snop;
	(pc) =	sbr.ind lr, $3  }
0x3a: {  	_ = 	snop  }
0x3b: {  	_ = 	snop  }
0x3c: {  	p2 =	seq.s32 s10, $0x1;
	s10 =	sld [smem:$0x3FAE]  }
0x3d: {  	_ =	shalt  }
0x3e: {  	_ =	shalt  }
0x3f: {  	_ =	shalt  }
0x40: {  	_ =	shalt  }
0x41: {  	_ =	shalt  }
0x42: {  	_ =	shalt  }
0x43: {  	_ =	shalt  }
0x44: {  	_ =	shalt  }
0x45: {  	_ =	shalt  }
0x46: {  	_ =	shalt  }
0x47: {  	_ =	shalt  }
0x48: {  	_ =	shalt  }
0x49: {  	_ =	shalt  }
0x4a: {  	_ =	shalt  }
0x4b: {  	_ =	shalt  }
0x4c: {  	_ =	shalt  }
0x4d: {  	_ =	shalt  }
0x4e: {  	_ =	shalt  }
0x4f: {  	_ =	shalt  }
0x50: {  	_ =	shalt  }
0x51: {  	_ =	shalt  }
0x52: {  	_ =	shalt  }
0x53: {  	_ =	shalt  }
0x54: {  	_ =	shalt  }
0x55: {  	_ =	shalt  }
0x56: {  	_ =	shalt  }
0x57: {  	_ =	shalt  }
0x58: {  	_ =	shalt  }
0x59: {  	_ =	shalt  }
0x5a: {  	_ =	shalt  }
0x5b: {  	_ =	shalt  }
0x5c: {  	_ =	shalt  }
0x5d: {  	_ =	shalt  }
0x5e: {  	_ =	shalt  }
0x5f: {  	_ =	shalt  }
0x60: {  	_ =	shalt  }
0x61: {  	_ =	shalt  }
0x62: {  	_ =	shalt  }
0x63: {  	_ =	shalt  }
0x64: {  	_ =	shalt  }
0x65: {  	_ =	shalt  }
0x66: {  	_ =	shalt  }
0x67: {  	_ =	shalt  }
0x68: {  	_ =	shalt  }
0x69: {  	_ =	shalt  }
0x6a: {  	_ =	shalt  }
0x6b: {  	_ =	shalt  }
0x6c: {  	_ =	shalt  }
0x6d: {  	_ =	shalt  }
0x6e: {  	_ =	shalt  }
0x6f: {  	_ =	shalt  }
0x70: {  	_ =	shalt  }
0x71: {  	_ =	shalt  }
0x72: {  	_ =	shalt  }
0x73: {  	_ =	shalt  }
0x74: {  	_ =	shalt  }
0x75: {  	_ =	shalt  }
0x76: {  	_ =	shalt  }
0x77: {  	_ =	shalt  }
0x78: {  	_ =	shalt  }
0x79: {  	_ =	shalt  }
0x7a: {  	_ =	shalt  }
0x7b: {  	_ =	shalt  }
0x7c: {  	_ =	shalt  }
0x7d: {  	_ =	shalt  }
0x7e: {  	_ =	shalt  }
0x7f: {  	_ =	shalt  }
0x80: {  	_ =	shalt  }
0x81: {  	_ =	shalt  }
0x82: {  	_ =	shalt  }
0x83: {  	_ =	shalt  }
0x84: {  	_ =	shalt  }
0x85: {  	_ =	shalt  }
0x86: {  	_ =	shalt  }
0x87: {  	_ =	shalt  }
.Lfunc_end0:
.L_simem_size_0:
called_computation.2_lowered:
.L_overlay_start_0:
0x88: {  	s2 =	sld [smem:$0x3FD9]  }
0x89: {  	s3 =	sld [smem:$0x3FFE];
	_ =	sdelay $0x1  }
0x8a: {  	s1 =	srdreg.scid  }
0x8b: {  	s0 =	sand.u32 $0x1, s1  }
0x8c: {  	s14 =	sshll.u32 s0, $0xA;
	s2 =	sadd.s32 s3, s2  }
0x8d: {  	s2 =	sadd.s32 s2, s14  }
0x8e: {  	[smem:$0x3FBA] =	sst s2  }
0x8f: {  	_ = 	snop  }
0x90: {  	s2 =	sld [smem:$0x3FD0];
	_ =	sdelay $0x2  }
0x91: {  	s15 =	simm.s32 $0xA;
	s4 =	simm.s32 $0x10  }
0x92: {  	[smem:s4], [sflag:s15] =	dma.local [hbm:s2], $0x1  }
0x93: {  	_ =	swait.eq [sflag:s15], $0x1  }
0x94: {  	[sflag:s15] =	ssyncset.done $0x0  }
0x95: {  	[sflag:s15] =	ssyncadd.s32 $0xFFFFFFFF  }
0x96: {  	s16 =	sld [smem:$0x11];
	(tm) =	ssettm $0x1  }
0x97: {  	s17 =	sld [smem:$0x3FFB];
	_ =	sdelay $0x3  }
0x98: {  	_ =	strace s17  }
0x99: {  	s3 =	sld [smem:$0x3FFC];
	_ =	sdelay $0x3  }
0x9a: {  	_ =	strace s3  }
0x9b: {  	s3 =	sld [smem:$0x3FFD];
	_ =	sdelay $0x3  }
0x9c: {  	_ =	strace s3  }
0x9d: {  	_ =	strace $0x8FFFFFFF  }
0x9e: {  	s18 =	sld [smem:$0x3FDB];
	_ =	sdelay $0x1  }
0x9f: {  	s19 =	simm.s32 $_scs_section_size  }
0xa0: {  	s5 =	simm.s32 $_size__tile_overlayer_lowered;
	s6 =	simm.s32 $_tile_overlayer_lowered  }
0xa1: {  	s22 =	simm.s32 $0x1BFF;
	s21 =	sshll.u32 s6, $0x1;
	s3 =	sadd.s32 s19, s18  }
0xa2: {  	s7 =	simm.s32 $0x0;
	s20 =	sshll.u32 s5, $0x1;
	s5 =	sadd.s32 s21, s3  }
0xa3: {  	[timem:s7], [sflag:s22] =	dma.local [hbm:s5], s20  }
0xa4: {  	_ =	swait.ge [sflag:s22], s20  }
0xa5: {  	s4 =	ssub.s32 $0x0, s20;
	[sflag:s22] =	ssyncset.done $0x0  }
0xa6: {  	[sflag:s22] =	ssyncadd.s32 s4;
	_ =	sdelay $0x1  }
0xa7: {  	s23 =	simm.s32 $0x1B8B  }
0xa8: {  	_ =	swait.ge [sflag:s23], $0x1  }
0xa9: {  	[sflag:s23] =	ssyncset.done $0x0  }
0xaa: {  	s25 =	simm.s32 $0x1B8E;
	s24 =	sld [smem:$0x3FFE];
	[sflag:s23] =	ssyncadd.s32 $0xFFFFFFFF  }
0xab: {  	s26 =	simm.s32 $execute0_lowered;
	[smem:$0x3FD2] =	sst s25  }
0xac: {  	s5 =	sshll.u32 s26, $0x1;
	_ =	strace $0x8000004C;
	[dreg:$0x1] =	wrdreg $0xFFFFFFFF  }
0xad: {  	s28 =	simm.s32 $_size_execute0_lowered;
	s3 =	sadd.s32 s3, s5;
	[dreg:$0x0] =	wrdreg $0x0  }
0xae: {  	s5 =	sshll.u32 s28, $0x1;
	[dreg:$0x2] =	wrdreg s3  }
0xaf: {  	[dreg:$0x3] =	wrdreg s5  }
0xb0: {  	[dreg:$0x4] =	wrdreg $0xC0  }
0xb1: {  	_ =	task [dreg:s7], $0x5FFFF  }
0xb2: {  	[dreg:$0x1] =	wrdreg $0xFFFFFFFF  }
0xb3: {  	[dreg:$0x0] =	wrdreg $0x60  }
0xb4: {  	[dreg:$0x2] =	wrdreg s24  }
0xb5: {  	[dreg:$0x3] =	wrdreg s16  }
0xb6: {  	[dreg:$0x4] =	wrdreg $0xB0000  }
0xb7: {  	[dreg:$0x5] =	wrdreg $0x9  }
0xb8: {  	_ =	task.clear_ibuf [dreg:s7], $0x6FFFF;
	_ =	strace $0x9000004C  }
0xb9: {  	s29 =	simm.s32 $0x9;
	_ =	strace $0x8000004E  }
0xba: {  	_ =	swait.ge [sflag:s29], $0x1  }
0xbb: {  	[sflag:s29] =	ssyncadd.s32 $0xFFFFFFFF  }
0xbc: {  	_ =	strace $0x9000004E  }
0xbd: {  	_ =	sfence  }
0xbe: {  	s30 =	sld [smem:$0x0];
	_ =	sdelay $0x2  }
0xbf: {  	s31 =	sshll.u32 s1, $0xD;
	s1 =	sshrl.u32 s1, $0x2  }
0xc0: {  	s3 =	sand.u32 $0x4000, s31;
	s1 =	sadd.s32 s1, s30  }
0xc1: {  	s0 =	sor.u32 s3, s0;
	s1 =	sshll.u32 s1, $0x11  }
0xc2: {  	s0 =	sor.u32 s1, s0  }
0xc3: {  	s0 =	sadd.s32 $0x8F2B, s0  }
0xc4: {  	[sflag:s0] =	ssyncadd.remote.s32 $0x1  }
0xc5: {  	_ =	sfence.sel $0xFFFF  }
0xc6: {  	[dreg:$0x0] =	wrdreg $0xFFFFFFFF;
	(pc) =	sbr.abs _section_cstart, $3  }
0xc7: {  	[dreg:$0x1] =	wrdreg $0xFFFFFFFF  }
0xc8: {  	_ =	task.clear_ibuf [dreg:s7], $0x2FFFF;
	_ =	strace $0x9FFFFFFF  }
0xc9: {  	(tm) =	ssettm $0x7FFFFFFF  }
tec
execute0_lowered:
.L_overlay_start_1:
0x0: {  	(tag) =	ssettag $0x1  }
0x1: {  	s0 =	rddreg [dreg:$0x0]  }
0x2: {  	s2 =	rddreg [dreg:$0x2];
	s11 =	stileid.u32  }
0x3: {  	s1 =	srdreg.scid;
	s5 =	smul.u32 $0x4F000, s11  }
0x4: {  	s3 =	simm.s32 $0x0;
	s28 =	simm.s32 $0x1;
	s10 =	smul.u32 $0x13C00, s11  }
0x5: {  	s29 =	simm.s32 $0x80;
	s30 =	simm.s32 $0x9000;
	s20 =	smul.u32 $0x5000, s11  }
0x6: {  	s31 =	simm.s32 $0x2;
	s1 =	sand.u32 $0x1, s1;
	s11 =	smul.u32 $0xA00, s11  }
0x7: {  	[smem:$0x7FF] =	sst s3;
	s6 =	sadd.s32 $0x16C00, s0;
	s4 =	smul.u32 $0x27100, s1  }
0x8: {  	s7 =	sadd.s32 $0x2A00, s0;
	s8 =	smul.u32 $0x27800, s1;
	s1 =	ssub.s32 $0x2, s1  }
0x9: {  	_ =	strace $0x8000004D;
	s9 =	sshrl.u32 s1, $0x1;
	s5 =	sshrl.u32 s5, $0x2  }
0xa: {  	s24 =	sadd.s32 s6, s11;
	s26 =	sshrl.u32 s10, $0x3;
	s15 =	sadd.s32 s5, s2  }
0xb: {  	s4 =	sadd.s32 s4, s0;
	[dreg:$0xd] =	wrdreg s24;
	s16 =	sadd.s32 $0x2000, s15  }
0xc: {  	s0 =	sadd.s32 s8, s0;
	s17 =	sadd.s32 $0x4000, s15;
	[dreg:$0x4] =	wrdreg s16  }
0xd: {  	s1 =	ssub.s32 s1, s9;
	s18 =	sadd.s32 $0x6000, s15;
	[dreg:$0x5] =	wrdreg s17  }
0xe: {  	s5 =	sadd.s32 s10, s2;
	s19 =	sadd.s32 $0x8000, s15;
	[dreg:$0x6] =	wrdreg s18  }
0xf: {  	s9 =	sshrl.u32 s20, $0x3;
	s12 =	sadd.s32 $0xA000, s15;
	[dreg:$0x7] =	wrdreg s19  }
0x10: {  	s10 =	simm.s32 $0x6;
	s21 =	sadd.s32 $0xC000, s15;
	[dreg:$0x8] =	wrdreg s12  }
0x11: {  	s22 =	sadd.s32 $0xE000, s15;
	s23 =	sadd.s32 $0x10000, s15;
	[dreg:$0x9] =	wrdreg s21  }
0x12: {  	s8 =	sadd.s32 $0x12000, s15;
	s25 =	sadd.s32 $0x500, s9;
	[dreg:$0xa] =	wrdreg s22  }
0x13: {  	s0 =	sadd.s32 $0x6EE00, s0;
	s20 =	smax.u32 s1, $0x1;
	[dreg:$0xb] =	wrdreg s23  }
0x14: {  	s1 =	simm.s32 $0x4;
	s9 =	simm.s32 $0x100;
	[dreg:$0xc] =	wrdreg s8  }
0x15: {  	s16 =	sadd.s32 s7, s11;
	s17 =	sadd.s32 $0x20C00, s4;
	s18 =	sadd.s32 s6, s25  }
.Ltmp0:
0x16: {  	s19 =	sadd.s32 s7, s25;
	s21 =	simm.s32 $0x5000;
	(pc) =	sbr.rel .LBB2_1-.Ltmp0, $4  }
0x17: {  	s22 =	simm.s32 $0x7;
	s23 =	simm.s32 $0x2800;
	s24 =	sadd.s32 s26, s0  }
0x18: {  	s25 =	simm.s32 $0x40;
	s26 =	simm.s32 $0x7000;
	s0 =	simm.s32 $0x2840  }
0x19: {  	s4 =	simm.s32 $0xC0;
	s6 =	simm.s32 $0x3;
	s7 =	simm.s32 $0x2880  }
0x1a: {  	s8 =	simm.s32 $0x5;
	s11 =	simm.s32 $0x4FC0;
	s12 =	simm.s32 $0x0  }
.LBB2_7:
0x1b: {  	_ =	swait.ge [sflag:s28], $0x2000  }
0x1c: {  	[sflag:s28] =	ssyncset.done $0x0  }
0x1d: {  	[sflag:s28] =	ssyncadd.s32 $0xFFFFE000  }
0x1e: {  	[spmem:s2] =	stream.indirect.scatter.add.f32 [tilespmem:s21], [sflag:$0x4], $0x80, s11, s25, $0xb8;
	[tilespmem:$0x1EC00] =	vst v63  }
0x1f: {  	_ =	swait.ge [sflag:s10], $0x2000  }
0x20: {  	[sflag:s10] =	ssyncset.done $0x0  }
0x21: {  	[sflag:s10] =	ssyncadd.s32 $0xFFFFE000  }
0x22: {  	s13 =	stileid.u32;
	_ =	swait.ge [sflag:s1], $0x2000  }
0x23: {  	s14 =	sshrl.u32 s5, $0x3;
	s12 =	sadd.s32 $0x1, s12;
	[sflag:s1] =	ssyncset.done $0x0  }
0x24: {  	s13 =	sshll.u32 s13, $0x6;
	p0 =	sne.s32 s12, s20;
	[sflag:s1] =	ssyncadd.s32 $0xFFFFE000  }
.Ltmp1:
0x25: {  	s13 =	sor.u32 $0x1C07, s13;
	[bflag:$0x0] =	sbarrier.arrive $0xFFFF;
	(pc) =	sbr.rel @!p0 .LBB2_8-.Ltmp1, $4  }
0x26: {  	[hbm:s24], [sflag:s13] =	dma.local [spmem:s14], $0x2780  }
0x27: {  	_ =	swait.ge [sflag:s22], $0x2780  }
0x28: {  	[sflag:s22] =	ssyncset.done $0x0  }
0x29: {  	[sflag:s22] =	ssyncadd.s32 $0xFFFFD880  }
.LBB2_1:
0x2a: {  	s13 =	rddreg [dreg:$0x1]  }
0x2b: {  	[tilespmem:s21], [sflag:$0x7] =	stream.linear.gather [hbm4b:s13+s3], $0x2000, $0x38;
	[tilespmem:$0x1EC00] =	vst v63  }
0x2c: {  	_ =	swait.ge [sflag:s22], $0x2000  }
0x2d: {  	[sflag:s22] =	ssyncset.done $0x0  }
0x2e: {  	[sflag:s22] =	ssyncadd.s32 $0xFFFFE000  }
0x2f: {  	[spmem:s5] =	stream.linear.scatter [tilespmem:s21], [sflag:$0x7], $0x2000, $0x38;
	[tilespmem:$0x1EC00] =	vst v63  }
0x30: {  	_ =	swait.ge [sflag:s22], $0x2000  }
0x31: {  	[sflag:s22] =	ssyncset.done $0x0  }
0x32: {  	s14 =	rddreg [dreg:$0x4];
	[sflag:s22] =	ssyncadd.s32 $0xFFFFE000  }
0x33: {  	[spmem:s14] =	stream.linear.scatter [tilespmem:s21], [sflag:$0x7], $0x2000, $0x38;
	[tilespmem:$0x1EC00] =	vst v63  }
0x34: {  	_ =	swait.ge [sflag:s22], $0x2000  }
0x35: {  	[sflag:s22] =	ssyncset.done $0x0  }
0x36: {  	s15 =	rddreg [dreg:$0x5];
	[sflag:s22] =	ssyncadd.s32 $0xFFFFE000  }
0x37: {  	[spmem:s15] =	stream.linear.scatter [tilespmem:s21], [sflag:$0x7], $0x2000, $0x38;
	[tilespmem:$0x1EC00] =	vst v63  }
0x38: {  	_ =	swait.ge [sflag:s22], $0x2000  }
0x39: {  	[sflag:s22] =	ssyncset.done $0x0  }
0x3a: {  	s14 =	rddreg [dreg:$0x6];
	[sflag:s22] =	ssyncadd.s32 $0xFFFFE000  }
0x3b: {  	[spmem:s14] =	stream.linear.scatter [tilespmem:s21], [sflag:$0x7], $0x2000, $0x38;
	[tilespmem:$0x1EC00] =	vst v63  }
0x3c: {  	_ =	swait.ge [sflag:s22], $0x2000  }
0x3d: {  	[sflag:s22] =	ssyncset.done $0x0  }
0x3e: {  	s15 =	rddreg [dreg:$0x7];
	[sflag:s22] =	ssyncadd.s32 $0xFFFFE000  }
0x3f: {  	[spmem:s15] =	stream.linear.scatter [tilespmem:s21], [sflag:$0x7], $0x2000, $0x38;
	[tilespmem:$0x1EC00] =	vst v63  }
0x40: {  	_ =	swait.ge [sflag:s22], $0x2000  }
0x41: {  	[sflag:s22] =	ssyncset.done $0x0  }
0x42: {  	s14 =	rddreg [dreg:$0x8];
	[sflag:s22] =	ssyncadd.s32 $0xFFFFE000  }
0x43: {  	[spmem:s14] =	stream.linear.scatter [tilespmem:s21], [sflag:$0x7], $0x2000, $0x38;
	[tilespmem:$0x1EC00] =	vst v63  }
0x44: {  	_ =	swait.ge [sflag:s22], $0x2000  }
0x45: {  	[sflag:s22] =	ssyncset.done $0x0  }
0x46: {  	s15 =	rddreg [dreg:$0x9];
	[sflag:s22] =	ssyncadd.s32 $0xFFFFE000  }
0x47: {  	[spmem:s15] =	stream.linear.scatter [tilespmem:s21], [sflag:$0x7], $0x2000, $0x38;
	[tilespmem:$0x1EC00] =	vst v63  }
0x48: {  	_ =	swait.ge [sflag:s22], $0x2000  }
0x49: {  	[sflag:s22] =	ssyncset.done $0x0  }
0x4a: {  	s14 =	rddreg [dreg:$0xa];
	[sflag:s22] =	ssyncadd.s32 $0xFFFFE000  }
0x4b: {  	[spmem:s14] =	stream.linear.scatter [tilespmem:s21], [sflag:$0x7], $0x2000, $0x38;
	[tilespmem:$0x1EC00] =	vst v63  }
0x4c: {  	_ =	swait.ge [sflag:s22], $0x2000  }
0x4d: {  	[sflag:s22] =	ssyncset.done $0x0  }
0x4e: {  	s15 =	rddreg [dreg:$0xb];
	[sflag:s22] =	ssyncadd.s32 $0xFFFFE000  }
0x4f: {  	[spmem:s15] =	stream.linear.scatter [tilespmem:s21], [sflag:$0x7], $0x2000, $0x38;
	[tilespmem:$0x1EC00] =	vst v63  }
0x50: {  	_ =	swait.ge [sflag:s22], $0x2000  }
0x51: {  	[sflag:s22] =	ssyncset.done $0x0  }
0x52: {  	s14 =	rddreg [dreg:$0xc];
	[sflag:s22] =	ssyncadd.s32 $0xFFFFE000  }
0x53: {  	[spmem:s14] =	stream.linear.scatter [tilespmem:s21], [sflag:$0x7], $0x1C00, $0x38;
	[tilespmem:$0x1EC00] =	vst v63  }
0x54: {  	_ =	swait.ge [sflag:s22], $0x1C00  }
0x55: {  	[sflag:s22] =	ssyncset.done $0x0  }
0x56: {  	[sflag:s22] =	ssyncadd.s32 $0xFFFFE400  }
0x57: {  	[bflag:$0x0] =	sbarrier.arrive $0xFFFF  }
0x58: {  	s15 =	rddreg [dreg:$0xd]  }
0x59: {  	[tilespmem:s3], [sflag:$0x7] =	stream.linear.gather [hbm4b:s15+s3], $0x2800, $0x38;
	[tilespmem:$0x1EC00] =	vst v63  }
0x5a: {  	_ =	swait.ge [sflag:s22], $0x2800  }
0x5b: {  	[sflag:s22] =	ssyncset.done $0x0  }
0x5c: {  	[sflag:s22] =	ssyncadd.s32 $0xFFFFD800  }
0x5d: {  	[tilespmem:s23], [sflag:$0x7] =	stream.linear.gather [hbm4b:s16+s3], $0x2800, $0x38;
	[tilespmem:$0x1EC00] =	vst v63  }
0x5e: {  	_ =	swait.ge [sflag:s22], $0x2800  }
0x5f: {  	[sflag:s22] =	ssyncset.done $0x0  }
0x60: {  	[sflag:s22] =	ssyncadd.s32 $0xFFFFD800  }
0x61: {  	[tilespmem:s21], [sflag:$0x1] =	stream.indirect.gather [hbm4b:s17+s25], $0x80, s3, s25, $0xb8;
	[tilespmem:$0x1EC00] =	vst v63  }
0x62: {  	_ = 	snop  }
0x63: {  	[tilespmem:s26], [sflag:$0x2] =	stream.indirect.gather [hbm4b:s17+s25], $0x80, s25, s25, $0xb8;
	[tilespmem:$0x1EC00] =	vst v63  }
0x64: {  	_ =	swait.ge [sflag:s28], $0x2000  }
0x65: {  	[sflag:s28] =	ssyncset.done $0x0  }
0x66: {  	[sflag:s28] =	ssyncadd.s32 $0xFFFFE000  }
0x67: {  	[spmem:s2] =	stream.indirect.scatter.add.f32 [tilespmem:s21], [sflag:$0x4], $0x80, s23, s25, $0xb8;
	[tilespmem:$0x1EC00] =	vst v63  }
0x68: {  	_ = 	snop  }
0x69: {  	[tilespmem:s30], [sflag:$0x3] =	stream.indirect.gather [hbm4b:s17+s25], $0x80, s29, s25, $0xb8;
	[tilespmem:$0x1EC00] =	vst v63  }
0x6a: {  	_ =	swait.ge [sflag:s31], $0x2000  }
0x6b: {  	[sflag:s31] =	ssyncset.done $0x0  }
0x6c: {  	[sflag:s31] =	ssyncadd.s32 $0xFFFFE000  }
0x6d: {  	[spmem:s2] =	stream.indirect.scatter.add.f32 [tilespmem:s26], [sflag:$0x5], $0x80, s0, s25, $0xb8;
	[tilespmem:$0x1EC00] =	vst v63  }
0x6e: {  	_ =	swait.ge [sflag:s1], $0x2000  }
0x6f: {  	[sflag:s1] =	ssyncset.done $0x0  }
0x70: {  	[sflag:s1] =	ssyncadd.s32 $0xFFFFE000  }
0x71: {  	[tilespmem:s21], [sflag:$0x1] =	stream.indirect.gather [hbm4b:s17+s25], $0x80, s4, s25, $0xb8;
	[tilespmem:$0x1EC00] =	vst v63  }
0x72: {  	_ =	swait.ge [sflag:s6], $0x2000  }
0x73: {  	[sflag:s6] =	ssyncset.done $0x0  }
0x74: {  	[sflag:s6] =	ssyncadd.s32 $0xFFFFE000  }
0x75: {  	[spmem:s2] =	stream.indirect.scatter.add.f32 [tilespmem:s30], [sflag:$0x6], $0x80, s7, s25, $0xb8;
	[tilespmem:$0x1EC00] =	vst v63  }
0x76: {  	_ =	swait.ge [sflag:s8], $0x2000  }
0x77: {  	[sflag:s8] =	ssyncset.done $0x0  }
0x78: {  	s13 =	simm.s32 $0x0;
	[sflag:s8] =	ssyncadd.s32 $0xFFFFE000  }
0x79: {  	[tilespmem:s26], [sflag:$0x2] =	stream.indirect.gather [hbm4b:s17+s25], $0x80, s9, s25, $0xb8;
	[tilespmem:$0x1EC00] =	vst v63  }
.LBB2_2:
0x7a: {  	_ =	swait.ge [sflag:s28], $0x2000  }
0x7b: {  	s14 =	sshra.s32 s13, $0x2;
	[sflag:s28] =	ssyncset.done $0x0  }
0x7c: {  	s15 =	sadd.s32 $0x28C0, s14;
	[sflag:s28] =	ssyncadd.s32 $0xFFFFE000  }
0x7d: {  	[spmem:s2] =	stream.indirect.scatter.add.f32 [tilespmem:s21], [sflag:$0x4], $0x80, s15, s25, $0xb8;
	[tilespmem:$0x1EC00] =	vst v63  }
0x7e: {  	_ =	swait.ge [sflag:s10], $0x2000  }
0x7f: {  	[sflag:s10] =	ssyncset.done $0x0  }
0x80: {  	s15 =	sadd.s32 $0x140, s14;
	[sflag:s10] =	ssyncadd.s32 $0xFFFFE000  }
0x81: {  	[tilespmem:s30], [sflag:$0x3] =	stream.indirect.gather [hbm4b:s17+s25], $0x80, s15, s25, $0xb8;
	[tilespmem:$0x1EC00] =	vst v63  }
0x82: {  	_ =	swait.ge [sflag:s31], $0x2000  }
0x83: {  	[sflag:s31] =	ssyncset.done $0x0  }
0x84: {  	s15 =	sadd.s32 $0x2900, s14;
	[sflag:s31] =	ssyncadd.s32 $0xFFFFE000  }
0x85: {  	[spmem:s2] =	stream.indirect.scatter.add.f32 [tilespmem:s26], [sflag:$0x5], $0x80, s15, s25, $0xb8;
	[tilespmem:$0x1EC00] =	vst v63  }
0x86: {  	_ =	swait.ge [sflag:s1], $0x2000  }
0x87: {  	[sflag:s1] =	ssyncset.done $0x0  }
0x88: {  	s15 =	sadd.s32 $0x180, s14;
	[sflag:s1] =	ssyncadd.s32 $0xFFFFE000  }
0x89: {  	[tilespmem:s21], [sflag:$0x1] =	stream.indirect.gather [hbm4b:s17+s25], $0x80, s15, s25, $0xb8;
	[tilespmem:$0x1EC00] =	vst v63  }
0x8a: {  	_ =	swait.ge [sflag:s6], $0x2000  }
0x8b: {  	p0 =	seq.s32 s13, $0x9900;
	[sflag:s6] =	ssyncset.done $0x0  }
.Ltmp2:
0x8c: {  	s15 =	sadd.s32 $0x2940, s14;
	[sflag:s6] =	ssyncadd.s32 $0xFFFFE000;
	(pc) =	sbr.rel @p0 .LBB2_4-.Ltmp2, $4  }
0x8d: {  	[spmem:s2] =	stream.indirect.scatter.add.f32 [tilespmem:s30], [sflag:$0x6], $0x80, s15, s25, $0xb8;
	[tilespmem:$0x1EC00] =	vst v63  }
0x8e: {  	_ =	swait.ge [sflag:s8], $0x2000  }
0x8f: {  	[sflag:s8] =	ssyncset.done $0x0  }
0x90: {  	[sflag:s8] =	ssyncadd.s32 $0xFFFFE000  }
.Ltmp3:
0x91: {  	(pc) =	sbr.rel .LBB2_2-.Ltmp3, $3  }
0x92: {  	_ =	sdelay $0x1  }
0x93: {  	s14 =	sadd.s32 $0x1C0, s14;
	s13 =	sadd.s32 $0x300, s13  }
0x94: {  	[tilespmem:s26], [sflag:$0x2] =	stream.indirect.gather [hbm4b:s17+s25], $0x80, s14, s25, $0xb8;
	[tilespmem:$0x1EC00] =	vst v63  }
.LBB2_4:
0x95: {  	_ =	swait.ge [sflag:s28], $0x2000  }
0x96: {  	[sflag:s28] =	ssyncset.done $0x0  }
0x97: {  	[sflag:s28] =	ssyncadd.s32 $0xFFFFE000  }
0x98: {  	[spmem:s2] =	stream.indirect.scatter.add.f32 [tilespmem:s21], [sflag:$0x4], $0x80, s11, s25, $0xb8;
	[tilespmem:$0x1EC00] =	vst v63  }
0x99: {  	_ =	swait.ge [sflag:s10], $0x2000  }
0x9a: {  	[sflag:s10] =	ssyncset.done $0x0  }
0x9b: {  	[sflag:s10] =	ssyncadd.s32 $0xFFFFE000  }
0x9c: {  	_ =	swait.ge [sflag:s1], $0x2000  }
0x9d: {  	[sflag:s1] =	ssyncset.done $0x0  }
0x9e: {  	s13 =	simm.s32 $0x0;
	[sflag:s1] =	ssyncadd.s32 $0xFFFFE000  }
0x9f: {  	[tilespmem:s13], [sflag:$0x7] =	stream.linear.gather [hbm4b:s18+s13], $0x2800, $0x38;
	[tilespmem:$0x1EC00] =	vst v63  }
0xa0: {  	_ =	swait.ge [sflag:s22], $0x2800  }
0xa1: {  	[sflag:s22] =	ssyncset.done $0x0  }
0xa2: {  	[sflag:s22] =	ssyncadd.s32 $0xFFFFD800  }
0xa3: {  	[tilespmem:s23], [sflag:$0x7] =	stream.linear.gather [hbm4b:s19+s13], $0x2800, $0x38;
	[tilespmem:$0x1EC00] =	vst v63  }
0xa4: {  	_ =	swait.ge [sflag:s22], $0x2800  }
0xa5: {  	[sflag:s22] =	ssyncset.done $0x0  }
0xa6: {  	[sflag:s22] =	ssyncadd.s32 $0xFFFFD800  }
0xa7: {  	[tilespmem:s21], [sflag:$0x1] =	stream.indirect.gather [hbm4b:s17+s25], $0x80, s13, s25, $0xb8;
	[tilespmem:$0x1EC00] =	vst v63  }
0xa8: {  	_ = 	snop  }
0xa9: {  	[tilespmem:s26], [sflag:$0x2] =	stream.indirect.gather [hbm4b:s17+s25], $0x80, s25, s25, $0xb8;
	[tilespmem:$0x1EC00] =	vst v63  }
0xaa: {  	_ =	swait.ge [sflag:s28], $0x2000  }
0xab: {  	[sflag:s28] =	ssyncset.done $0x0  }
0xac: {  	[sflag:s28] =	ssyncadd.s32 $0xFFFFE000  }
0xad: {  	[spmem:s2] =	stream.indirect.scatter.add.f32 [tilespmem:s21], [sflag:$0x4], $0x80, s23, s25, $0xb8;
	[tilespmem:$0x1EC00] =	vst v63  }
0xae: {  	_ = 	snop  }
0xaf: {  	[tilespmem:s30], [sflag:$0x3] =	stream.indirect.gather [hbm4b:s17+s25], $0x80, s29, s25, $0xb8;
	[tilespmem:$0x1EC00] =	vst v63  }
0xb0: {  	_ =	swait.ge [sflag:s31], $0x2000  }
0xb1: {  	[sflag:s31] =	ssyncset.done $0x0  }
0xb2: {  	[sflag:s31] =	ssyncadd.s32 $0xFFFFE000  }
0xb3: {  	[spmem:s2] =	stream.indirect.scatter.add.f32 [tilespmem:s26], [sflag:$0x5], $0x80, s0, s25, $0xb8;
	[tilespmem:$0x1EC00] =	vst v63  }
0xb4: {  	_ =	swait.ge [sflag:s1], $0x2000  }
0xb5: {  	[sflag:s1] =	ssyncset.done $0x0  }
0xb6: {  	[sflag:s1] =	ssyncadd.s32 $0xFFFFE000  }
0xb7: {  	[tilespmem:s21], [sflag:$0x1] =	stream.indirect.gather [hbm4b:s17+s25], $0x80, s4, s25, $0xb8;
	[tilespmem:$0x1EC00] =	vst v63  }
0xb8: {  	_ =	swait.ge [sflag:s6], $0x2000  }
0xb9: {  	[sflag:s6] =	ssyncset.done $0x0  }
0xba: {  	[sflag:s6] =	ssyncadd.s32 $0xFFFFE000  }
0xbb: {  	[spmem:s2] =	stream.indirect.scatter.add.f32 [tilespmem:s30], [sflag:$0x6], $0x80, s7, s25, $0xb8;
	[tilespmem:$0x1EC00] =	vst v63  }
0xbc: {  	_ =	swait.ge [sflag:s8], $0x2000  }
0xbd: {  	[sflag:s8] =	ssyncset.done $0x0  }
0xbe: {  	[sflag:s8] =	ssyncadd.s32 $0xFFFFE000  }
0xbf: {  	[tilespmem:s26], [sflag:$0x2] =	stream.indirect.gather [hbm4b:s17+s25], $0x80, s9, s25, $0xb8;
	[tilespmem:$0x1EC00] =	vst v63  }
.LBB2_5:
0xc0: {  	_ =	swait.ge [sflag:s28], $0x2000  }
0xc1: {  	s14 =	sshra.s32 s13, $0x2;
	[sflag:s28] =	ssyncset.done $0x0  }
0xc2: {  	s15 =	sadd.s32 $0x28C0, s14;
	[sflag:s28] =	ssyncadd.s32 $0xFFFFE000  }
0xc3: {  	[spmem:s2] =	stream.indirect.scatter.add.f32 [tilespmem:s21], [sflag:$0x4], $0x80, s15, s25, $0xb8;
	[tilespmem:$0x1EC00] =	vst v63  }
0xc4: {  	_ =	swait.ge [sflag:s10], $0x2000  }
0xc5: {  	[sflag:s10] =	ssyncset.done $0x0  }
0xc6: {  	s15 =	sadd.s32 $0x140, s14;
	[sflag:s10] =	ssyncadd.s32 $0xFFFFE000  }
0xc7: {  	[tilespmem:s30], [sflag:$0x3] =	stream.indirect.gather [hbm4b:s17+s25], $0x80, s15, s25, $0xb8;
	[tilespmem:$0x1EC00] =	vst v63  }
0xc8: {  	_ =	swait.ge [sflag:s31], $0x2000  }
0xc9: {  	[sflag:s31] =	ssyncset.done $0x0  }
0xca: {  	s15 =	sadd.s32 $0x2900, s14;
	[sflag:s31] =	ssyncadd.s32 $0xFFFFE000  }
0xcb: {  	[spmem:s2] =	stream.indirect.scatter.add.f32 [tilespmem:s26], [sflag:$0x5], $0x80, s15, s25, $0xb8;
	[tilespmem:$0x1EC00] =	vst v63  }
0xcc: {  	_ =	swait.ge [sflag:s1], $0x2000  }
0xcd: {  	[sflag:s1] =	ssyncset.done $0x0  }
0xce: {  	s15 =	sadd.s32 $0x180, s14;
	[sflag:s1] =	ssyncadd.s32 $0xFFFFE000  }
0xcf: {  	[tilespmem:s21], [sflag:$0x1] =	stream.indirect.gather [hbm4b:s17+s25], $0x80, s15, s25, $0xb8;
	[tilespmem:$0x1EC00] =	vst v63  }
0xd0: {  	_ =	swait.ge [sflag:s6], $0x2000  }
0xd1: {  	p0 =	seq.s32 s13, $0x9900;
	[sflag:s6] =	ssyncset.done $0x0  }
.Ltmp4:
0xd2: {  	s15 =	sadd.s32 $0x2940, s14;
	[sflag:s6] =	ssyncadd.s32 $0xFFFFE000;
	(pc) =	sbr.rel @p0 .LBB2_7-.Ltmp4, $4  }
0xd3: {  	[spmem:s2] =	stream.indirect.scatter.add.f32 [tilespmem:s30], [sflag:$0x6], $0x80, s15, s25, $0xb8;
	[tilespmem:$0x1EC00] =	vst v63  }
0xd4: {  	_ =	swait.ge [sflag:s8], $0x2000  }
0xd5: {  	[sflag:s8] =	ssyncset.done $0x0  }
0xd6: {  	[sflag:s8] =	ssyncadd.s32 $0xFFFFE000  }
.Ltmp5:
0xd7: {  	(pc) =	sbr.rel .LBB2_5-.Ltmp5, $3  }
0xd8: {  	_ =	sdelay $0x1  }
0xd9: {  	s14 =	sadd.s32 $0x1C0, s14;
	s13 =	sadd.s32 $0x300, s13  }
0xda: {  	[tilespmem:s26], [sflag:$0x2] =	stream.indirect.gather [hbm4b:s17+s25], $0x80, s14, s25, $0xb8;
	[tilespmem:$0x1EC00] =	vst v63  }
.LBB2_8:
0xdb: {  	_ =	sfence.sel $0x180000  }
0xdc: {  	[bflag:$0x0] =	sbarrier.arrive $0xFFFF  }
0xdd: {  	_ =	strace $0x9000004D  }
0xde: {  	s0 =	stileid.u32;
	[bflag:$0x2] =	sbarrier.arrive $0xFFFF  }
0xdf: {  	p0 =	sne.s32 s0, $0x0;
	s0 =	rddreg [dreg:$0x3]  }
0xe0: {  	s0 =	sadd.s32 @!p0 $0x100000, s0  }
0xe1: {  	[sflag:s0] =	ssyncadd.tile.s32 @!p0 $0x1;
	_ =	shalt  }
.Lfunc_end2:
_tile_overlayer_lowered:
.L_overlay_start_2:
0xe2: {  	(tag) =	ssettag $0x2  }
0xe3: {  	s0 =	rddreg [dreg:$0x0];
	s2 =	stileid.u32  }
0xe4: {  	s1 =	rddreg [dreg:$0x1];
	p0 =	sne.s32 s2, $0x0  }
0xe5: {  	s3 =	rddreg [dreg:$0x2];
	[bflag:$0x3] =	sbarrier.arrive $0xFFFF;
	s2 =	simm.s32 @!p0 $0x1C07  }
0xe6: {  	[timem:s3], [sflag:s2] =	dma.local @!p0 [hbm:s0], s1  }
0xe7: {  	s0 =	simm.s32 @!p0 $0x7  }
0xe8: {  	_ =	swait.ge @!p0 [sflag:s0], s1  }
0xe9: {  	s1 =	ssub.s32 @!p0 $0x0, s1;
	[sflag:s0] =	ssyncset.done @!p0 $0x0  }
0xea: {  	[sflag:s0] =	ssyncadd.s32 @!p0 s1  }
0xeb: {  	[bflag:$0x3] =	sbarrier.arrive $0xFFFF  }
0xec: {  	_ =	shalt  }

// kernel: kernel.9.cloned.1.call-start
scs
__scs_entry_jumppad:
0x0: {  	(pc) =	sbr.rel $0x88, $3  }
0x1: {  	(tag) =	ssettag $0x0;
	lr =	simm.s32 $0x1  }
0x2: {  	[smem:$0x3F93] =	sst lr;
	_ =	strace $0xD0000000  }
0x3: {  	_ = 	snop  }
0x4: {  	_ = 	snop  }
0x5: {  	_ = 	snop  }
0x6: {  	_ = 	snop  }
0x7: {  	_ = 	snop  }
__scs_overlays_trampoline_lowered:
0x8: {  	[smem:$0x3FA2] =	sst s0  }
0x9: {  	[smem:$0x3FA3] =	sst s1  }
0xa: {  	[smem:$0x3FA4] =	sst s2  }
0xb: {  	[smem:$0x3FA5] =	sst s3  }
0xc: {  	[smem:$0x3FA6] =	sst s4  }
0xd: {  	[smem:$0x3FA7] =	sst s5  }
0xe: {  	[smem:$0x3FA8] =	sst s6  }
0xf: {  	[smem:$0x3FA9] =	sst s7  }
0x10: {  	[smem:$0x3FAA] =	sst s8  }
0x11: {  	[smem:$0x3FAB] =	sst s9;
	s0 =	simm.s32 @!p0 $0x0  }
0x12: {  	s1 =	sld [smem:$0x3F91];
	s0 =	simm.s32 @p0 $0x1  }
0x13: {  	[smem:$0x3FAC] =	sst s0;
	s0 =	simm.s32 @!p1 $0x0  }
0x14: {  	s2 =	sld [smem:$0x3F90];
	s0 =	simm.s32 @p1 $0x1  }
0x15: {  	[smem:$0x3FAD] =	sst s0;
	s0 =	simm.s32 @!p2 $0x0  }
0x16: {  	s3 =	sld [smem:$0x3FDB];
	s0 =	simm.s32 @p2 $0x1  }
0x17: {  	s4 =	simm.s32 $0x1BF5;
	[smem:$0x3FAF] =	sst s0  }
0x18: {  	s0 =	sld [smem:$0x3F92];
	_ =	swait.ge [sflag:s4], $0x0  }
0x19: {  	s7 =	sld [smem:$0x3F93]  }
0x1a: {  	s8 =	sadd.s32 $0xFFFFE003, lr  }
0x1b: {  	s9 =	sadd.s32 $0xFFFFFEF7, lr;
	s5 =	simm.s32 $0xFFFFFFFF;
	p2 =	slt.u32 s8, $0xFFFFF086  }
0x1c: {  	p1 =	slt.u32 s9, $0xF7A;
	s5 =	simm.s32 @!p2 $0x0  }
0x1d: {  	s5 =	simm.s32 @p1 $0x1;
	p0 =	seq.s32 s7, s2  }
0x1e: {  	s7 =	smul.u32 @!p0 $0xF7A, s2;
	p2 =	seq.s32 @!p0 s5, $0x0  }
0x1f: {  	s9 =	smul.u32 $0xF7A, s1;
	s8 =	simm.s32 @!p0 $0x1BF5;
	p2 =	por !p2, p0  }
0x20: {  	[sflag:s8] =	ssyncset.s32 @!p0 $0xFFFFF086;
	s6 =	sadd.s32 @!p0 s3, s7;
	s7 =	simm.s32 @!p0 $0x108  }
0x21: {  	s3 =	sadd.s32 s3, s9;
	s6 =	sadd.s32 @!p0 $0x88, s6;
	s7 =	simm.s32 @p2 $0x1082  }
0x22: {  	[simem:s7], [sflag:s8] =	dma.local @!p0 [hbm:s6], $0xF7A  }
0x23: {  	s9 =	sor.u32 $0xD0000000, s2;
	s6 =	simm.s32 $0x108;
	_ =	swait.ge @!p0 [sflag:s8], $0x0  }
0x24: {  	s3 =	sadd.s32 $0x88, s3;
	s6 =	simm.s32 @!p1 $0x1082;
	[sflag:s4] =	ssyncset.s32 $0xFFFFF086  }
0x25: {  	[simem:s6], [sflag:s4] =	dma.local [hbm:s3], $0xF7A  }
0x26: {  	[smem:$0x3F93] =	sst s1;
	(tag) =	ssettag s2;
	_ =	strace s9  }
0x27: {  	s1 =	sld [smem:$0x3FA3]  }
0x28: {  	s2 =	sld [smem:$0x3FA4]  }
0x29: {  	s4 =	sld [smem:$0x3FA6]  }
0x2a: {  	p0 =	seq.s32 s5, $0x0;
	s5 =	sld [smem:$0x3FA7]  }
0x2b: {  	s6 =	sld [smem:$0x3FA8]  }
0x2c: {  	s7 =	sld [smem:$0x3FA9]  }
0x2d: {  	s3 =	simm.s32 $0x108;
	s8 =	sld [smem:$0x3FAA]  }
0x2e: {  	s3 =	simm.s32 @!p0 $0x1082;
	s9 =	sld [smem:$0x3FAB]  }
0x2f: {  	lr =	sadd.s32 s0, s3;
	s0 =	sld [smem:$0x3FA2]  }
0x30: {  	s3 =	sld [smem:$0x3FA5]  }
0x31: {  	[smem:$0x3FAE] =	sst s10  }
0x32: {  	s10 =	sld [smem:$0x3FAC];
	_ =	sdelay $0x3  }
0x33: {  	p0 =	seq.s32 s10, $0x1;
	s10 =	sld [smem:$0x3FAE];
	_ =	sdelay $0x3  }
0x34: {  	[smem:$0x3FAE] =	sst s10  }
0x35: {  	s10 =	sld [smem:$0x3FAD];
	_ =	sdelay $0x3  }
0x36: {  	p1 =	seq.s32 s10, $0x1;
	s10 =	sld [smem:$0x3FAE];
	_ =	sdelay $0x3  }
0x37: {  	[smem:$0x3FAE] =	sst s10  }
0x38: {  	s10 =	sld [smem:$0x3FAF]  }
0x39: {  	_ = 	snop;
	(pc) =	sbr.ind lr, $3  }
0x3a: {  	_ = 	snop  }
0x3b: {  	_ = 	snop  }
0x3c: {  	p2 =	seq.s32 s10, $0x1;
	s10 =	sld [smem:$0x3FAE]  }
0x3d: {  	_ =	shalt  }
0x3e: {  	_ =	shalt  }
0x3f: {  	_ =	shalt  }
0x40: {  	_ =	shalt  }
0x41: {  	_ =	shalt  }
0x42: {  	_ =	shalt  }
0x43: {  	_ =	shalt  }
0x44: {  	_ =	shalt  }
0x45: {  	_ =	shalt  }
0x46: {  	_ =	shalt  }
0x47: {  	_ =	shalt  }
0x48: {  	_ =	shalt  }
0x49: {  	_ =	shalt  }
0x4a: {  	_ =	shalt  }
0x4b: {  	_ =	shalt  }
0x4c: {  	_ =	shalt  }
0x4d: {  	_ =	shalt  }
0x4e: {  	_ =	shalt  }
0x4f: {  	_ =	shalt  }
0x50: {  	_ =	shalt  }
0x51: {  	_ =	shalt  }
0x52: {  	_ =	shalt  }
0x53: {  	_ =	shalt  }
0x54: {  	_ =	shalt  }
0x55: {  	_ =	shalt  }
0x56: {  	_ =	shalt  }
0x57: {  	_ =	shalt  }
0x58: {  	_ =	shalt  }
0x59: {  	_ =	shalt  }
0x5a: {  	_ =	shalt  }
0x5b: {  	_ =	shalt  }
0x5c: {  	_ =	shalt  }
0x5d: {  	_ =	shalt  }
0x5e: {  	_ =	shalt  }
0x5f: {  	_ =	shalt  }
0x60: {  	_ =	shalt  }
0x61: {  	_ =	shalt  }
0x62: {  	_ =	shalt  }
0x63: {  	_ =	shalt  }
0x64: {  	_ =	shalt  }
0x65: {  	_ =	shalt  }
0x66: {  	_ =	shalt  }
0x67: {  	_ =	shalt  }
0x68: {  	_ =	shalt  }
0x69: {  	_ =	shalt  }
0x6a: {  	_ =	shalt  }
0x6b: {  	_ =	shalt  }
0x6c: {  	_ =	shalt  }
0x6d: {  	_ =	shalt  }
0x6e: {  	_ =	shalt  }
0x6f: {  	_ =	shalt  }
0x70: {  	_ =	shalt  }
0x71: {  	_ =	shalt  }
0x72: {  	_ =	shalt  }
0x73: {  	_ =	shalt  }
0x74: {  	_ =	shalt  }
0x75: {  	_ =	shalt  }
0x76: {  	_ =	shalt  }
0x77: {  	_ =	shalt  }
0x78: {  	_ =	shalt  }
0x79: {  	_ =	shalt  }
0x7a: {  	_ =	shalt  }
0x7b: {  	_ =	shalt  }
0x7c: {  	_ =	shalt  }
0x7d: {  	_ =	shalt  }
0x7e: {  	_ =	shalt  }
0x7f: {  	_ =	shalt  }
0x80: {  	_ =	shalt  }
0x81: {  	_ =	shalt  }
0x82: {  	_ =	shalt  }
0x83: {  	_ =	shalt  }
0x84: {  	_ =	shalt  }
0x85: {  	_ =	shalt  }
0x86: {  	_ =	shalt  }
0x87: {  	_ =	shalt  }
.Lfunc_end0:
.L_simem_size_0:
called_computation_lowered:
.L_overlay_start_0:
0x88: {  	s2 =	sld [smem:$0x3FD9]  }
0x89: {  	s3 =	sld [smem:$0x3FFE];
	_ =	sdelay $0x1  }
0x8a: {  	s1 =	srdreg.scid  }
0x8b: {  	s0 =	sand.u32 $0x1, s1  }
0x8c: {  	s14 =	sshll.u32 s0, $0xA;
	s2 =	sadd.s32 s3, s2  }
0x8d: {  	s2 =	sadd.s32 s2, s14  }
0x8e: {  	[smem:$0x3FBA] =	sst s2  }
0x8f: {  	_ = 	snop  }
0x90: {  	s2 =	sld [smem:$0x3FD0];
	_ =	sdelay $0x2  }
0x91: {  	s15 =	simm.s32 $0xA;
	s4 =	simm.s32 $0x10  }
0x92: {  	[smem:s4], [sflag:s15] =	dma.local [hbm:s2], $0x1  }
0x93: {  	_ =	swait.eq [sflag:s15], $0x1  }
0x94: {  	[sflag:s15] =	ssyncset.done $0x0  }
0x95: {  	[sflag:s15] =	ssyncadd.s32 $0xFFFFFFFF  }
0x96: {  	s16 =	sld [smem:$0x11];
	(tm) =	ssettm $0x1  }
0x97: {  	s17 =	sld [smem:$0x3FFB];
	_ =	sdelay $0x3  }
0x98: {  	_ =	strace s17  }
0x99: {  	s3 =	sld [smem:$0x3FFC];
	_ =	sdelay $0x3  }
0x9a: {  	_ =	strace s3  }
0x9b: {  	s3 =	sld [smem:$0x3FFD];
	_ =	sdelay $0x3  }
0x9c: {  	_ =	strace s3  }
0x9d: {  	_ =	strace $0x8FFFFFFF  }
0x9e: {  	s18 =	sld [smem:$0x3FDB];
	_ =	sdelay $0x1  }
0x9f: {  	s19 =	simm.s32 $_scs_section_size  }
0xa0: {  	s5 =	simm.s32 $_size__tile_overlayer_lowered;
	s6 =	simm.s32 $_tile_overlayer_lowered  }
0xa1: {  	s22 =	simm.s32 $0x1BFF;
	s21 =	sshll.u32 s6, $0x1;
	s3 =	sadd.s32 s19, s18  }
0xa2: {  	s7 =	simm.s32 $0x0;
	s20 =	sshll.u32 s5, $0x1;
	s5 =	sadd.s32 s21, s3  }
0xa3: {  	[timem:s7], [sflag:s22] =	dma.local [hbm:s5], s20  }
0xa4: {  	_ =	swait.ge [sflag:s22], s20  }
0xa5: {  	s4 =	ssub.s32 $0x0, s20;
	[sflag:s22] =	ssyncset.done $0x0  }
0xa6: {  	[sflag:s22] =	ssyncadd.s32 s4;
	_ =	sdelay $0x1  }
0xa7: {  	s23 =	simm.s32 $0x1B8B  }
0xa8: {  	_ =	swait.ge [sflag:s23], $0x1  }
0xa9: {  	[sflag:s23] =	ssyncset.done $0x0  }
0xaa: {  	s25 =	simm.s32 $0x1B8E;
	s24 =	sld [smem:$0x3FFE];
	[sflag:s23] =	ssyncadd.s32 $0xFFFFFFFF  }
0xab: {  	s26 =	simm.s32 $execute0_lowered;
	[smem:$0x3FD2] =	sst s25  }
0xac: {  	s5 =	sshll.u32 s26, $0x1;
	_ =	strace $0x80000046;
	[dreg:$0x1] =	wrdreg $0xFFFFFFFF  }
0xad: {  	s28 =	simm.s32 $_size_execute0_lowered;
	s3 =	sadd.s32 s3, s5;
	[dreg:$0x0] =	wrdreg $0x0  }
0xae: {  	s5 =	sshll.u32 s28, $0x1;
	[dreg:$0x2] =	wrdreg s3  }
0xaf: {  	[dreg:$0x3] =	wrdreg s5  }
0xb0: {  	[dreg:$0x4] =	wrdreg $0xC0  }
0xb1: {  	_ =	task [dreg:s7], $0x5FFFF  }
0xb2: {  	[dreg:$0x1] =	wrdreg $0xFFFFFFFF  }
0xb3: {  	[dreg:$0x0] =	wrdreg $0x60  }
0xb4: {  	[dreg:$0x2] =	wrdreg s24  }
0xb5: {  	[dreg:$0x3] =	wrdreg s16  }
0xb6: {  	[dreg:$0x4] =	wrdreg $0x30000  }
0xb7: {  	[dreg:$0x5] =	wrdreg $0x9  }
0xb8: {  	_ =	task.clear_ibuf [dreg:s7], $0x6FFFF;
	_ =	strace $0x90000046  }
0xb9: {  	s29 =	simm.s32 $0x9;
	_ =	strace $0x80000048  }
0xba: {  	_ =	swait.ge [sflag:s29], $0x1  }
0xbb: {  	[sflag:s29] =	ssyncadd.s32 $0xFFFFFFFF  }
0xbc: {  	_ =	strace $0x90000048  }
0xbd: {  	_ =	sfence  }
0xbe: {  	s30 =	sld [smem:$0x0];
	_ =	sdelay $0x2  }
0xbf: {  	s31 =	sshll.u32 s1, $0xD;
	s1 =	sshrl.u32 s1, $0x2  }
0xc0: {  	s3 =	sand.u32 $0x4000, s31;
	s1 =	sadd.s32 s1, s30  }
0xc1: {  	s0 =	sor.u32 s3, s0;
	s1 =	sshll.u32 s1, $0x11  }
0xc2: {  	s0 =	sor.u32 s1, s0  }
0xc3: {  	s0 =	sadd.s32 $0x8F2B, s0  }
0xc4: {  	[sflag:s0] =	ssyncadd.remote.s32 $0x1  }
0xc5: {  	_ =	sfence.sel $0xFFFF  }
0xc6: {  	[dreg:$0x0] =	wrdreg $0xFFFFFFFF;
	(pc) =	sbr.abs _section_cstart, $3  }
0xc7: {  	[dreg:$0x1] =	wrdreg $0xFFFFFFFF  }
0xc8: {  	_ =	task.clear_ibuf [dreg:s7], $0x2FFFF;
	_ =	strace $0x9FFFFFFF  }
0xc9: {  	(tm) =	ssettm $0x7FFFFFFF  }
tec
execute0_lowered:
.L_overlay_start_1:
0x0: {  	(tag) =	ssettag $0x1  }
0x1: {  	s6 =	rddreg [dreg:$0x0]  }
0x2: {  	s0 =	srdreg.scid;
	s2 =	rddreg [dreg:$0x1]  }
0x3: {  	s3 =	rddreg [dreg:$0x2];
	s1 =	stileid.u32  }
0x4: {  	s4 =	simm.s32 $0x0;
	s15 =	simm.s32 $0x80;
	s19 =	simm.s32 $0x0  }
0x5: {  	s7 =	sand.u32 $0x1, s0;
	s0 =	rddreg [dreg:$0x3];
	s8 =	smul.u32 $0xA000, s1  }
0x6: {  	[smem:$0x7FF] =	sst s4;
	s12 =	smul.u32 $0x2800, s1;
	s31 =	sshll.u32 s1, $0x6  }
0x7: {  	s5 =	sshll.u32 s7, $0x4;
	_ =	strace $0x80000047;
	s9 =	smul.u32 $0x5000, s7  }
0x8: {  	s7 =	ssub.s32 $0x2, s7;
	s5 =	sor.u32 s1, s5;
	s8 =	sshrl.u32 s8, $0x2  }
0x9: {  	s30 =	sshrl.u32 s7, $0x1;
	s17 =	sshrl.u32 s12, $0x3;
	s5 =	smul.u32 $0x500, s5  }
0xa: {  	s13 =	sadd.s32 s9, s6;
	s10 =	sadd.s32 s8, s3;
	s14 =	ssub.s32 s7, s30  }
0xb: {  	s7 =	sadd.s32 $0x800, s10;
	s8 =	sadd.s32 $0x1000, s10;
	s9 =	sadd.s32 $0x1800, s10  }
0xc: {  	s10 =	sadd.s32 $0x2000, s10;
	s16 =	sadd.s32 $0xCC00, s13;
	s13 =	simm.s32 $0x2800  }
0xd: {  	s11 =	sadd.s32 s5, s6;
	s5 =	sadd.s32 $0xCA00, s6;
	s6 =	sadd.s32 s12, s3  }
0xe: {  	s12 =	smax.u32 s14, $0x1;
	s14 =	simm.s32 $0x1;
	s16 =	sadd.s32 s17, s16  }
0xf: {  	s17 =	sor.u32 $0x1C01, s31;
	s11 =	sadd.s32 $0x2A00, s11;
	s18 =	sshrl.u32 s6, $0x3  }
.LBB2_1:
0x10: {  	[tilespmem:s13], [sflag:$0x1] =	stream.linear.gather [hbm4b:s2+s4], $0x800, $0x38;
	[tilespmem:$0x5800] =	vst v63  }
0x11: {  	_ =	swait.ge [sflag:s14], $0x800  }
0x12: {  	[sflag:s14] =	ssyncset.done $0x0  }
0x13: {  	[sflag:s14] =	ssyncadd.s32 $0xFFFFF800  }
0x14: {  	[spmem:s6] =	stream.linear.scatter [tilespmem:s13], [sflag:$0x1], $0x800, $0x38;
	[tilespmem:$0x5800] =	vst v63  }
0x15: {  	_ =	swait.ge [sflag:s14], $0x800  }
0x16: {  	[sflag:s14] =	ssyncset.done $0x0  }
0x17: {  	[sflag:s14] =	ssyncadd.s32 $0xFFFFF800  }
0x18: {  	[spmem:s7] =	stream.linear.scatter [tilespmem:s13], [sflag:$0x1], $0x800, $0x38;
	[tilespmem:$0x5800] =	vst v63  }
0x19: {  	_ =	swait.ge [sflag:s14], $0x800  }
0x1a: {  	[sflag:s14] =	ssyncset.done $0x0  }
0x1b: {  	[sflag:s14] =	ssyncadd.s32 $0xFFFFF800  }
0x1c: {  	[spmem:s8] =	stream.linear.scatter [tilespmem:s13], [sflag:$0x1], $0x800, $0x38;
	[tilespmem:$0x5800] =	vst v63  }
0x1d: {  	_ =	swait.ge [sflag:s14], $0x800  }
0x1e: {  	[sflag:s14] =	ssyncset.done $0x0  }
0x1f: {  	[sflag:s14] =	ssyncadd.s32 $0xFFFFF800  }
0x20: {  	[spmem:s9] =	stream.linear.scatter [tilespmem:s13], [sflag:$0x1], $0x800, $0x38;
	[tilespmem:$0x5800] =	vst v63  }
0x21: {  	_ =	swait.ge [sflag:s14], $0x800  }
0x22: {  	[sflag:s14] =	ssyncset.done $0x0  }
0x23: {  	[sflag:s14] =	ssyncadd.s32 $0xFFFFF800  }
0x24: {  	[spmem:s10] =	stream.linear.scatter [tilespmem:s13], [sflag:$0x1], $0x800, $0x38;
	[tilespmem:$0x5800] =	vst v63  }
0x25: {  	_ =	swait.ge [sflag:s14], $0x800  }
0x26: {  	[sflag:s14] =	ssyncset.done $0x0  }
0x27: {  	[sflag:s14] =	ssyncadd.s32 $0xFFFFF800  }
0x28: {  	[tilespmem:s4], [sflag:$0x1] =	stream.linear.gather [hbm4b:s11+s4], $0x2800, $0x38;
	[tilespmem:$0x5800] =	vst v63  }
0x29: {  	_ =	swait.ge [sflag:s14], $0x2800  }
0x2a: {  	[sflag:s14] =	ssyncset.done $0x0  }
0x2b: {  	[sflag:s14] =	ssyncadd.s32 $0xFFFFD800  }
0x2c: {  	[bflag:$0x0] =	sbarrier.arrive $0xFFFF  }
0x2d: {  	[tilespmem:s13], [sflag:$0x1] =	stream.linear.gather [hbm4b:s5+s4], $0x800, $0x38;
	[tilespmem:$0x5800] =	vst v63  }
0x2e: {  	_ =	swait.ge [sflag:s14], $0x800  }
0x2f: {  	[sflag:s14] =	ssyncset.done $0x0  }
0x30: {  	s20 =	simm.s32 $0x0;
	[sflag:s14] =	ssyncadd.s32 $0xFFFFF800  }
0x31: {  	[spmem:s3] =	stream.indirect.scatter.add.f32 [tilespmem:s13], [sflag:$0x1], $0x10, s20, s15, $0xb8;
	[tilespmem:$0x5800] =	vst v63  }
0x32: {  	_ =	swait.ge [sflag:s14], $0x800  }
0x33: {  	s20 =	simm.s32 $0x200;
	[sflag:s14] =	ssyncset.done $0x0  }
.LBB2_2:
0x34: {  	s21 =	sshra.s32 s20, $0x2;
	[sflag:s14] =	ssyncadd.s32 $0xFFFFF800;
	p0 =	sne.s32 s20, $0x9E00  }
0x35: {  	[spmem:s3] =	stream.indirect.scatter.add.f32 [tilespmem:s13], [sflag:$0x1], $0x10, s21, s15, $0xb8;
	[tilespmem:$0x5800] =	vst v63  }
.Ltmp0:
0x36: {  	_ = 	snop;
	(pc) =	sbr.rel @p0 .LBB2_2-.Ltmp0, $4  }
0x37: {  	_ = 	snop  }
0x38: {  	s20 =	sadd.s32 $0x200, s20  }
0x39: {  	_ =	swait.ge [sflag:s14], $0x800  }
0x3a: {  	[sflag:s14] =	ssyncset.done $0x0  }
0x3b: {  	s19 =	sadd.s32 $0x1, s19  }
0x3c: {  	[sflag:s14] =	ssyncadd.s32 $0xFFFFF800;
	p0 =	sne.s32 s19, s12  }
.Ltmp1:
0x3d: {  	[bflag:$0x0] =	sbarrier.arrive $0xFFFF;
	(pc) =	sbr.rel @p0 .LBB2_1-.Ltmp1, $4  }
0x3e: {  	[hbm:s16], [sflag:s17] =	dma.local [spmem:s18], $0x500  }
0x3f: {  	_ =	swait.ge [sflag:s14], $0x500  }
0x40: {  	[sflag:s14] =	ssyncset.done $0x0  }
0x41: {  	[sflag:s14] =	ssyncadd.s32 $0xFFFFFB00  }
0x42: {  	_ =	sfence.sel $0x180000  }
0x43: {  	[bflag:$0x0] =	sbarrier.arrive $0xFFFF  }
0x44: {  	p0 =	sne.s32 s1, $0x0;
	_ =	strace $0x90000047  }
0x45: {  	s0 =	sadd.s32 @!p0 $0x100000, s0;
	[bflag:$0x2] =	sbarrier.arrive $0xFFFF  }
0x46: {  	[sflag:s0] =	ssyncadd.tile.s32 @!p0 $0x1;
	_ =	shalt  }
.Lfunc_end2:
_tile_overlayer_lowered:
.L_overlay_start_2:
0x47: {  	(tag) =	ssettag $0x2  }
0x48: {  	s0 =	rddreg [dreg:$0x0];
	s2 =	stileid.u32  }
0x49: {  	s1 =	rddreg [dreg:$0x1];
	p0 =	sne.s32 s2, $0x0  }
0x4a: {  	s3 =	rddreg [dreg:$0x2];
	[bflag:$0x3] =	sbarrier.arrive $0xFFFF;
	s2 =	simm.s32 @!p0 $0x1C01  }
0x4b: {  	[timem:s3], [sflag:s2] =	dma.local @!p0 [hbm:s0], s1  }
0x4c: {  	s0 =	simm.s32 @!p0 $0x1  }
0x4d: {  	_ =	swait.ge @!p0 [sflag:s0], s1  }
0x4e: {  	s1 =	ssub.s32 @!p0 $0x0, s1;
	[sflag:s0] =	ssyncset.done @!p0 $0x0  }
0x4f: {  	[sflag:s0] =	ssyncadd.s32 @!p0 s1  }
0x50: {  	[bflag:$0x3] =	sbarrier.arrive $0xFFFF  }
0x51: {  	_ =	shalt  }

</sc_bundles>
